<compile_context>
chip_gen: v7x
topology: tpu7x:2x2x1
jax: 0.10.2.dev20260603
libtpu: 0.0.44.dev20260713+nightly
codegen_flags: <defaults>
</compile_context>

<pallas_src>
import functools

import jax
import jax.numpy as jnp
from jax import lax
from jax.experimental import pallas as pl
from jax.experimental.pallas import tpu as pltpu
from jax.experimental.pallas import tpu_sc as plsc

_T = 100000
_J = 29
_NB = 30
_B = 4096
_OBS = 480
_H1, _H2, _H3 = 512, 256, 128
_ACT = 29

_NC, _NS, _L = 2, 16, 16
_NW = _NC * _NS
_BPW = _B // _NW

_WIDTHS = (_J, _J, _NB * 3, _NB * 4, _NB * 3, _NB * 3)


def _gather_body(ts_hbm, t0, t1, t2, t3, t4, t5,
                 o0, o1, o2, o3, o4, o5,
                 idx_v, r0, r1, r2, r3, r4, r5, sem):
    wid = lax.axis_index("s") * _NC + lax.axis_index("c")
    base = wid * _BPW
    tabs = (t0, t1, t2, t3, t4, t5)
    outs = (o0, o1, o2, o3, o4, o5)
    rows = (r0, r1, r2, r3, r4, r5)
    pltpu.sync_copy(ts_hbm.at[pl.ds(base, _BPW)], idx_v)
    iota = lax.iota(jnp.int32, _L)

    def group(g, _):
        vec = jnp.minimum(idx_v[pl.ds(g * _L, _L)], _T - 1)
        for i in range(_L):
            t = lax.reduce_max(jnp.where(iota == i, vec, 0), (0,))
            r = g * _L + i
            for tab, rv in zip(tabs, rows):
                pltpu.async_copy(tab.at[pl.ds(t, 1)], rv.at[pl.ds(r, 1)],
                                 sem)
        return ()

    lax.fori_loop(0, _BPW // _L, group, (), unroll=False)
    for tab, rv in zip(tabs, rows):
        pltpu.make_async_copy(tab.at[pl.ds(0, _BPW)], rv, sem).wait()
    for rv, o in zip(rows, outs):
        pltpu.sync_copy(rv, o.at[pl.ds(base, _BPW)])


_gather = pl.kernel(
    _gather_body,
    out_type=tuple(jax.ShapeDtypeStruct((_B, w), jnp.float32)
                   for w in _WIDTHS),
    mesh=plsc.VectorSubcoreMesh(core_axis_name="c", subcore_axis_name="s"),
    scratch_types=[pltpu.VMEM((_BPW,), jnp.int32)]
    + [pltpu.VMEM((_BPW, w), jnp.float32) for w in _WIDTHS]
    + [pltpu.SemaphoreType.DMA],
    compiler_params=pltpu.CompilerParams(needs_layout_passes=False),
)


def _elu(x):
    return jnp.where(x > 0, x, jnp.exp(jnp.minimum(x, 0.0)) - 1.0)


def _mlp_body(obs_ref, w1, b1, w2, b2, w3, b3, w4, b4, out_ref):
    h = _elu(jnp.dot(obs_ref[...], w1[...], preferred_element_type=jnp.float32)
             + b1[...])
    h = _elu(jnp.dot(h, w2[...], preferred_element_type=jnp.float32) + b2[...])
    h = _elu(jnp.dot(h, w3[...], preferred_element_type=jnp.float32) + b3[...])
    out_ref[...] = (jnp.dot(h, w4[...], preferred_element_type=jnp.float32)
                    + b4[...])


_BM = 512


def _mlp(obs, W1, b1, W2, b2, W3, b3, W4, b4):
    full = lambda r, c: pl.BlockSpec((r, c), lambda i: (0, 0))
    return pl.pallas_call(
        _mlp_body,
        grid=(_B // _BM,),
        in_specs=[
            pl.BlockSpec((_BM, _OBS), lambda i: (i, 0)),
            full(_OBS, _H1), full(1, _H1),
            full(_H1, _H2), full(1, _H2),
            full(_H2, _H3), full(1, _H3),
            full(_H3, _ACT), full(1, _ACT),
        ],
        out_specs=pl.BlockSpec((_BM, _ACT), lambda i: (i, 0)),
        out_shape=jax.ShapeDtypeStruct((_B, _ACT), jnp.float32),
    )(obs, W1, b1.reshape(1, _H1), W2, b2.reshape(1, _H2),
      W3, b3.reshape(1, _H3), W4, b4.reshape(1, _ACT))


def kernel(obs, W1, b1, W2, b2, W3, b3, W4, b4, joint_pos, joint_vel,
           body_pos_w, body_quat_w, body_lin_vel_w, body_ang_vel_w, time_step):
    ts = time_step.reshape(_B).astype(jnp.int32)
    g = _gather(ts, joint_pos, joint_vel,
                body_pos_w.reshape(_T, _NB * 3),
                body_quat_w.reshape(_T, _NB * 4),
                body_lin_vel_w.reshape(_T, _NB * 3),
                body_ang_vel_w.reshape(_T, _NB * 3))
    policy_out = _mlp(obs, W1, b1, W2, b2, W3, b3, W4, b4)
    return (policy_out,
            g[0], g[1],
            g[2].reshape(_B, _NB, 3),
            g[3].reshape(_B, _NB, 4),
            g[4].reshape(_B, _NB, 3),
            g[5].reshape(_B, _NB, 3))

# --- scband reference (transcript-rebuilt; emitter-appended) ---
"""Pipeline reference for scband-onnx-motion-model-16484084483161 (READ-ONLY COPY).

The authoritative reference and input builder live on the scoring server;
editing this copy changes nothing except your own understanding.
"""

import jax, jax.numpy as jnp
import numpy as np

T = 100000   # time_step_total (motion frames)
J = 29       # num joints
NB = 30      # num bodies
B = 4096     # batch (parallel envs)
OBS = 480    # policy observation dim
H1, H2, H3 = 512, 256, 128
ACT = 29     # action dim


def setup_inputs(seed: int = 0) -> dict:
    key = jax.random.key(seed)
    ks = jax.random.split(key, 18)
    obs = jax.random.normal(ks[0], (B, OBS), dtype=jnp.float32)
    time_step = jax.random.randint(ks[1], (B, 1), 0, T, dtype=jnp.int32)
    def lin(k, fin, fout):
        return jax.random.normal(k, (fin, fout), dtype=jnp.float32) / np.sqrt(fin)
    W1 = lin(ks[2], OBS, H1); b1 = jnp.zeros((H1,), jnp.float32)
    W2 = lin(ks[3], H1, H2);  b2 = jnp.zeros((H2,), jnp.float32)
    W3 = lin(ks[4], H2, H3);  b3 = jnp.zeros((H3,), jnp.float32)
    W4 = lin(ks[5], H3, ACT); b4 = jnp.zeros((ACT,), jnp.float32)
    joint_pos = jax.random.normal(ks[6], (T, J), dtype=jnp.float32)
    joint_vel = jax.random.normal(ks[7], (T, J), dtype=jnp.float32)
    body_pos_w = jax.random.normal(ks[8], (T, NB, 3), dtype=jnp.float32)
    q = jax.random.normal(ks[9], (T, NB, 4), dtype=jnp.float32)
    body_quat_w = q / (jnp.linalg.norm(q, axis=-1, keepdims=True) + 1e-8)
    body_lin_vel_w = jax.random.normal(ks[10], (T, NB, 3), dtype=jnp.float32)
    body_ang_vel_w = jax.random.normal(ks[11], (T, NB, 3), dtype=jnp.float32)
    return {
        'obs': obs,
        'W1': W1, 'b1': b1, 'W2': W2, 'b2': b2,
        'W3': W3, 'b3': b3, 'W4': W4, 'b4': b4,
        'joint_pos': joint_pos, 'joint_vel': joint_vel,
        'body_pos_w': body_pos_w, 'body_quat_w': body_quat_w,
        'body_lin_vel_w': body_lin_vel_w, 'body_ang_vel_w': body_ang_vel_w,
        'time_step': time_step,
    }


def reference(obs, W1, b1, W2, b2, W3, b3, W4, b4,
              joint_pos, joint_vel, body_pos_w, body_quat_w,
              body_lin_vel_w, body_ang_vel_w, time_step):
    # time_step.long().squeeze(-1), clamp(max=T-1)
    ts = jnp.minimum(time_step.astype(jnp.int32).squeeze(-1), T - 1)
    # policy (ONNX-exported actor == MLP with ELU activations)
    h = jax.nn.elu(obs @ W1 + b1)
    h = jax.nn.elu(h @ W2 + b2)
    h = jax.nn.elu(h @ W3 + b3)
    policy_out = h @ W4 + b4
    # motion reference gathers (SparseCore-friendly row gathers)
    return (policy_out,
            jnp.take(joint_pos, ts, axis=0),
            jnp.take(joint_vel, ts, axis=0),
            jnp.take(body_pos_w, ts, axis=0),
            jnp.take(body_quat_w, ts, axis=0),
            jnp.take(body_lin_vel_w, ts, axis=0),
            jnp.take(body_ang_vel_w, ts, axis=0))

if __name__ == "__main__":
    import jax
    _d = setup_inputs()
    print(jax.jit(kernel)(*tuple(_d.values())))

</pallas_src>

<mosaic_0001>
#map = affine_map<(d0, d1) -> (0)>
#map1 = affine_map<(d0, d1) -> (0, 0)>
module attributes {stable_mosaic.version = 14 : i64} {
  func.func @_gather_body(%arg0: i32, %arg1: i32, %arg2: memref<4096xi32, #tpu.memory_space<hbm>>, %arg3: memref<100000x29xf32, #tpu.memory_space<hbm>>, %arg4: memref<100000x29xf32, #tpu.memory_space<hbm>>, %arg5: memref<100000x90xf32, #tpu.memory_space<hbm>>, %arg6: memref<100000x120xf32, #tpu.memory_space<hbm>>, %arg7: memref<100000x90xf32, #tpu.memory_space<hbm>>, %arg8: memref<100000x90xf32, #tpu.memory_space<hbm>>, %arg9: memref<4096x29xf32, #tpu.memory_space<hbm>>, %arg10: memref<4096x29xf32, #tpu.memory_space<hbm>>, %arg11: memref<4096x90xf32, #tpu.memory_space<hbm>>, %arg12: memref<4096x120xf32, #tpu.memory_space<hbm>>, %arg13: memref<4096x90xf32, #tpu.memory_space<hbm>>, %arg14: memref<4096x90xf32, #tpu.memory_space<hbm>>, %arg15: memref<128xi32, #tpu.memory_space<vmem>>, %arg16: memref<128x29xf32, #tpu.memory_space<vmem>>, %arg17: memref<128x29xf32, #tpu.memory_space<vmem>>, %arg18: memref<128x90xf32, #tpu.memory_space<vmem>>, %arg19: memref<128x120xf32, #tpu.memory_space<vmem>>, %arg20: memref<128x90xf32, #tpu.memory_space<vmem>>, %arg21: memref<128x90xf32, #tpu.memory_space<vmem>>, %arg22: memref<!tpu.dma_semaphore, #tpu.memory_space<semaphore_mem>>) attributes {dimension_semantics = [#tpu.dimension_semantics<core_parallel>, #tpu.dimension_semantics<subcore_parallel>], iteration_bounds = array<i64: 2, 16>, scalar_prefetch = 0 : i64, scratch_operands = 8 : i64, tpu.core_type = #tpu.core_type<sc_vector_subcore>, window_params = [{transform_indices = #map}, {transform_indices = #map1}, {transform_indices = #map1}, {transform_indices = #map1}, {transform_indices = #map1}, {transform_indices = #map1}, {transform_indices = #map1}, {transform_indices = #map1}, {transform_indices = #map1}, {transform_indices = #map1}, {transform_indices = #map1}, {transform_indices = #map1}, {transform_indices = #map1}]} {
    %mul3A = arith.constant 2 : i32
    %mul3A_0 = arith.muli %arg1, %mul3A : i32
    %add3A = arith.addi %mul3A_0, %arg0 : i32
    %mul3A_1 = arith.constant 128 : i32
    %mul3A_2 = arith.muli %add3A, %mul3A_1 : i32
    "tpu.region"() ({
      %run_scoped3A = tpu.sem_alloc : memref<!tpu.dma_semaphore, #tpu.memory_space<semaphore_mem>>
      %dma_start3A = tpu.memref_slice %arg2[%mul3A_2] : memref<4096xi32, #tpu.memory_space<hbm>> -> memref<128xi32, #tpu.memory_space<hbm>>
      %dma_start3A_42 = tpu.memref_slice %arg2[%mul3A_2] : memref<4096xi32, #tpu.memory_space<hbm>> -> memref<128xi32, #tpu.memory_space<hbm>>
      tpu.enqueue_dma source(%dma_start3A_42 : memref<128xi32, #tpu.memory_space<hbm>>) target(%arg15 : memref<128xi32, #tpu.memory_space<vmem>>) target_semaphore(%run_scoped3A : memref<!tpu.dma_semaphore, #tpu.memory_space<semaphore_mem>>)
      %dma_wait3A_43 = tpu.memref_slice %arg2[%mul3A_2] : memref<4096xi32, #tpu.memory_space<hbm>> -> memref<128xi32, #tpu.memory_space<hbm>>
      %dma_wait3A_44 = tpu.memref_slice %arg2[%mul3A_2] : memref<4096xi32, #tpu.memory_space<hbm>> -> memref<128xi32, #tpu.memory_space<hbm>>
      tpu.wait_dma2 semaphore(%run_scoped3A : memref<!tpu.dma_semaphore, #tpu.memory_space<semaphore_mem>>) src(%dma_wait3A_44 : memref<128xi32, #tpu.memory_space<hbm>>) dst(%arg15 : memref<128xi32, #tpu.memory_space<vmem>>)
      tpu.yield
    }) : () -> ()
    %iota3A = tpu.iota {dimensions = array<i32: 0>} : vector<16xi32>
    %scan3A = arith.constant 0 : i32
    %scan3A_3 = arith.constant 8 : i32
    %scan3A_4 = arith.addi %scan3A, %scan3A_3 : i32
    %scan3A_5 = arith.constant 1 : i32
    scf.for %scan3A_42 = %scan3A to %scan3A_4 step %scan3A_5  : i32 {
      %mul3A_43 = arith.constant 16 : i32
      %mul3A_44 = arith.muli %scan3A_42, %mul3A_43 : i32
      %get3A = arith.index_cast %mul3A_44 : i32 to index
      %get3A_45 = tpu.vector_load %arg15[%get3A] {strides = array<i32>} : memref<128xi32, #tpu.memory_space<vmem>>, vector<16xi32>,
      %min3A = arith.constant 99999 : i32
      %min3A_46 = vector.broadcast %min3A : i32 to vector<16xi32>
      %min3A_47 = arith.minsi %get3A_45, %min3A_46 : vector<16xi32>
      %eq3A = arith.constant 0 : i32
      %eq3A_48 = vector.broadcast %eq3A : i32 to vector<16xi32>
      %eq3A_49 = arith.cmpi eq, %iota3A, %eq3A_48 : vector<16xi32>
      %jit3A = arith.constant 0 : i32
      %broadcast_in_dim3A = vector.broadcast %jit3A : i32 to vector<16xi32>
      %select_n3A = arith.select %eq3A_49, %min3A_47, %broadcast_in_dim3A : vector<16xi1>, vector<16xi32>
      %reduce_max3A = arith.constant true
      %reduce_max3A_50 = vector.broadcast %reduce_max3A : i1 to vector<16xi1>
      %reduce_max3A_51 = arith.constant -2147483648 : i32
      %reduce_max3A_52 = vector.broadcast %reduce_max3A_51 : i32 to vector<16xi32>
      %reduce_max3A_53 = arith.xori %select_n3A, %reduce_max3A_52 : vector<16xi32>
      %reduce_max3A_54 = tpu.scan <max>, %reduce_max3A_53 masked %reduce_max3A_50 : vector<16xi32>, vector<16xi1> -> vector<16xi32>
      %reduce_max3A_55 = arith.xori %reduce_max3A_54, %reduce_max3A_52 : vector<16xi32>
      %reduce_max3A_56 = vector.extract %reduce_max3A_55[15] : i32 from vector<16xi32>
      %mul3A_57 = arith.constant 16 : i32
      %mul3A_58 = arith.muli %scan3A_42, %mul3A_57 : i32
      %add3A_59 = arith.constant 0 : i32
      %add3A_60 = arith.addi %mul3A_58, %add3A_59 : i32
      %dma_start3A = arith.constant 0 : i32
      %dma_start3A_61 = tpu.memref_slice %arg16[%add3A_60, %dma_start3A] : memref<128x29xf32, #tpu.memory_space<vmem>> -> memref<1x29xf32, #tpu.memory_space<vmem>>
      %dma_start3A_62 = arith.constant 0 : i32
      %dma_start3A_63 = tpu.memref_slice %arg3[%reduce_max3A_56, %dma_start3A_62] : memref<100000x29xf32, #tpu.memory_space<hbm>> -> memref<1x29xf32, #tpu.memory_space<hbm>>
      %dma_start3A_64 = arith.constant 0 : i32
      %dma_start3A_65 = tpu.memref_slice %arg16[%add3A_60, %dma_start3A_64] : memref<128x29xf32, #tpu.memory_space<vmem>> -> memref<1x29xf32, #tpu.memory_space<vmem>>
      %dma_start3A_66 = arith.constant 0 : i32
      %dma_start3A_67 = tpu.memref_slice %arg3[%reduce_max3A_56, %dma_start3A_66] : memref<100000x29xf32, #tpu.memory_space<hbm>> -> memref<1x29xf32, #tpu.memory_space<hbm>>
      tpu.enqueue_dma source(%dma_start3A_67 : memref<1x29xf32, #tpu.memory_space<hbm>>) target(%dma_start3A_65 : memref<1x29xf32, #tpu.memory_space<vmem>>) target_semaphore(%arg22 : memref<!tpu.dma_semaphore, #tpu.memory_space<semaphore_mem>>)
      %dma_start3A_68 = arith.constant 0 : i32
      %dma_start3A_69 = tpu.memref_slice %arg17[%add3A_60, %dma_start3A_68] : memref<128x29xf32, #tpu.memory_space<vmem>> -> memref<1x29xf32, #tpu.memory_space<vmem>>
      %dma_start3A_70 = arith.constant 0 : i32
      %dma_start3A_71 = tpu.memref_slice %arg4[%reduce_max3A_56, %dma_start3A_70] : memref<100000x29xf32, #tpu.memory_space<hbm>> -> memref<1x29xf32, #tpu.memory_space<hbm>>
      %dma_start3A_72 = arith.constant 0 : i32
      %dma_start3A_73 = tpu.memref_slice %arg17[%add3A_60, %dma_start3A_72] : memref<128x29xf32, #tpu.memory_space<vmem>> -> memref<1x29xf32, #tpu.memory_space<vmem>>
      %dma_start3A_74 = arith.constant 0 : i32
      %dma_start3A_75 = tpu.memref_slice %arg4[%reduce_max3A_56, %dma_start3A_74] : memref<100000x29xf32, #tpu.memory_space<hbm>> -> memref<1x29xf32, #tpu.memory_space<hbm>>
      tpu.enqueue_dma source(%dma_start3A_75 : memref<1x29xf32, #tpu.memory_space<hbm>>) target(%dma_start3A_73 : memref<1x29xf32, #tpu.memory_space<vmem>>) target_semaphore(%arg22 : memref<!tpu.dma_semaphore, #tpu.memory_space<semaphore_mem>>)
      %dma_start3A_76 = arith.constant 0 : i32
      %dma_start3A_77 = tpu.memref_slice %arg18[%add3A_60, %dma_start3A_76] : memref<128x90xf32, #tpu.memory_space<vmem>> -> memref<1x90xf32, #tpu.memory_space<vmem>>
      %dma_start3A_78 = arith.constant 0 : i32
      %dma_start3A_79 = tpu.memref_slice %arg5[%reduce_max3A_56, %dma_start3A_78] : memref<100000x90xf32, #tpu.memory_space<hbm>> -> memref<1x90xf32, #tpu.memory_space<hbm>>
      %dma_start3A_80 = arith.constant 0 : i32
      %dma_start3A_81 = tpu.memref_slice %arg18[%add3A_60, %dma_start3A_80] : memref<128x90xf32, #tpu.memory_space<vmem>> -> memref<1x90xf32, #tpu.memory_space<vmem>>
      %dma_start3A_82 = arith.constant 0 : i32
      %dma_start3A_83 = tpu.memref_slice %arg5[%reduce_max3A_56, %dma_start3A_82] : memref<100000x90xf32, #tpu.memory_space<hbm>> -> memref<1x90xf32, #tpu.memory_space<hbm>>
      tpu.enqueue_dma source(%dma_start3A_83 : memref<1x90xf32, #tpu.memory_space<hbm>>) target(%dma_start3A_81 : memref<1x90xf32, #tpu.memory_space<vmem>>) target_semaphore(%arg22 : memref<!tpu.dma_semaphore, #tpu.memory_space<semaphore_mem>>)
      %dma_start3A_84 = arith.constant 0 : i32
      %dma_start3A_85 = tpu.memref_slice %arg19[%add3A_60, %dma_start3A_84] : memref<128x120xf32, #tpu.memory_space<vmem>> -> memref<1x120xf32, #tpu.memory_space<vmem>>
      %dma_start3A_86 = arith.constant 0 : i32
      %dma_start3A_87 = tpu.memref_slice %arg6[%reduce_max3A_56, %dma_start3A_86] : memref<100000x120xf32, #tpu.memory_space<hbm>> -> memref<1x120xf32, #tpu.memory_space<hbm>>
      %dma_start3A_88 = arith.constant 0 : i32
      %dma_start3A_89 = tpu.memref_slice %arg19[%add3A_60, %dma_start3A_88] : memref<128x120xf32, #tpu.memory_space<vmem>> -> memref<1x120xf32, #tpu.memory_space<vmem>>
      %dma_start3A_90 = arith.constant 0 : i32
      %dma_start3A_91 = tpu.memref_slice %arg6[%reduce_max3A_56, %dma_start3A_90] : memref<100000x120xf32, #tpu.memory_space<hbm>> -> memref<1x120xf32, #tpu.memory_space<hbm>>
      tpu.enqueue_dma source(%dma_start3A_91 : memref<1x120xf32, #tpu.memory_space<hbm>>) target(%dma_start3A_89 : memref<1x120xf32, #tpu.memory_space<vmem>>) target_semaphore(%arg22 : memref<!tpu.dma_semaphore, #tpu.memory_space<semaphore_mem>>)
      %dma_start3A_92 = arith.constant 0 : i32
      %dma_start3A_93 = tpu.memref_slice %arg20[%add3A_60, %dma_start3A_92] : memref<128x90xf32, #tpu.memory_space<vmem>> -> memref<1x90xf32, #tpu.memory_space<vmem>>
      %dma_start3A_94 = arith.constant 0 : i32
      %dma_start3A_95 = tpu.memref_slice %arg7[%reduce_max3A_56, %dma_start3A_94] : memref<100000x90xf32, #tpu.memory_space<hbm>> -> memref<1x90xf32, #tpu.memory_space<hbm>>
      %dma_start3A_96 = arith.constant 0 : i32
      %dma_start3A_97 = tpu.memref_slice %arg20[%add3A_60, %dma_start3A_96] : memref<128x90xf32, #tpu.memory_space<vmem>> -> memref<1x90xf32, #tpu.memory_space<vmem>>
      %dma_start3A_98 = arith.constant 0 : i32
      %dma_start3A_99 = tpu.memref_slice %arg7[%reduce_max3A_56, %dma_start3A_98] : memref<100000x90xf32, #tpu.memory_space<hbm>> -> memref<1x90xf32, #tpu.memory_space<hbm>>
      tpu.enqueue_dma source(%dma_start3A_99 : memref<1x90xf32, #tpu.memory_space<hbm>>) target(%dma_start3A_97 : memref<1x90xf32, #tpu.memory_space<vmem>>) target_semaphore(%arg22 : memref<!tpu.dma_semaphore, #tpu.memory_space<semaphore_mem>>)
      %dma_start3A_100 = arith.constant 0 : i32
      %dma_start3A_101 = tpu.memref_slice %arg21[%add3A_60, %dma_start3A_100] : memref<128x90xf32, #tpu.memory_space<vmem>> -> memref<1x90xf32, #tpu.memory_space<vmem>>
      %dma_start3A_102 = arith.constant 0 : i32
      %dma_start3A_103 = tpu.memref_slice %arg8[%reduce_max3A_56, %dma_start3A_102] : memref<100000x90xf32, #tpu.memory_space<hbm>> -> memref<1x90xf32, #tpu.memory_space<hbm>>
      %dma_start3A_104 = arith.constant 0 : i32
      %dma_start3A_105 = tpu.memref_slice %arg21[%add3A_60, %dma_start3A_104] : memref<128x90xf32, #tpu.memory_space<vmem>> -> memref<1x90xf32, #tpu.memory_space<vmem>>
      %dma_start3A_106 = arith.constant 0 : i32
      %dma_start3A_107 = tpu.memref_slice %arg8[%reduce_max3A_56, %dma_start3A_106] : memref<100000x90xf32, #tpu.memory_space<hbm>> -> memref<1x90xf32, #tpu.memory_space<hbm>>
      tpu.enqueue_dma source(%dma_start3A_107 : memref<1x90xf32, #tpu.memory_space<hbm>>) target(%dma_start3A_105 : memref<1x90xf32, #tpu.memory_space<vmem>>) target_semaphore(%arg22 : memref<!tpu.dma_semaphore, #tpu.memory_space<semaphore_mem>>)
      %eq3A_108 = arith.constant 1 : i32
      %eq3A_109 = vector.broadcast %eq3A_108 : i32 to vector<16xi32>
      %eq3A_110 = arith.cmpi eq, %iota3A, %eq3A_109 : vector<16xi32>
      %jit3A_111 = arith.constant 0 : i32
      %broadcast_in_dim3A_112 = vector.broadcast %jit3A_111 : i32 to vector<16xi32>
      %select_n3A_113 = arith.select %eq3A_110, %min3A_47, %broadcast_in_dim3A_112 : vector<16xi1>, vector<16xi32>
      %reduce_max3A_114 = arith.constant true
      %reduce_max3A_115 = vector.broadcast %reduce_max3A_114 : i1 to vector<16xi1>
      %reduce_max3A_116 = arith.constant -2147483648 : i32
      %reduce_max3A_117 = vector.broadcast %reduce_max3A_116 : i32 to vector<16xi32>
      %reduce_max3A_118 = arith.xori %select_n3A_113, %reduce_max3A_117 : vector<16xi32>
      %reduce_max3A_119 = tpu.scan <max>, %reduce_max3A_118 masked %reduce_max3A_115 : vector<16xi32>, vector<16xi1> -> vector<16xi32>
      %reduce_max3A_120 = arith.xori %reduce_max3A_119, %reduce_max3A_117 : vector<16xi32>
      %reduce_max3A_121 = vector.extract %reduce_max3A_120[15] : i32 from vector<16xi32>
      %mul3A_122 = arith.constant 16 : i32
      %mul3A_123 = arith.muli %scan3A_42, %mul3A_122 : i32
      %add3A_124 = arith.constant 1 : i32
      %add3A_125 = arith.addi %mul3A_123, %add3A_124 : i32
      %dma_start3A_126 = arith.constant 0 : i32
      %dma_start3A_127 = tpu.memref_slice %arg16[%add3A_125, %dma_start3A_126] : memref<128x29xf32, #tpu.memory_space<vmem>> -> memref<1x29xf32, #tpu.memory_space<vmem>>
      %dma_start3A_128 = arith.constant 0 : i32
      %dma_start3A_129 = tpu.memref_slice %arg3[%reduce_max3A_121, %dma_start3A_128] : memref<100000x29xf32, #tpu.memory_space<hbm>> -> memref<1x29xf32, #tpu.memory_space<hbm>>
      %dma_start3A_130 = arith.constant 0 : i32
      %dma_start3A_131 = tpu.memref_slice %arg16[%add3A_125, %dma_start3A_130] : memref<128x29xf32, #tpu.memory_space<vmem>> -> memref<1x29xf32, #tpu.memory_space<vmem>>
      %dma_start3A_132 = arith.constant 0 : i32
      %dma_start3A_133 = tpu.memref_slice %arg3[%reduce_max3A_121, %dma_start3A_132] : memref<100000x29xf32, #tpu.memory_space<hbm>> -> memref<1x29xf32, #tpu.memory_space<hbm>>
      tpu.enqueue_dma source(%dma_start3A_133 : memref<1x29xf32, #tpu.memory_space<hbm>>) target(%dma_start3A_131 : memref<1x29xf32, #tpu.memory_space<vmem>>) target_semaphore(%arg22 : memref<!tpu.dma_semaphore, #tpu.memory_space<semaphore_mem>>)
      %dma_start3A_134 = arith.constant 0 : i32
      %dma_start3A_135 = tpu.memref_slice %arg17[%add3A_125, %dma_start3A_134] : memref<128x29xf32, #tpu.memory_space<vmem>> -> memref<1x29xf32, #tpu.memory_space<vmem>>
      %dma_start3A_136 = arith.constant 0 : i32
      %dma_start3A_137 = tpu.memref_slice %arg4[%reduce_max3A_121, %dma_start3A_136] : memref<100000x29xf32, #tpu.memory_space<hbm>> -> memref<1x29xf32, #tpu.memory_space<hbm>>
      %dma_start3A_138 = arith.constant 0 : i32
      %dma_start3A_139 = tpu.memref_slice %arg17[%add3A_125, %dma_start3A_138] : memref<128x29xf32, #tpu.memory_space<vmem>> -> memref<1x29xf32, #tpu.memory_space<vmem>>
      %dma_start3A_140 = arith.constant 0 : i32
      %dma_start3A_141 = tpu.memref_slice %arg4[%reduce_max3A_121, %dma_start3A_140] : memref<100000x29xf32, #tpu.memory_space<hbm>> -> memref<1x29xf32, #tpu.memory_space<hbm>>
      tpu.enqueue_dma source(%dma_start3A_141 : memref<1x29xf32, #tpu.memory_space<hbm>>) target(%dma_start3A_139 : memref<1x29xf32, #tpu.memory_space<vmem>>) target_semaphore(%arg22 : memref<!tpu.dma_semaphore, #tpu.memory_space<semaphore_mem>>)
      %dma_start3A_142 = arith.constant 0 : i32
      %dma_start3A_143 = tpu.memref_slice %arg18[%add3A_125, %dma_start3A_142] : memref<128x90xf32, #tpu.memory_space<vmem>> -> memref<1x90xf32, #tpu.memory_space<vmem>>
      %dma_start3A_144 = arith.constant 0 : i32
      %dma_start3A_145 = tpu.memref_slice %arg5[%reduce_max3A_121, %dma_start3A_144] : memref<100000x90xf32, #tpu.memory_space<hbm>> -> memref<1x90xf32, #tpu.memory_space<hbm>>
      %dma_start3A_146 = arith.constant 0 : i32
      %dma_start3A_147 = tpu.memref_slice %arg18[%add3A_125, %dma_start3A_146] : memref<128x90xf32, #tpu.memory_space<vmem>> -> memref<1x90xf32, #tpu.memory_space<vmem>>
      %dma_start3A_148 = arith.constant 0 : i32
      %dma_start3A_149 = tpu.memref_slice %arg5[%reduce_max3A_121, %dma_start3A_148] : memref<100000x90xf32, #tpu.memory_space<hbm>> -> memref<1x90xf32, #tpu.memory_space<hbm>>
      tpu.enqueue_dma source(%dma_start3A_149 : memref<1x90xf32, #tpu.memory_space<hbm>>) target(%dma_start3A_147 : memref<1x90xf32, #tpu.memory_space<vmem>>) target_semaphore(%arg22 : memref<!tpu.dma_semaphore, #tpu.memory_space<semaphore_mem>>)
      %dma_start3A_150 = arith.constant 0 : i32
      %dma_start3A_151 = tpu.memref_slice %arg19[%add3A_125, %dma_start3A_150] : memref<128x120xf32, #tpu.memory_space<vmem>> -> memref<1x120xf32, #tpu.memory_space<vmem>>
      %dma_start3A_152 = arith.constant 0 : i32
      %dma_start3A_153 = tpu.memref_slice %arg6[%reduce_max3A_121, %dma_start3A_152] : memref<100000x120xf32, #tpu.memory_space<hbm>> -> memref<1x120xf32, #tpu.memory_space<hbm>>
      %dma_start3A_154 = arith.constant 0 : i32
      %dma_start3A_155 = tpu.memref_slice %arg19[%add3A_125, %dma_start3A_154] : memref<128x120xf32, #tpu.memory_space<vmem>> -> memref<1x120xf32, #tpu.memory_space<vmem>>
      %dma_start3A_156 = arith.constant 0 : i32
      %dma_start3A_157 = tpu.memref_slice %arg6[%reduce_max3A_121, %dma_start3A_156] : memref<100000x120xf32, #tpu.memory_space<hbm>> -> memref<1x120xf32, #tpu.memory_space<hbm>>
      tpu.enqueue_dma source(%dma_start3A_157 : memref<1x120xf32, #tpu.memory_space<hbm>>) target(%dma_start3A_155 : memref<1x120xf32, #tpu.memory_space<vmem>>) target_semaphore(%arg22 : memref<!tpu.dma_semaphore, #tpu.memory_space<semaphore_mem>>)
      %dma_start3A_158 = arith.constant 0 : i32
      %dma_start3A_159 = tpu.memref_slice %arg20[%add3A_125, %dma_start3A_158] : memref<128x90xf32, #tpu.memory_space<vmem>> -> memref<1x90xf32, #tpu.memory_space<vmem>>
      %dma_start3A_160 = arith.constant 0 : i32
      %dma_start3A_161 = tpu.memref_slice %arg7[%reduce_max3A_121, %dma_start3A_160] : memref<100000x90xf32, #tpu.memory_space<hbm>> -> memref<1x90xf32, #tpu.memory_space<hbm>>
      %dma_start3A_162 = arith.constant 0 : i32
      %dma_start3A_163 = tpu.memref_slice %arg20[%add3A_125, %dma_start3A_162] : memref<128x90xf32, #tpu.memory_space<vmem>> -> memref<1x90xf32, #tpu.memory_space<vmem>>
      %dma_start3A_164 = arith.constant 0 : i32
      %dma_start3A_165 = tpu.memref_slice %arg7[%reduce_max3A_121, %dma_start3A_164] : memref<100000x90xf32, #tpu.memory_space<hbm>> -> memref<1x90xf32, #tpu.memory_space<hbm>>
      tpu.enqueue_dma source(%dma_start3A_165 : memref<1x90xf32, #tpu.memory_space<hbm>>) target(%dma_start3A_163 : memref<1x90xf32, #tpu.memory_space<vmem>>) target_semaphore(%arg22 : memref<!tpu.dma_semaphore, #tpu.memory_space<semaphore_mem>>)
      %dma_start3A_166 = arith.constant 0 : i32
      %dma_start3A_167 = tpu.memref_slice %arg21[%add3A_125, %dma_start3A_166] : memref<128x90xf32, #tpu.memory_space<vmem>> -> memref<1x90xf32, #tpu.memory_space<vmem>>
      %dma_start3A_168 = arith.constant 0 : i32
      %dma_start3A_169 = tpu.memref_slice %arg8[%reduce_max3A_121, %dma_start3A_168] : memref<100000x90xf32, #tpu.memory_space<hbm>> -> memref<1x90xf32, #tpu.memory_space<hbm>>
      %dma_start3A_170 = arith.constant 0 : i32
      %dma_start3A_171 = tpu.memref_slice %arg21[%add3A_125, %dma_start3A_170] : memref<128x90xf32, #tpu.memory_space<vmem>> -> memref<1x90xf32, #tpu.memory_space<vmem>>
      %dma_start3A_172 = arith.constant 0 : i32
      %dma_start3A_173 = tpu.memref_slice %arg8[%reduce_max3A_121, %dma_start3A_172] : memref<100000x90xf32, #tpu.memory_space<hbm>> -> memref<1x90xf32, #tpu.memory_space<hbm>>
      tpu.enqueue_dma source(%dma_start3A_173 : memref<1x90xf32, #tpu.memory_space<hbm>>) target(%dma_start3A_171 : memref<1x90xf32, #tpu.memory_space<vmem>>) target_semaphore(%arg22 : memref<!tpu.dma_semaphore, #tpu.memory_space<semaphore_mem>>)
      %eq3A_174 = arith.constant 2 : i32
      %eq3A_175 = vector.broadcast %eq3A_174 : i32 to vector<16xi32>
      %eq3A_176 = arith.cmpi eq, %iota3A, %eq3A_175 : vector<16xi32>
      %jit3A_177 = arith.constant 0 : i32
      %broadcast_in_dim3A_178 = vector.broadcast %jit3A_177 : i32 to vector<16xi32>
      %select_n3A_179 = arith.select %eq3A_176, %min3A_47, %broadcast_in_dim3A_178 : vector<16xi1>, vector<16xi32>
      %reduce_max3A_180 = arith.constant true
      %reduce_max3A_181 = vector.broadcast %reduce_max3A_180 : i1 to vector<16xi1>
      %reduce_max3A_182 = arith.constant -2147483648 : i32
      %reduce_max3A_183 = vector.broadcast %reduce_max3A_182 : i32 to vector<16xi32>
      %reduce_max3A_184 = arith.xori %select_n3A_179, %reduce_max3A_183 : vector<16xi32>
      %reduce_max3A_185 = tpu.scan <max>, %reduce_max3A_184 masked %reduce_max3A_181 : vector<16xi32>, vector<16xi1> -> vector<16xi32>
      %reduce_max3A_186 = arith.xori %reduce_max3A_185, %reduce_max3A_183 : vector<16xi32>
      %reduce_max3A_187 = vector.extract %reduce_max3A_186[15] : i32 from vector<16xi32>
      %mul3A_188 = arith.constant 16 : i32
      %mul3A_189 = arith.muli %scan3A_42, %mul3A_188 : i32
      %add3A_190 = arith.constant 2 : i32
      %add3A_191 = arith.addi %mul3A_189, %add3A_190 : i32
      %dma_start3A_192 = arith.constant 0 : i32
      %dma_start3A_193 = tpu.memref_slice %arg16[%add3A_191, %dma_start3A_192] : memref<128x29xf32, #tpu.memory_space<vmem>> -> memref<1x29xf32, #tpu.memory_space<vmem>>
      %dma_start3A_194 = arith.constant 0 : i32
      %dma_start3A_195 = tpu.memref_slice %arg3[%reduce_max3A_187, %dma_start3A_194] : memref<100000x29xf32, #tpu.memory_space<hbm>> -> memref<1x29xf32, #tpu.memory_space<hbm>>
      %dma_start3A_196 = arith.constant 0 : i32
      %dma_start3A_197 = tpu.memref_slice %arg16[%add3A_191, %dma_start3A_196] : memref<128x29xf32, #tpu.memory_space<vmem>> -> memref<1x29xf32, #tpu.memory_space<vmem>>
      %dma_start3A_198 = arith.constant 0 : i32
      %dma_start3A_199 = tpu.memref_slice %arg3[%reduce_max3A_187, %dma_start3A_198] : memref<100000x29xf32, #tpu.memory_space<hbm>> -> memref<1x29xf32, #tpu.memory_space<hbm>>
      tpu.enqueue_dma source(%dma_start3A_199 : memref<1x29xf32, #tpu.memory_space<hbm>>) target(%dma_start3A_197 : memref<1x29xf32, #tpu.memory_space<vmem>>) target_semaphore(%arg22 : memref<!tpu.dma_semaphore, #tpu.memory_space<semaphore_mem>>)
      %dma_start3A_200 = arith.constant 0 : i32
      %dma_start3A_201 = tpu.memref_slice %arg17[%add3A_191, %dma_start3A_200] : memref<128x29xf32, #tpu.memory_space<vmem>> -> memref<1x29xf32, #tpu.memory_space<vmem>>
      %dma_start3A_202 = arith.constant 0 : i32
      %dma_start3A_203 = tpu.memref_slice %arg4[%reduce_max3A_187, %dma_start3A_202] : memref<100000x29xf32, #tpu.memory_space<hbm>> -> memref<1x29xf32, #tpu.memory_space<hbm>>
      %dma_start3A_204 = arith.constant 0 : i32
      %dma_start3A_205 = tpu.memref_slice %arg17[%add3A_191, %dma_start3A_204] : memref<128x29xf32, #tpu.memory_space<vmem>> -> memref<1x29xf32, #tpu.memory_space<vmem>>
      %dma_start3A_206 = arith.constant 0 : i32
      %dma_start3A_207 = tpu.memref_slice %arg4[%reduce_max3A_187, %dma_start3A_206] : memref<100000x29xf32, #tpu.memory_space<hbm>> -> memref<1x29xf32, #tpu.memory_space<hbm>>
      tpu.enqueue_dma source(%dma_start3A_207 : memref<1x29xf32, #tpu.memory_space<hbm>>) target(%dma_start3A_205 : memref<1x29xf32, #tpu.memory_space<vmem>>) target_semaphore(%arg22 : memref<!tpu.dma_semaphore, #tpu.memory_space<semaphore_mem>>)
      %dma_start3A_208 = arith.constant 0 : i32
      %dma_start3A_209 = tpu.memref_slice %arg18[%add3A_191, %dma_start3A_208] : memref<128x90xf32, #tpu.memory_space<vmem>> -> memref<1x90xf32, #tpu.memory_space<vmem>>
      %dma_start3A_210 = arith.constant 0 : i32
      %dma_start3A_211 = tpu.memref_slice %arg5[%reduce_max3A_187, %dma_start3A_210] : memref<100000x90xf32, #tpu.memory_space<hbm>> -> memref<1x90xf32, #tpu.memory_space<hbm>>
      %dma_start3A_212 = arith.constant 0 : i32
      %dma_start3A_213 = tpu.memref_slice %arg18[%add3A_191, %dma_start3A_212] : memref<128x90xf32, #tpu.memory_space<vmem>> -> memref<1x90xf32, #tpu.memory_space<vmem>>
      %dma_start3A_214 = arith.constant 0 : i32
      %dma_start3A_215 = tpu.memref_slice %arg5[%reduce_max3A_187, %dma_start3A_214] : memref<100000x90xf32, #tpu.memory_space<hbm>> -> memref<1x90xf32, #tpu.memory_space<hbm>>
      tpu.enqueue_dma source(%dma_start3A_215 : memref<1x90xf32, #tpu.memory_space<hbm>>) target(%dma_start3A_213 : memref<1x90xf32, #tpu.memory_space<vmem>>) target_semaphore(%arg22 : memref<!tpu.dma_semaphore, #tpu.memory_space<semaphore_mem>>)
      %dma_start3A_216 = arith.constant 0 : i32
      %dma_start3A_217 = tpu.memref_slice %arg19[%add3A_191, %dma_start3A_216] : memref<128x120xf32, #tpu.memory_space<vmem>> -> memref<1x120xf32, #tpu.memory_space<vmem>>
      %dma_start3A_218 = arith.constant 0 : i32
      %dma_start3A_219 = tpu.memref_slice %arg6[%reduce_max3A_187, %dma_start3A_218] : memref<100000x120xf32, #tpu.memory_space<hbm>> -> memref<1x120xf32, #tpu.memory_space<hbm>>
      %dma_start3A_220 = arith.constant 0 : i32
      %dma_start3A_221 = tpu.memref_slice %arg19[%add3A_191, %dma_start3A_220] : memref<128x120xf32, #tpu.memory_space<vmem>> -> memref<1x120xf32, #tpu.memory_space<vmem>>
      %dma_start3A_222 = arith.constant 0 : i32
      %dma_start3A_223 = tpu.memref_slice %arg6[%reduce_max3A_187, %dma_start3A_222] : memref<100000x120xf32, #tpu.memory_space<hbm>> -> memref<1x120xf32, #tpu.memory_space<hbm>>
      tpu.enqueue_dma source(%dma_start3A_223 : memref<1x120xf32, #tpu.memory_space<hbm>>) target(%dma_start3A_221 : memref<1x120xf32, #tpu.memory_space<vmem>>) target_semaphore(%arg22 : memref<!tpu.dma_semaphore, #tpu.memory_space<semaphore_mem>>)
      %dma_start3A_224 = arith.constant 0 : i32
      %dma_start3A_225 = tpu.memref_slice %arg20[%add3A_191, %dma_start3A_224] : memref<128x90xf32, #tpu.memory_space<vmem>> -> memref<1x90xf32, #tpu.memory_space<vmem>>
      %dma_start3A_226 = arith.constant 0 : i32
      %dma_start3A_227 = tpu.memref_slice %arg7[%reduce_max3A_187, %dma_start3A_226] : memref<100000x90xf32, #tpu.memory_space<hbm>> -> memref<1x90xf32, #tpu.memory_space<hbm>>
      %dma_start3A_228 = arith.constant 0 : i32
      %dma_start3A_229 = tpu.memref_slice %arg20[%add3A_191, %dma_start3A_228] : memref<128x90xf32, #tpu.memory_space<vmem>> -> memref<1x90xf32, #tpu.memory_space<vmem>>
      %dma_start3A_230 = arith.constant 0 : i32
      %dma_start3A_231 = tpu.memref_slice %arg7[%reduce_max3A_187, %dma_start3A_230] : memref<100000x90xf32, #tpu.memory_space<hbm>> -> memref<1x90xf32, #tpu.memory_space<hbm>>
      tpu.enqueue_dma source(%dma_start3A_231 : memref<1x90xf32, #tpu.memory_space<hbm>>) target(%dma_start3A_229 : memref<1x90xf32, #tpu.memory_space<vmem>>) target_semaphore(%arg22 : memref<!tpu.dma_semaphore, #tpu.memory_space<semaphore_mem>>)
      %dma_start3A_232 = arith.constant 0 : i32
      %dma_start3A_233 = tpu.memref_slice %arg21[%add3A_191, %dma_start3A_232] : memref<128x90xf32, #tpu.memory_space<vmem>> -> memref<1x90xf32, #tpu.memory_space<vmem>>
      %dma_start3A_234 = arith.constant 0 : i32
      %dma_start3A_235 = tpu.memref_slice %arg8[%reduce_max3A_187, %dma_start3A_234] : memref<100000x90xf32, #tpu.memory_space<hbm>> -> memref<1x90xf32, #tpu.memory_space<hbm>>
      %dma_start3A_236 = arith.constant 0 : i32
      %dma_start3A_237 = tpu.memref_slice %arg21[%add3A_191, %dma_start3A_236] : memref<128x90xf32, #tpu.memory_space<vmem>> -> memref<1x90xf32, #tpu.memory_space<vmem>>
      %dma_start3A_238 = arith.constant 0 : i32
      %dma_start3A_239 = tpu.memref_slice %arg8[%reduce_max3A_187, %dma_start3A_238] : memref<100000x90xf32, #tpu.memory_space<hbm>> -> memref<1x90xf32, #tpu.memory_space<hbm>>
      tpu.enqueue_dma source(%dma_start3A_239 : memref<1x90xf32, #tpu.memory_space<hbm>>) target(%dma_start3A_237 : memref<1x90xf32, #tpu.memory_space<vmem>>) target_semaphore(%arg22 : memref<!tpu.dma_semaphore, #tpu.memory_space<semaphore_mem>>)
      %eq3A_240 = arith.constant 3 : i32
      %eq3A_241 = vector.broadcast %eq3A_240 : i32 to vector<16xi32>
      %eq3A_242 = arith.cmpi eq, %iota3A, %eq3A_241 : vector<16xi32>
      %jit3A_243 = arith.constant 0 : i32
      %broadcast_in_dim3A_244 = vector.broadcast %jit3A_243 : i32 to vector<16xi32>
      %select_n3A_245 = arith.select %eq3A_242, %min3A_47, %broadcast_in_dim3A_244 : vector<16xi1>, vector<16xi32>
      %reduce_max3A_246 = arith.constant true
      %reduce_max3A_247 = vector.broadcast %reduce_max3A_246 : i1 to vector<16xi1>
      %reduce_max3A_248 = arith.constant -2147483648 : i32
      %reduce_max3A_249 = vector.broadcast %reduce_max3A_248 : i32 to vector<16xi32>
      %reduce_max3A_250 = arith.xori %select_n3A_245, %reduce_max3A_249 : vector<16xi32>
      %reduce_max3A_251 = tpu.scan <max>, %reduce_max3A_250 masked %reduce_max3A_247 : vector<16xi32>, vector<16xi1> -> vector<16xi32>
      %reduce_max3A_252 = arith.xori %reduce_max3A_251, %reduce_max3A_249 : vector<16xi32>
      %reduce_max3A_253 = vector.extract %reduce_max3A_252[15] : i32 from vector<16xi32>
      %mul3A_254 = arith.constant 16 : i32
      %mul3A_255 = arith.muli %scan3A_42, %mul3A_254 : i32
      %add3A_256 = arith.constant 3 : i32
      %add3A_257 = arith.addi %mul3A_255, %add3A_256 : i32
      %dma_start3A_258 = arith.constant 0 : i32
      %dma_start3A_259 = tpu.memref_slice %arg16[%add3A_257, %dma_start3A_258] : memref<128x29xf32, #tpu.memory_space<vmem>> -> memref<1x29xf32, #tpu.memory_space<vmem>>
      %dma_start3A_260 = arith.constant 0 : i32
      %dma_start3A_261 = tpu.memref_slice %arg3[%reduce_max3A_253, %dma_start3A_260] : memref<100000x29xf32, #tpu.memory_space<hbm>> -> memref<1x29xf32, #tpu.memory_space<hbm>>
      %dma_start3A_262 = arith.constant 0 : i32
      %dma_start3A_263 = tpu.memref_slice %arg16[%add3A_257, %dma_start3A_262] : memref<128x29xf32, #tpu.memory_space<vmem>> -> memref<1x29xf32, #tpu.memory_space<vmem>>
      %dma_start3A_264 = arith.constant 0 : i32
      %dma_start3A_265 = tpu.memref_slice %arg3[%reduce_max3A_253, %dma_start3A_264] : memref<100000x29xf32, #tpu.memory_space<hbm>> -> memref<1x29xf32, #tpu.memory_space<hbm>>
      tpu.enqueue_dma source(%dma_start3A_265 : memref<1x29xf32, #tpu.memory_space<hbm>>) target(%dma_start3A_263 : memref<1x29xf32, #tpu.memory_space<vmem>>) target_semaphore(%arg22 : memref<!tpu.dma_semaphore, #tpu.memory_space<semaphore_mem>>)
      %dma_start3A_266 = arith.constant 0 : i32
      %dma_start3A_267 = tpu.memref_slice %arg17[%add3A_257, %dma_start3A_266] : memref<128x29xf32, #tpu.memory_space<vmem>> -> memref<1x29xf32, #tpu.memory_space<vmem>>
      %dma_start3A_268 = arith.constant 0 : i32
      %dma_start3A_269 = tpu.memref_slice %arg4[%reduce_max3A_253, %dma_start3A_268] : memref<100000x29xf32, #tpu.memory_space<hbm>> -> memref<1x29xf32, #tpu.memory_space<hbm>>
      %dma_start3A_270 = arith.constant 0 : i32
      %dma_start3A_271 = tpu.memref_slice %arg17[%add3A_257, %dma_start3A_270] : memref<128x29xf32, #tpu.memory_space<vmem>> -> memref<1x29xf32, #tpu.memory_space<vmem>>
      %dma_start3A_272 = arith.constant 0 : i32
      %dma_start3A_273 = tpu.memref_slice %arg4[%reduce_max3A_253, %dma_start3A_272] : memref<100000x29xf32, #tpu.memory_space<hbm>> -> memref<1x29xf32, #tpu.memory_space<hbm>>
      tpu.enqueue_dma source(%dma_start3A_273 : memref<1x29xf32, #tpu.memory_space<hbm>>) target(%dma_start3A_271 : memref<1x29xf32, #tpu.memory_space<vmem>>) target_semaphore(%arg22 : memref<!tpu.dma_semaphore, #tpu.memory_space<semaphore_mem>>)
      %dma_start3A_274 = arith.constant 0 : i32
      %dma_start3A_275 = tpu.memref_slice %arg18[%add3A_257, %dma_start3A_274] : memref<128x90xf32, #tpu.memory_space<vmem>> -> memref<1x90xf32, #tpu.memory_space<vmem>>
      %dma_start3A_276 = arith.constant 0 : i32
      %dma_start3A_277 = tpu.memref_slice %arg5[%reduce_max3A_253, %dma_start3A_276] : memref<100000x90xf32, #tpu.memory_space<hbm>> -> memref<1x90xf32, #tpu.memory_space<hbm>>
      %dma_start3A_278 = arith.constant 0 : i32
      %dma_start3A_279 = tpu.memref_slice %arg18[%add3A_257, %dma_start3A_278] : memref<128x90xf32, #tpu.memory_space<vmem>> -> memref<1x90xf32, #tpu.memory_space<vmem>>
      %dma_start3A_280 = arith.constant 0 : i32
      %dma_start3A_281 = tpu.memref_slice %arg5[%reduce_max3A_253, %dma_start3A_280] : memref<100000x90xf32, #tpu.memory_space<hbm>> -> memref<1x90xf32, #tpu.memory_space<hbm>>
      tpu.enqueue_dma source(%dma_start3A_281 : memref<1x90xf32, #tpu.memory_space<hbm>>) target(%dma_start3A_279 : memref<1x90xf32, #tpu.memory_space<vmem>>) target_semaphore(%arg22 : memref<!tpu.dma_semaphore, #tpu.memory_space<semaphore_mem>>)
      %dma_start3A_282 = arith.constant 0 : i32
      %dma_start3A_283 = tpu.memref_slice %arg19[%add3A_257, %dma_start3A_282] : memref<128x120xf32, #tpu.memory_space<vmem>> -> memref<1x120xf32, #tpu.memory_space<vmem>>
      %dma_start3A_284 = arith.constant 0 : i32
      %dma_start3A_285 = tpu.memref_slice %arg6[%reduce_max3A_253, %dma_start3A_284] : memref<100000x120xf32, #tpu.memory_space<hbm>> -> memref<1x120xf32, #tpu.memory_space<hbm>>
      %dma_start3A_286 = arith.constant 0 : i32
      %dma_start3A_287 = tpu.memref_slice %arg19[%add3A_257, %dma_start3A_286] : memref<128x120xf32, #tpu.memory_space<vmem>> -> memref<1x120xf32, #tpu.memory_space<vmem>>
      %dma_start3A_288 = arith.constant 0 : i32
      %dma_start3A_289 = tpu.memref_slice %arg6[%reduce_max3A_253, %dma_start3A_288] : memref<100000x120xf32, #tpu.memory_space<hbm>> -> memref<1x120xf32, #tpu.memory_space<hbm>>
      tpu.enqueue_dma source(%dma_start3A_289 : memref<1x120xf32, #tpu.memory_space<hbm>>) target(%dma_start3A_287 : memref<1x120xf32, #tpu.memory_space<vmem>>) target_semaphore(%arg22 : memref<!tpu.dma_semaphore, #tpu.memory_space<semaphore_mem>>)
      %dma_start3A_290 = arith.constant 0 : i32
      %dma_start3A_291 = tpu.memref_slice %arg20[%add3A_257, %dma_start3A_290] : memref<128x90xf32, #tpu.memory_space<vmem>> -> memref<1x90xf32, #tpu.memory_space<vmem>>
      %dma_start3A_292 = arith.constant 0 : i32
      %dma_start3A_293 = tpu.memref_slice %arg7[%reduce_max3A_253, %dma_start3A_292] : memref<100000x90xf32, #tpu.memory_space<hbm>> -> memref<1x90xf32, #tpu.memory_space<hbm>>
      %dma_start3A_294 = arith.constant 0 : i32
      %dma_start3A_295 = tpu.memref_slice %arg20[%add3A_257, %dma_start3A_294] : memref<128x90xf32, #tpu.memory_space<vmem>> -> memref<1x90xf32, #tpu.memory_space<vmem>>
      %dma_start3A_296 = arith.constant 0 : i32
      %dma_start3A_297 = tpu.memref_slice %arg7[%reduce_max3A_253, %dma_start3A_296] : memref<100000x90xf32, #tpu.memory_space<hbm>> -> memref<1x90xf32, #tpu.memory_space<hbm>>
      tpu.enqueue_dma source(%dma_start3A_297 : memref<1x90xf32, #tpu.memory_space<hbm>>) target(%dma_start3A_295 : memref<1x90xf32, #tpu.memory_space<vmem>>) target_semaphore(%arg22 : memref<!tpu.dma_semaphore, #tpu.memory_space<semaphore_mem>>)
      %dma_start3A_298 = arith.constant 0 : i32
      %dma_start3A_299 = tpu.memref_slice %arg21[%add3A_257, %dma_start3A_298] : memref<128x90xf32, #tpu.memory_space<vmem>> -> memref<1x90xf32, #tpu.memory_space<vmem>>
      %dma_start3A_300 = arith.constant 0 : i32
      %dma_start3A_301 = tpu.memref_slice %arg8[%reduce_max3A_253, %dma_start3A_300] : memref<100000x90xf32, #tpu.memory_space<hbm>> -> memref<1x90xf32, #tpu.memory_space<hbm>>
      %dma_start3A_302 = arith.constant 0 : i32
      %dma_start3A_303 = tpu.memref_slice %arg21[%add3A_257, %dma_start3A_302] : memref<128x90xf32, #tpu.memory_space<vmem>> -> memref<1x90xf32, #tpu.memory_space<vmem>>
      %dma_start3A_304 = arith.constant 0 : i32
      %dma_start3A_305 = tpu.memref_slice %arg8[%reduce_max3A_253, %dma_start3A_304] : memref<100000x90xf32, #tpu.memory_space<hbm>> -> memref<1x90xf32, #tpu.memory_space<hbm>>
      tpu.enqueue_dma source(%dma_start3A_305 : memref<1x90xf32, #tpu.memory_space<hbm>>) target(%dma_start3A_303 : memref<1x90xf32, #tpu.memory_space<vmem>>) target_semaphore(%arg22 : memref<!tpu.dma_semaphore, #tpu.memory_space<semaphore_mem>>)
      %eq3A_306 = arith.constant 4 : i32
      %eq3A_307 = vector.broadcast %eq3A_306 : i32 to vector<16xi32>
      %eq3A_308 = arith.cmpi eq, %iota3A, %eq3A_307 : vector<16xi32>
      %jit3A_309 = arith.constant 0 : i32
      %broadcast_in_dim3A_310 = vector.broadcast %jit3A_309 : i32 to vector<16xi32>
      %select_n3A_311 = arith.select %eq3A_308, %min3A_47, %broadcast_in_dim3A_310 : vector<16xi1>, vector<16xi32>
      %reduce_max3A_312 = arith.constant true
      %reduce_max3A_313 = vector.broadcast %reduce_max3A_312 : i1 to vector<16xi1>
      %reduce_max3A_314 = arith.constant -2147483648 : i32
      %reduce_max3A_315 = vector.broadcast %reduce_max3A_314 : i32 to vector<16xi32>
      %reduce_max3A_316 = arith.xori %select_n3A_311, %reduce_max3A_315 : vector<16xi32>
      %reduce_max3A_317 = tpu.scan <max>, %reduce_max3A_316 masked %reduce_max3A_313 : vector<16xi32>, vector<16xi1> -> vector<16xi32>
      %reduce_max3A_318 = arith.xori %reduce_max3A_317, %reduce_max3A_315 : vector<16xi32>
      %reduce_max3A_319 = vector.extract %reduce_max3A_318[15] : i32 from vector<16xi32>
      %mul3A_320 = arith.constant 16 : i32
      %mul3A_321 = arith.muli %scan3A_42, %mul3A_320 : i32
      %add3A_322 = arith.constant 4 : i32
      %add3A_323 = arith.addi %mul3A_321, %add3A_322 : i32
      %dma_start3A_324 = arith.constant 0 : i32
      %dma_start3A_325 = tpu.memref_slice %arg16[%add3A_323, %dma_start3A_324] : memref<128x29xf32, #tpu.memory_space<vmem>> -> memref<1x29xf32, #tpu.memory_space<vmem>>
      %dma_start3A_326 = arith.constant 0 : i32
      %dma_start3A_327 = tpu.memref_slice %arg3[%reduce_max3A_319, %dma_start3A_326] : memref<100000x29xf32, #tpu.memory_space<hbm>> -> memref<1x29xf32, #tpu.memory_space<hbm>>
      %dma_start3A_328 = arith.constant 0 : i32
      %dma_start3A_329 = tpu.memref_slice %arg16[%add3A_323, %dma_start3A_328] : memref<128x29xf32, #tpu.memory_space<vmem>> -> memref<1x29xf32, #tpu.memory_space<vmem>>
      %dma_start3A_330 = arith.constant 0 : i32
      %dma_start3A_331 = tpu.memref_slice %arg3[%reduce_max3A_319, %dma_start3A_330] : memref<100000x29xf32, #tpu.memory_space<hbm>> -> memref<1x29xf32, #tpu.memory_space<hbm>>
      tpu.enqueue_dma source(%dma_start3A_331 : memref<1x29xf32, #tpu.memory_space<hbm>>) target(%dma_start3A_329 : memref<1x29xf32, #tpu.memory_space<vmem>>) target_semaphore(%arg22 : memref<!tpu.dma_semaphore, #tpu.memory_space<semaphore_mem>>)
      %dma_start3A_332 = arith.constant 0 : i32
      %dma_start3A_333 = tpu.memref_slice %arg17[%add3A_323, %dma_start3A_332] : memref<128x29xf32, #tpu.memory_space<vmem>> -> memref<1x29xf32, #tpu.memory_space<vmem>>
      %dma_start3A_334 = arith.constant 0 : i32
      %dma_start3A_335 = tpu.memref_slice %arg4[%reduce_max3A_319, %dma_start3A_334] : memref<100000x29xf32, #tpu.memory_space<hbm>> -> memref<1x29xf32, #tpu.memory_space<hbm>>
      %dma_start3A_336 = arith.constant 0 : i32
      %dma_start3A_337 = tpu.memref_slice %arg17[%add3A_323, %dma_start3A_336] : memref<128x29xf32, #tpu.memory_space<vmem>> -> memref<1x29xf32, #tpu.memory_space<vmem>>
      %dma_start3A_338 = arith.constant 0 : i32
      %dma_start3A_339 = tpu.memref_slice %arg4[%reduce_max3A_319, %dma_start3A_338] : memref<100000x29xf32, #tpu.memory_space<hbm>> -> memref<1x29xf32, #tpu.memory_space<hbm>>
      tpu.enqueue_dma source(%dma_start3A_339 : memref<1x29xf32, #tpu.memory_space<hbm>>) target(%dma_start3A_337 : memref<1x29xf32, #tpu.memory_space<vmem>>) target_semaphore(%arg22 : memref<!tpu.dma_semaphore, #tpu.memory_space<semaphore_mem>>)
      %dma_start3A_340 = arith.constant 0 : i32
      %dma_start3A_341 = tpu.memref_slice %arg18[%add3A_323, %dma_start3A_340] : memref<128x90xf32, #tpu.memory_space<vmem>> -> memref<1x90xf32, #tpu.memory_space<vmem>>
      %dma_start3A_342 = arith.constant 0 : i32
      %dma_start3A_343 = tpu.memref_slice %arg5[%reduce_max3A_319, %dma_start3A_342] : memref<100000x90xf32, #tpu.memory_space<hbm>> -> memref<1x90xf32, #tpu.memory_space<hbm>>
      %dma_start3A_344 = arith.constant 0 : i32
      %dma_start3A_345 = tpu.memref_slice %arg18[%add3A_323, %dma_start3A_344] : memref<128x90xf32, #tpu.memory_space<vmem>> -> memref<1x90xf32, #tpu.memory_space<vmem>>
      %dma_start3A_346 = arith.constant 0 : i32
      %dma_start3A_347 = tpu.memref_slice %arg5[%reduce_max3A_319, %dma_start3A_346] : memref<100000x90xf32, #tpu.memory_space<hbm>> -> memref<1x90xf32, #tpu.memory_space<hbm>>
      tpu.enqueue_dma source(%dma_start3A_347 : memref<1x90xf32, #tpu.memory_space<hbm>>) target(%dma_start3A_345 : memref<1x90xf32, #tpu.memory_space<vmem>>) target_semaphore(%arg22 : memref<!tpu.dma_semaphore, #tpu.memory_space<semaphore_mem>>)
      %dma_start3A_348 = arith.constant 0 : i32
      %dma_start3A_349 = tpu.memref_slice %arg19[%add3A_323, %dma_start3A_348] : memref<128x120xf32, #tpu.memory_space<vmem>> -> memref<1x120xf32, #tpu.memory_space<vmem>>
      %dma_start3A_350 = arith.constant 0 : i32
      %dma_start3A_351 = tpu.memref_slice %arg6[%reduce_max3A_319, %dma_start3A_350] : memref<100000x120xf32, #tpu.memory_space<hbm>> -> memref<1x120xf32, #tpu.memory_space<hbm>>
      %dma_start3A_352 = arith.constant 0 : i32
      %dma_start3A_353 = tpu.memref_slice %arg19[%add3A_323, %dma_start3A_352] : memref<128x120xf32, #tpu.memory_space<vmem>> -> memref<1x120xf32, #tpu.memory_space<vmem>>
      %dma_start3A_354 = arith.constant 0 : i32
      %dma_start3A_355 = tpu.memref_slice %arg6[%reduce_max3A_319, %dma_start3A_354] : memref<100000x120xf32, #tpu.memory_space<hbm>> -> memref<1x120xf32, #tpu.memory_space<hbm>>
      tpu.enqueue_dma source(%dma_start3A_355 : memref<1x120xf32, #tpu.memory_space<hbm>>) target(%dma_start3A_353 : memref<1x120xf32, #tpu.memory_space<vmem>>) target_semaphore(%arg22 : memref<!tpu.dma_semaphore, #tpu.memory_space<semaphore_mem>>)
      %dma_start3A_356 = arith.constant 0 : i32
      %dma_start3A_357 = tpu.memref_slice %arg20[%add3A_323, %dma_start3A_356] : memref<128x90xf32, #tpu.memory_space<vmem>> -> memref<1x90xf32, #tpu.memory_space<vmem>>
      %dma_start3A_358 = arith.constant 0 : i32
      %dma_start3A_359 = tpu.memref_slice %arg7[%reduce_max3A_319, %dma_start3A_358] : memref<100000x90xf32, #tpu.memory_space<hbm>> -> memref<1x90xf32, #tpu.memory_space<hbm>>
      %dma_start3A_360 = arith.constant 0 : i32
      %dma_start3A_361 = tpu.memref_slice %arg20[%add3A_323, %dma_start3A_360] : memref<128x90xf32, #tpu.memory_space<vmem>> -> memref<1x90xf32, #tpu.memory_space<vmem>>
      %dma_start3A_362 = arith.constant 0 : i32
      %dma_start3A_363 = tpu.memref_slice %arg7[%reduce_max3A_319, %dma_start3A_362] : memref<100000x90xf32, #tpu.memory_space<hbm>> -> memref<1x90xf32, #tpu.memory_space<hbm>>
      tpu.enqueue_dma source(%dma_start3A_363 : memref<1x90xf32, #tpu.memory_space<hbm>>) target(%dma_start3A_361 : memref<1x90xf32, #tpu.memory_space<vmem>>) target_semaphore(%arg22 : memref<!tpu.dma_semaphore, #tpu.memory_space<semaphore_mem>>)
      %dma_start3A_364 = arith.constant 0 : i32
      %dma_start3A_365 = tpu.memref_slice %arg21[%add3A_323, %dma_start3A_364] : memref<128x90xf32, #tpu.memory_space<vmem>> -> memref<1x90xf32, #tpu.memory_space<vmem>>
      %dma_start3A_366 = arith.constant 0 : i32
      %dma_start3A_367 = tpu.memref_slice %arg8[%reduce_max3A_319, %dma_start3A_366] : memref<100000x90xf32, #tpu.memory_space<hbm>> -> memref<1x90xf32, #tpu.memory_space<hbm>>
      %dma_start3A_368 = arith.constant 0 : i32
      %dma_start3A_369 = tpu.memref_slice %arg21[%add3A_323, %dma_start3A_368] : memref<128x90xf32, #tpu.memory_space<vmem>> -> memref<1x90xf32, #tpu.memory_space<vmem>>
      %dma_start3A_370 = arith.constant 0 : i32
      %dma_start3A_371 = tpu.memref_slice %arg8[%reduce_max3A_319, %dma_start3A_370] : memref<100000x90xf32, #tpu.memory_space<hbm>> -> memref<1x90xf32, #tpu.memory_space<hbm>>
      tpu.enqueue_dma source(%dma_start3A_371 : memref<1x90xf32, #tpu.memory_space<hbm>>) target(%dma_start3A_369 : memref<1x90xf32, #tpu.memory_space<vmem>>) target_semaphore(%arg22 : memref<!tpu.dma_semaphore, #tpu.memory_space<semaphore_mem>>)
      %eq3A_372 = arith.constant 5 : i32
      %eq3A_373 = vector.broadcast %eq3A_372 : i32 to vector<16xi32>
      %eq3A_374 = arith.cmpi eq, %iota3A, %eq3A_373 : vector<16xi32>
      %jit3A_375 = arith.constant 0 : i32
      %broadcast_in_dim3A_376 = vector.broadcast %jit3A_375 : i32 to vector<16xi32>
      %select_n3A_377 = arith.select %eq3A_374, %min3A_47, %broadcast_in_dim3A_376 : vector<16xi1>, vector<16xi32>
      %reduce_max3A_378 = arith.constant true
      %reduce_max3A_379 = vector.broadcast %reduce_max3A_378 : i1 to vector<16xi1>
      %reduce_max3A_380 = arith.constant -2147483648 : i32
      %reduce_max3A_381 = vector.broadcast %reduce_max3A_380 : i32 to vector<16xi32>
      %reduce_max3A_382 = arith.xori %select_n3A_377, %reduce_max3A_381 : vector<16xi32>
      %reduce_max3A_383 = tpu.scan <max>, %reduce_max3A_382 masked %reduce_max3A_379 : vector<16xi32>, vector<16xi1> -> vector<16xi32>
      %reduce_max3A_384 = arith.xori %reduce_max3A_383, %reduce_max3A_381 : vector<16xi32>
      %reduce_max3A_385 = vector.extract %reduce_max3A_384[15] : i32 from vector<16xi32>
      %mul3A_386 = arith.constant 16 : i32
      %mul3A_387 = arith.muli %scan3A_42, %mul3A_386 : i32
      %add3A_388 = arith.constant 5 : i32
      %add3A_389 = arith.addi %mul3A_387, %add3A_388 : i32
      %dma_start3A_390 = arith.constant 0 : i32
      %dma_start3A_391 = tpu.memref_slice %arg16[%add3A_389, %dma_start3A_390] : memref<128x29xf32, #tpu.memory_space<vmem>> -> memref<1x29xf32, #tpu.memory_space<vmem>>
      %dma_start3A_392 = arith.constant 0 : i32
      %dma_start3A_393 = tpu.memref_slice %arg3[%reduce_max3A_385, %dma_start3A_392] : memref<100000x29xf32, #tpu.memory_space<hbm>> -> memref<1x29xf32, #tpu.memory_space<hbm>>
      %dma_start3A_394 = arith.constant 0 : i32
      %dma_start3A_395 = tpu.memref_slice %arg16[%add3A_389, %dma_start3A_394] : memref<128x29xf32, #tpu.memory_space<vmem>> -> memref<1x29xf32, #tpu.memory_space<vmem>>
      %dma_start3A_396 = arith.constant 0 : i32
      %dma_start3A_397 = tpu.memref_slice %arg3[%reduce_max3A_385, %dma_start3A_396] : memref<100000x29xf32, #tpu.memory_space<hbm>> -> memref<1x29xf32, #tpu.memory_space<hbm>>
      tpu.enqueue_dma source(%dma_start3A_397 : memref<1x29xf32, #tpu.memory_space<hbm>>) target(%dma_start3A_395 : memref<1x29xf32, #tpu.memory_space<vmem>>) target_semaphore(%arg22 : memref<!tpu.dma_semaphore, #tpu.memory_space<semaphore_mem>>)
      %dma_start3A_398 = arith.constant 0 : i32
      %dma_start3A_399 = tpu.memref_slice %arg17[%add3A_389, %dma_start3A_398] : memref<128x29xf32, #tpu.memory_space<vmem>> -> memref<1x29xf32, #tpu.memory_space<vmem>>
      %dma_start3A_400 = arith.constant 0 : i32
      %dma_start3A_401 = tpu.memref_slice %arg4[%reduce_max3A_385, %dma_start3A_400] : memref<100000x29xf32, #tpu.memory_space<hbm>> -> memref<1x29xf32, #tpu.memory_space<hbm>>
      %dma_start3A_402 = arith.constant 0 : i32
      %dma_start3A_403 = tpu.memref_slice %arg17[%add3A_389, %dma_start3A_402] : memref<128x29xf32, #tpu.memory_space<vmem>> -> memref<1x29xf32, #tpu.memory_space<vmem>>
      %dma_start3A_404 = arith.constant 0 : i32
      %dma_start3A_405 = tpu.memref_slice %arg4[%reduce_max3A_385, %dma_start3A_404] : memref<100000x29xf32, #tpu.memory_space<hbm>> -> memref<1x29xf32, #tpu.memory_space<hbm>>
      tpu.enqueue_dma source(%dma_start3A_405 : memref<1x29xf32, #tpu.memory_space<hbm>>) target(%dma_start3A_403 : memref<1x29xf32, #tpu.memory_space<vmem>>) target_semaphore(%arg22 : memref<!tpu.dma_semaphore, #tpu.memory_space<semaphore_mem>>)
      %dma_start3A_406 = arith.constant 0 : i32
      %dma_start3A_407 = tpu.memref_slice %arg18[%add3A_389, %dma_start3A_406] : memref<128x90xf32, #tpu.memory_space<vmem>> -> memref<1x90xf32, #tpu.memory_space<vmem>>
      %dma_start3A_408 = arith.constant 0 : i32
      %dma_start3A_409 = tpu.memref_slice %arg5[%reduce_max3A_385, %dma_start3A_408] : memref<100000x90xf32, #tpu.memory_space<hbm>> -> memref<1x90xf32, #tpu.memory_space<hbm>>
      %dma_start3A_410 = arith.constant 0 : i32
      %dma_start3A_411 = tpu.memref_slice %arg18[%add3A_389, %dma_start3A_410] : memref<128x90xf32, #tpu.memory_space<vmem>> -> memref<1x90xf32, #tpu.memory_space<vmem>>
      %dma_start3A_412 = arith.constant 0 : i32
      %dma_start3A_413 = tpu.memref_slice %arg5[%reduce_max3A_385, %dma_start3A_412] : memref<100000x90xf32, #tpu.memory_space<hbm>> -> memref<1x90xf32, #tpu.memory_space<hbm>>
      tpu.enqueue_dma source(%dma_start3A_413 : memref<1x90xf32, #tpu.memory_space<hbm>>) target(%dma_start3A_411 : memref<1x90xf32, #tpu.memory_space<vmem>>) target_semaphore(%arg22 : memref<!tpu.dma_semaphore, #tpu.memory_space<semaphore_mem>>)
      %dma_start3A_414 = arith.constant 0 : i32
      %dma_start3A_415 = tpu.memref_slice %arg19[%add3A_389, %dma_start3A_414] : memref<128x120xf32, #tpu.memory_space<vmem>> -> memref<1x120xf32, #tpu.memory_space<vmem>>
      %dma_start3A_416 = arith.constant 0 : i32
      %dma_start3A_417 = tpu.memref_slice %arg6[%reduce_max3A_385, %dma_start3A_416] : memref<100000x120xf32, #tpu.memory_space<hbm>> -> memref<1x120xf32, #tpu.memory_space<hbm>>
      %dma_start3A_418 = arith.constant 0 : i32
      %dma_start3A_419 = tpu.memref_slice %arg19[%add3A_389, %dma_start3A_418] : memref<128x120xf32, #tpu.memory_space<vmem>> -> memref<1x120xf32, #tpu.memory_space<vmem>>
      %dma_start3A_420 = arith.constant 0 : i32
      %dma_start3A_421 = tpu.memref_slice %arg6[%reduce_max3A_385, %dma_start3A_420] : memref<100000x120xf32, #tpu.memory_space<hbm>> -> memref<1x120xf32, #tpu.memory_space<hbm>>
      tpu.enqueue_dma source(%dma_start3A_421 : memref<1x120xf32, #tpu.memory_space<hbm>>) target(%dma_start3A_419 : memref<1x120xf32, #tpu.memory_space<vmem>>) target_semaphore(%arg22 : memref<!tpu.dma_semaphore, #tpu.memory_space<semaphore_mem>>)
      %dma_start3A_422 = arith.constant 0 : i32
      %dma_start3A_423 = tpu.memref_slice %arg20[%add3A_389, %dma_start3A_422] : memref<128x90xf32, #tpu.memory_space<vmem>> -> memref<1x90xf32, #tpu.memory_space<vmem>>
      %dma_start3A_424 = arith.constant 0 : i32
      %dma_start3A_425 = tpu.memref_slice %arg7[%reduce_max3A_385, %dma_start3A_424] : memref<100000x90xf32, #tpu.memory_space<hbm>> -> memref<1x90xf32, #tpu.memory_space<hbm>>
      %dma_start3A_426 = arith.constant 0 : i32
      %dma_start3A_427 = tpu.memref_slice %arg20[%add3A_389, %dma_start3A_426] : memref<128x90xf32, #tpu.memory_space<vmem>> -> memref<1x90xf32, #tpu.memory_space<vmem>>
      %dma_start3A_428 = arith.constant 0 : i32
      %dma_start3A_429 = tpu.memref_slice %arg7[%reduce_max3A_385, %dma_start3A_428] : memref<100000x90xf32, #tpu.memory_space<hbm>> -> memref<1x90xf32, #tpu.memory_space<hbm>>
      tpu.enqueue_dma source(%dma_start3A_429 : memref<1x90xf32, #tpu.memory_space<hbm>>) target(%dma_start3A_427 : memref<1x90xf32, #tpu.memory_space<vmem>>) target_semaphore(%arg22 : memref<!tpu.dma_semaphore, #tpu.memory_space<semaphore_mem>>)
      %dma_start3A_430 = arith.constant 0 : i32
      %dma_start3A_431 = tpu.memref_slice %arg21[%add3A_389, %dma_start3A_430] : memref<128x90xf32, #tpu.memory_space<vmem>> -> memref<1x90xf32, #tpu.memory_space<vmem>>
      %dma_start3A_432 = arith.constant 0 : i32
      %dma_start3A_433 = tpu.memref_slice %arg8[%reduce_max3A_385, %dma_start3A_432] : memref<100000x90xf32, #tpu.memory_space<hbm>> -> memref<1x90xf32, #tpu.memory_space<hbm>>
      %dma_start3A_434 = arith.constant 0 : i32
      %dma_start3A_435 = tpu.memref_slice %arg21[%add3A_389, %dma_start3A_434] : memref<128x90xf32, #tpu.memory_space<vmem>> -> memref<1x90xf32, #tpu.memory_space<vmem>>
      %dma_start3A_436 = arith.constant 0 : i32
      %dma_start3A_437 = tpu.memref_slice %arg8[%reduce_max3A_385, %dma_start3A_436] : memref<100000x90xf32, #tpu.memory_space<hbm>> -> memref<1x90xf32, #tpu.memory_space<hbm>>
      tpu.enqueue_dma source(%dma_start3A_437 : memref<1x90xf32, #tpu.memory_space<hbm>>) target(%dma_start3A_435 : memref<1x90xf32, #tpu.memory_space<vmem>>) target_semaphore(%arg22 : memref<!tpu.dma_semaphore, #tpu.memory_space<semaphore_mem>>)
      %eq3A_438 = arith.constant 6 : i32
      %eq3A_439 = vector.broadcast %eq3A_438 : i32 to vector<16xi32>
      %eq3A_440 = arith.cmpi eq, %iota3A, %eq3A_439 : vector<16xi32>
      %jit3A_441 = arith.constant 0 : i32
      %broadcast_in_dim3A_442 = vector.broadcast %jit3A_441 : i32 to vector<16xi32>
      %select_n3A_443 = arith.select %eq3A_440, %min3A_47, %broadcast_in_dim3A_442 : vector<16xi1>, vector<16xi32>
      %reduce_max3A_444 = arith.constant true
      %reduce_max3A_445 = vector.broadcast %reduce_max3A_444 : i1 to vector<16xi1>
      %reduce_max3A_446 = arith.constant -2147483648 : i32
      %reduce_max3A_447 = vector.broadcast %reduce_max3A_446 : i32 to vector<16xi32>
      %reduce_max3A_448 = arith.xori %select_n3A_443, %reduce_max3A_447 : vector<16xi32>
      %reduce_max3A_449 = tpu.scan <max>, %reduce_max3A_448 masked %reduce_max3A_445 : vector<16xi32>, vector<16xi1> -> vector<16xi32>
      %reduce_max3A_450 = arith.xori %reduce_max3A_449, %reduce_max3A_447 : vector<16xi32>
      %reduce_max3A_451 = vector.extract %reduce_max3A_450[15] : i32 from vector<16xi32>
      %mul3A_452 = arith.constant 16 : i32
      %mul3A_453 = arith.muli %scan3A_42, %mul3A_452 : i32
      %add3A_454 = arith.constant 6 : i32
      %add3A_455 = arith.addi %mul3A_453, %add3A_454 : i32
      %dma_start3A_456 = arith.constant 0 : i32
      %dma_start3A_457 = tpu.memref_slice %arg16[%add3A_455, %dma_start3A_456] : memref<128x29xf32, #tpu.memory_space<vmem>> -> memref<1x29xf32, #tpu.memory_space<vmem>>
      %dma_start3A_458 = arith.constant 0 : i32
      %dma_start3A_459 = tpu.memref_slice %arg3[%reduce_max3A_451, %dma_start3A_458] : memref<100000x29xf32, #tpu.memory_space<hbm>> -> memref<1x29xf32, #tpu.memory_space<hbm>>
      %dma_start3A_460 = arith.constant 0 : i32
      %dma_start3A_461 = tpu.memref_slice %arg16[%add3A_455, %dma_start3A_460] : memref<128x29xf32, #tpu.memory_space<vmem>> -> memref<1x29xf32, #tpu.memory_space<vmem>>
      %dma_start3A_462 = arith.constant 0 : i32
      %dma_start3A_463 = tpu.memref_slice %arg3[%reduce_max3A_451, %dma_start3A_462] : memref<100000x29xf32, #tpu.memory_space<hbm>> -> memref<1x29xf32, #tpu.memory_space<hbm>>
      tpu.enqueue_dma source(%dma_start3A_463 : memref<1x29xf32, #tpu.memory_space<hbm>>) target(%dma_start3A_461 : memref<1x29xf32, #tpu.memory_space<vmem>>) target_semaphore(%arg22 : memref<!tpu.dma_semaphore, #tpu.memory_space<semaphore_mem>>)
      %dma_start3A_464 = arith.constant 0 : i32
      %dma_start3A_465 = tpu.memref_slice %arg17[%add3A_455, %dma_start3A_464] : memref<128x29xf32, #tpu.memory_space<vmem>> -> memref<1x29xf32, #tpu.memory_space<vmem>>
      %dma_start3A_466 = arith.constant 0 : i32
      %dma_start3A_467 = tpu.memref_slice %arg4[%reduce_max3A_451, %dma_start3A_466] : memref<100000x29xf32, #tpu.memory_space<hbm>> -> memref<1x29xf32, #tpu.memory_space<hbm>>
      %dma_start3A_468 = arith.constant 0 : i32
      %dma_start3A_469 = tpu.memref_slice %arg17[%add3A_455, %dma_start3A_468] : memref<128x29xf32, #tpu.memory_space<vmem>> -> memref<1x29xf32, #tpu.memory_space<vmem>>
      %dma_start3A_470 = arith.constant 0 : i32
      %dma_start3A_471 = tpu.memref_slice %arg4[%reduce_max3A_451, %dma_start3A_470] : memref<100000x29xf32, #tpu.memory_space<hbm>> -> memref<1x29xf32, #tpu.memory_space<hbm>>
      tpu.enqueue_dma source(%dma_start3A_471 : memref<1x29xf32, #tpu.memory_space<hbm>>) target(%dma_start3A_469 : memref<1x29xf32, #tpu.memory_space<vmem>>) target_semaphore(%arg22 : memref<!tpu.dma_semaphore, #tpu.memory_space<semaphore_mem>>)
      %dma_start3A_472 = arith.constant 0 : i32
      %dma_start3A_473 = tpu.memref_slice %arg18[%add3A_455, %dma_start3A_472] : memref<128x90xf32, #tpu.memory_space<vmem>> -> memref<1x90xf32, #tpu.memory_space<vmem>>
      %dma_start3A_474 = arith.constant 0 : i32
      %dma_start3A_475 = tpu.memref_slice %arg5[%reduce_max3A_451, %dma_start3A_474] : memref<100000x90xf32, #tpu.memory_space<hbm>> -> memref<1x90xf32, #tpu.memory_space<hbm>>
      %dma_start3A_476 = arith.constant 0 : i32
      %dma_start3A_477 = tpu.memref_slice %arg18[%add3A_455, %dma_start3A_476] : memref<128x90xf32, #tpu.memory_space<vmem>> -> memref<1x90xf32, #tpu.memory_space<vmem>>
      %dma_start3A_478 = arith.constant 0 : i32
      %dma_start3A_479 = tpu.memref_slice %arg5[%reduce_max3A_451, %dma_start3A_478] : memref<100000x90xf32, #tpu.memory_space<hbm>> -> memref<1x90xf32, #tpu.memory_space<hbm>>
      tpu.enqueue_dma source(%dma_start3A_479 : memref<1x90xf32, #tpu.memory_space<hbm>>) target(%dma_start3A_477 : memref<1x90xf32, #tpu.memory_space<vmem>>) target_semaphore(%arg22 : memref<!tpu.dma_semaphore, #tpu.memory_space<semaphore_mem>>)
      %dma_start3A_480 = arith.constant 0 : i32
      %dma_start3A_481 = tpu.memref_slice %arg19[%add3A_455, %dma_start3A_480] : memref<128x120xf32, #tpu.memory_space<vmem>> -> memref<1x120xf32, #tpu.memory_space<vmem>>
      %dma_start3A_482 = arith.constant 0 : i32
      %dma_start3A_483 = tpu.memref_slice %arg6[%reduce_max3A_451, %dma_start3A_482] : memref<100000x120xf32, #tpu.memory_space<hbm>> -> memref<1x120xf32, #tpu.memory_space<hbm>>
      %dma_start3A_484 = arith.constant 0 : i32
      %dma_start3A_485 = tpu.memref_slice %arg19[%add3A_455, %dma_start3A_484] : memref<128x120xf32, #tpu.memory_space<vmem>> -> memref<1x120xf32, #tpu.memory_space<vmem>>
      %dma_start3A_486 = arith.constant 0 : i32
      %dma_start3A_487 = tpu.memref_slice %arg6[%reduce_max3A_451, %dma_start3A_486] : memref<100000x120xf32, #tpu.memory_space<hbm>> -> memref<1x120xf32, #tpu.memory_space<hbm>>
      tpu.enqueue_dma source(%dma_start3A_487 : memref<1x120xf32, #tpu.memory_space<hbm>>) target(%dma_start3A_485 : memref<1x120xf32, #tpu.memory_space<vmem>>) target_semaphore(%arg22 : memref<!tpu.dma_semaphore, #tpu.memory_space<semaphore_mem>>)
      %dma_start3A_488 = arith.constant 0 : i32
      %dma_start3A_489 = tpu.memref_slice %arg20[%add3A_455, %dma_start3A_488] : memref<128x90xf32, #tpu.memory_space<vmem>> -> memref<1x90xf32, #tpu.memory_space<vmem>>
      %dma_start3A_490 = arith.constant 0 : i32
      %dma_start3A_491 = tpu.memref_slice %arg7[%reduce_max3A_451, %dma_start3A_490] : memref<100000x90xf32, #tpu.memory_space<hbm>> -> memref<1x90xf32, #tpu.memory_space<hbm>>
      %dma_start3A_492 = arith.constant 0 : i32
      %dma_start3A_493 = tpu.memref_slice %arg20[%add3A_455, %dma_start3A_492] : memref<128x90xf32, #tpu.memory_space<vmem>> -> memref<1x90xf32, #tpu.memory_space<vmem>>
      %dma_start3A_494 = arith.constant 0 : i32
      %dma_start3A_495 = tpu.memref_slice %arg7[%reduce_max3A_451, %dma_start3A_494] : memref<100000x90xf32, #tpu.memory_space<hbm>> -> memref<1x90xf32, #tpu.memory_space<hbm>>
      tpu.enqueue_dma source(%dma_start3A_495 : memref<1x90xf32, #tpu.memory_space<hbm>>) target(%dma_start3A_493 : memref<1x90xf32, #tpu.memory_space<vmem>>) target_semaphore(%arg22 : memref<!tpu.dma_semaphore, #tpu.memory_space<semaphore_mem>>)
      %dma_start3A_496 = arith.constant 0 : i32
      %dma_start3A_497 = tpu.memref_slice %arg21[%add3A_455, %dma_start3A_496] : memref<128x90xf32, #tpu.memory_space<vmem>> -> memref<1x90xf32, #tpu.memory_space<vmem>>
      %dma_start3A_498 = arith.constant 0 : i32
      %dma_start3A_499 = tpu.memref_slice %arg8[%reduce_max3A_451, %dma_start3A_498] : memref<100000x90xf32, #tpu.memory_space<hbm>> -> memref<1x90xf32, #tpu.memory_space<hbm>>
      %dma_start3A_500 = arith.constant 0 : i32
      %dma_start3A_501 = tpu.memref_slice %arg21[%add3A_455, %dma_start3A_500] : memref<128x90xf32, #tpu.memory_space<vmem>> -> memref<1x90xf32, #tpu.memory_space<vmem>>
      %dma_start3A_502 = arith.constant 0 : i32
      %dma_start3A_503 = tpu.memref_slice %arg8[%reduce_max3A_451, %dma_start3A_502] : memref<100000x90xf32, #tpu.memory_space<hbm>> -> memref<1x90xf32, #tpu.memory_space<hbm>>
      tpu.enqueue_dma source(%dma_start3A_503 : memref<1x90xf32, #tpu.memory_space<hbm>>) target(%dma_start3A_501 : memref<1x90xf32, #tpu.memory_space<vmem>>) target_semaphore(%arg22 : memref<!tpu.dma_semaphore, #tpu.memory_space<semaphore_mem>>)
      %eq3A_504 = arith.constant 7 : i32
      %eq3A_505 = vector.broadcast %eq3A_504 : i32 to vector<16xi32>
      %eq3A_506 = arith.cmpi eq, %iota3A, %eq3A_505 : vector<16xi32>
      %jit3A_507 = arith.constant 0 : i32
      %broadcast_in_dim3A_508 = vector.broadcast %jit3A_507 : i32 to vector<16xi32>
      %select_n3A_509 = arith.select %eq3A_506, %min3A_47, %broadcast_in_dim3A_508 : vector<16xi1>, vector<16xi32>
      %reduce_max3A_510 = arith.constant true
      %reduce_max3A_511 = vector.broadcast %reduce_max3A_510 : i1 to vector<16xi1>
      %reduce_max3A_512 = arith.constant -2147483648 : i32
      %reduce_max3A_513 = vector.broadcast %reduce_max3A_512 : i32 to vector<16xi32>
      %reduce_max3A_514 = arith.xori %select_n3A_509, %reduce_max3A_513 : vector<16xi32>
      %reduce_max3A_515 = tpu.scan <max>, %reduce_max3A_514 masked %reduce_max3A_511 : vector<16xi32>, vector<16xi1> -> vector<16xi32>
      %reduce_max3A_516 = arith.xori %reduce_max3A_515, %reduce_max3A_513 : vector<16xi32>
      %reduce_max3A_517 = vector.extract %reduce_max3A_516[15] : i32 from vector<16xi32>
      %mul3A_518 = arith.constant 16 : i32
      %mul3A_519 = arith.muli %scan3A_42, %mul3A_518 : i32
      %add3A_520 = arith.constant 7 : i32
      %add3A_521 = arith.addi %mul3A_519, %add3A_520 : i32
      %dma_start3A_522 = arith.constant 0 : i32
      %dma_start3A_523 = tpu.memref_slice %arg16[%add3A_521, %dma_start3A_522] : memref<128x29xf32, #tpu.memory_space<vmem>> -> memref<1x29xf32, #tpu.memory_space<vmem>>
      %dma_start3A_524 = arith.constant 0 : i32
      %dma_start3A_525 = tpu.memref_slice %arg3[%reduce_max3A_517, %dma_start3A_524] : memref<100000x29xf32, #tpu.memory_space<hbm>> -> memref<1x29xf32, #tpu.memory_space<hbm>>
      %dma_start3A_526 = arith.constant 0 : i32
      %dma_start3A_527 = tpu.memref_slice %arg16[%add3A_521, %dma_start3A_526] : memref<128x29xf32, #tpu.memory_space<vmem>> -> memref<1x29xf32, #tpu.memory_space<vmem>>
      %dma_start3A_528 = arith.constant 0 : i32
      %dma_start3A_529 = tpu.memref_slice %arg3[%reduce_max3A_517, %dma_start3A_528] : memref<100000x29xf32, #tpu.memory_space<hbm>> -> memref<1x29xf32, #tpu.memory_space<hbm>>
      tpu.enqueue_dma source(%dma_start3A_529 : memref<1x29xf32, #tpu.memory_space<hbm>>) target(%dma_start3A_527 : memref<1x29xf32, #tpu.memory_space<vmem>>) target_semaphore(%arg22 : memref<!tpu.dma_semaphore, #tpu.memory_space<semaphore_mem>>)
      %dma_start3A_530 = arith.constant 0 : i32
      %dma_start3A_531 = tpu.memref_slice %arg17[%add3A_521, %dma_start3A_530] : memref<128x29xf32, #tpu.memory_space<vmem>> -> memref<1x29xf32, #tpu.memory_space<vmem>>
      %dma_start3A_532 = arith.constant 0 : i32
      %dma_start3A_533 = tpu.memref_slice %arg4[%reduce_max3A_517, %dma_start3A_532] : memref<100000x29xf32, #tpu.memory_space<hbm>> -> memref<1x29xf32, #tpu.memory_space<hbm>>
      %dma_start3A_534 = arith.constant 0 : i32
      %dma_start3A_535 = tpu.memref_slice %arg17[%add3A_521, %dma_start3A_534] : memref<128x29xf32, #tpu.memory_space<vmem>> -> memref<1x29xf32, #tpu.memory_space<vmem>>
      %dma_start3A_536 = arith.constant 0 : i32
      %dma_start3A_537 = tpu.memref_slice %arg4[%reduce_max3A_517, %dma_start3A_536] : memref<100000x29xf32, #tpu.memory_space<hbm>> -> memref<1x29xf32, #tpu.memory_space<hbm>>
      tpu.enqueue_dma source(%dma_start3A_537 : memref<1x29xf32, #tpu.memory_space<hbm>>) target(%dma_start3A_535 : memref<1x29xf32, #tpu.memory_space<vmem>>) target_semaphore(%arg22 : memref<!tpu.dma_semaphore, #tpu.memory_space<semaphore_mem>>)
      %dma_start3A_538 = arith.constant 0 : i32
      %dma_start3A_539 = tpu.memref_slice %arg18[%add3A_521, %dma_start3A_538] : memref<128x90xf32, #tpu.memory_space<vmem>> -> memref<1x90xf32, #tpu.memory_space<vmem>>
      %dma_start3A_540 = arith.constant 0 : i32
      %dma_start3A_541 = tpu.memref_slice %arg5[%reduce_max3A_517, %dma_start3A_540] : memref<100000x90xf32, #tpu.memory_space<hbm>> -> memref<1x90xf32, #tpu.memory_space<hbm>>
      %dma_start3A_542 = arith.constant 0 : i32
      %dma_start3A_543 = tpu.memref_slice %arg18[%add3A_521, %dma_start3A_542] : memref<128x90xf32, #tpu.memory_space<vmem>> -> memref<1x90xf32, #tpu.memory_space<vmem>>
      %dma_start3A_544 = arith.constant 0 : i32
      %dma_start3A_545 = tpu.memref_slice %arg5[%reduce_max3A_517, %dma_start3A_544] : memref<100000x90xf32, #tpu.memory_space<hbm>> -> memref<1x90xf32, #tpu.memory_space<hbm>>
      tpu.enqueue_dma source(%dma_start3A_545 : memref<1x90xf32, #tpu.memory_space<hbm>>) target(%dma_start3A_543 : memref<1x90xf32, #tpu.memory_space<vmem>>) target_semaphore(%arg22 : memref<!tpu.dma_semaphore, #tpu.memory_space<semaphore_mem>>)
      %dma_start3A_546 = arith.constant 0 : i32
      %dma_start3A_547 = tpu.memref_slice %arg19[%add3A_521, %dma_start3A_546] : memref<128x120xf32, #tpu.memory_space<vmem>> -> memref<1x120xf32, #tpu.memory_space<vmem>>
      %dma_start3A_548 = arith.constant 0 : i32
      %dma_start3A_549 = tpu.memref_slice %arg6[%reduce_max3A_517, %dma_start3A_548] : memref<100000x120xf32, #tpu.memory_space<hbm>> -> memref<1x120xf32, #tpu.memory_space<hbm>>
      %dma_start3A_550 = arith.constant 0 : i32
      %dma_start3A_551 = tpu.memref_slice %arg19[%add3A_521, %dma_start3A_550] : memref<128x120xf32, #tpu.memory_space<vmem>> -> memref<1x120xf32, #tpu.memory_space<vmem>>
      %dma_start3A_552 = arith.constant 0 : i32
      %dma_start3A_553 = tpu.memref_slice %arg6[%reduce_max3A_517, %dma_start3A_552] : memref<100000x120xf32, #tpu.memory_space<hbm>> -> memref<1x120xf32, #tpu.memory_space<hbm>>
      tpu.enqueue_dma source(%dma_start3A_553 : memref<1x120xf32, #tpu.memory_space<hbm>>) target(%dma_start3A_551 : memref<1x120xf32, #tpu.memory_space<vmem>>) target_semaphore(%arg22 : memref<!tpu.dma_semaphore, #tpu.memory_space<semaphore_mem>>)
      %dma_start3A_554 = arith.constant 0 : i32
      %dma_start3A_555 = tpu.memref_slice %arg20[%add3A_521, %dma_start3A_554] : memref<128x90xf32, #tpu.memory_space<vmem>> -> memref<1x90xf32, #tpu.memory_space<vmem>>
      %dma_start3A_556 = arith.constant 0 : i32
      %dma_start3A_557 = tpu.memref_slice %arg7[%reduce_max3A_517, %dma_start3A_556] : memref<100000x90xf32, #tpu.memory_space<hbm>> -> memref<1x90xf32, #tpu.memory_space<hbm>>
      %dma_start3A_558 = arith.constant 0 : i32
      %dma_start3A_559 = tpu.memref_slice %arg20[%add3A_521, %dma_start3A_558] : memref<128x90xf32, #tpu.memory_space<vmem>> -> memref<1x90xf32, #tpu.memory_space<vmem>>
      %dma_start3A_560 = arith.constant 0 : i32
      %dma_start3A_561 = tpu.memref_slice %arg7[%reduce_max3A_517, %dma_start3A_560] : memref<100000x90xf32, #tpu.memory_space<hbm>> -> memref<1x90xf32, #tpu.memory_space<hbm>>
      tpu.enqueue_dma source(%dma_start3A_561 : memref<1x90xf32, #tpu.memory_space<hbm>>) target(%dma_start3A_559 : memref<1x90xf32, #tpu.memory_space<vmem>>) target_semaphore(%arg22 : memref<!tpu.dma_semaphore, #tpu.memory_space<semaphore_mem>>)
      %dma_start3A_562 = arith.constant 0 : i32
      %dma_start3A_563 = tpu.memref_slice %arg21[%add3A_521, %dma_start3A_562] : memref<128x90xf32, #tpu.memory_space<vmem>> -> memref<1x90xf32, #tpu.memory_space<vmem>>
      %dma_start3A_564 = arith.constant 0 : i32
      %dma_start3A_565 = tpu.memref_slice %arg8[%reduce_max3A_517, %dma_start3A_564] : memref<100000x90xf32, #tpu.memory_space<hbm>> -> memref<1x90xf32, #tpu.memory_space<hbm>>
      %dma_start3A_566 = arith.constant 0 : i32
      %dma_start3A_567 = tpu.memref_slice %arg21[%add3A_521, %dma_start3A_566] : memref<128x90xf32, #tpu.memory_space<vmem>> -> memref<1x90xf32, #tpu.memory_space<vmem>>
      %dma_start3A_568 = arith.constant 0 : i32
      %dma_start3A_569 = tpu.memref_slice %arg8[%reduce_max3A_517, %dma_start3A_568] : memref<100000x90xf32, #tpu.memory_space<hbm>> -> memref<1x90xf32, #tpu.memory_space<hbm>>
      tpu.enqueue_dma source(%dma_start3A_569 : memref<1x90xf32, #tpu.memory_space<hbm>>) target(%dma_start3A_567 : memref<1x90xf32, #tpu.memory_space<vmem>>) target_semaphore(%arg22 : memref<!tpu.dma_semaphore, #tpu.memory_space<semaphore_mem>>)
      %eq3A_570 = arith.constant 8 : i32
      %eq3A_571 = vector.broadcast %eq3A_570 : i32 to vector<16xi32>
      %eq3A_572 = arith.cmpi eq, %iota3A, %eq3A_571 : vector<16xi32>
      %jit3A_573 = arith.constant 0 : i32
      %broadcast_in_dim3A_574 = vector.broadcast %jit3A_573 : i32 to vector<16xi32>
      %select_n3A_575 = arith.select %eq3A_572, %min3A_47, %broadcast_in_dim3A_574 : vector<16xi1>, vector<16xi32>
      %reduce_max3A_576 = arith.constant true
      %reduce_max3A_577 = vector.broadcast %reduce_max3A_576 : i1 to vector<16xi1>
      %reduce_max3A_578 = arith.constant -2147483648 : i32
      %reduce_max3A_579 = vector.broadcast %reduce_max3A_578 : i32 to vector<16xi32>
      %reduce_max3A_580 = arith.xori %select_n3A_575, %reduce_max3A_579 : vector<16xi32>
      %reduce_max3A_581 = tpu.scan <max>, %reduce_max3A_580 masked %reduce_max3A_577 : vector<16xi32>, vector<16xi1> -> vector<16xi32>
      %reduce_max3A_582 = arith.xori %reduce_max3A_581, %reduce_max3A_579 : vector<16xi32>
      %reduce_max3A_583 = vector.extract %reduce_max3A_582[15] : i32 from vector<16xi32>
      %mul3A_584 = arith.constant 16 : i32
      %mul3A_585 = arith.muli %scan3A_42, %mul3A_584 : i32
      %add3A_586 = arith.constant 8 : i32
      %add3A_587 = arith.addi %mul3A_585, %add3A_586 : i32
      %dma_start3A_588 = arith.constant 0 : i32
      %dma_start3A_589 = tpu.memref_slice %arg16[%add3A_587, %dma_start3A_588] : memref<128x29xf32, #tpu.memory_space<vmem>> -> memref<1x29xf32, #tpu.memory_space<vmem>>
      %dma_start3A_590 = arith.constant 0 : i32
      %dma_start3A_591 = tpu.memref_slice %arg3[%reduce_max3A_583, %dma_start3A_590] : memref<100000x29xf32, #tpu.memory_space<hbm>> -> memref<1x29xf32, #tpu.memory_space<hbm>>
      %dma_start3A_592 = arith.constant 0 : i32
      %dma_start3A_593 = tpu.memref_slice %arg16[%add3A_587, %dma_start3A_592] : memref<128x29xf32, #tpu.memory_space<vmem>> -> memref<1x29xf32, #tpu.memory_space<vmem>>
      %dma_start3A_594 = arith.constant 0 : i32
      %dma_start3A_595 = tpu.memref_slice %arg3[%reduce_max3A_583, %dma_start3A_594] : memref<100000x29xf32, #tpu.memory_space<hbm>> -> memref<1x29xf32, #tpu.memory_space<hbm>>
      tpu.enqueue_dma source(%dma_start3A_595 : memref<1x29xf32, #tpu.memory_space<hbm>>) target(%dma_start3A_593 : memref<1x29xf32, #tpu.memory_space<vmem>>) target_semaphore(%arg22 : memref<!tpu.dma_semaphore, #tpu.memory_space<semaphore_mem>>)
      %dma_start3A_596 = arith.constant 0 : i32
      %dma_start3A_597 = tpu.memref_slice %arg17[%add3A_587, %dma_start3A_596] : memref<128x29xf32, #tpu.memory_space<vmem>> -> memref<1x29xf32, #tpu.memory_space<vmem>>
      %dma_start3A_598 = arith.constant 0 : i32
      %dma_start3A_599 = tpu.memref_slice %arg4[%reduce_max3A_583, %dma_start3A_598] : memref<100000x29xf32, #tpu.memory_space<hbm>> -> memref<1x29xf32, #tpu.memory_space<hbm>>
      %dma_start3A_600 = arith.constant 0 : i32
      %dma_start3A_601 = tpu.memref_slice %arg17[%add3A_587, %dma_start3A_600] : memref<128x29xf32, #tpu.memory_space<vmem>> -> memref<1x29xf32, #tpu.memory_space<vmem>>
      %dma_start3A_602 = arith.constant 0 : i32
      %dma_start3A_603 = tpu.memref_slice %arg4[%reduce_max3A_583, %dma_start3A_602] : memref<100000x29xf32, #tpu.memory_space<hbm>> -> memref<1x29xf32, #tpu.memory_space<hbm>>
      tpu.enqueue_dma source(%dma_start3A_603 : memref<1x29xf32, #tpu.memory_space<hbm>>) target(%dma_start3A_601 : memref<1x29xf32, #tpu.memory_space<vmem>>) target_semaphore(%arg22 : memref<!tpu.dma_semaphore, #tpu.memory_space<semaphore_mem>>)
      %dma_start3A_604 = arith.constant 0 : i32
      %dma_start3A_605 = tpu.memref_slice %arg18[%add3A_587, %dma_start3A_604] : memref<128x90xf32, #tpu.memory_space<vmem>> -> memref<1x90xf32, #tpu.memory_space<vmem>>
      %dma_start3A_606 = arith.constant 0 : i32
      %dma_start3A_607 = tpu.memref_slice %arg5[%reduce_max3A_583, %dma_start3A_606] : memref<100000x90xf32, #tpu.memory_space<hbm>> -> memref<1x90xf32, #tpu.memory_space<hbm>>
      %dma_start3A_608 = arith.constant 0 : i32
      %dma_start3A_609 = tpu.memref_slice %arg18[%add3A_587, %dma_start3A_608] : memref<128x90xf32, #tpu.memory_space<vmem>> -> memref<1x90xf32, #tpu.memory_space<vmem>>
      %dma_start3A_610 = arith.constant 0 : i32
      %dma_start3A_611 = tpu.memref_slice %arg5[%reduce_max3A_583, %dma_start3A_610] : memref<100000x90xf32, #tpu.memory_space<hbm>> -> memref<1x90xf32, #tpu.memory_space<hbm>>
      tpu.enqueue_dma source(%dma_start3A_611 : memref<1x90xf32, #tpu.memory_space<hbm>>) target(%dma_start3A_609 : memref<1x90xf32, #tpu.memory_space<vmem>>) target_semaphore(%arg22 : memref<!tpu.dma_semaphore, #tpu.memory_space<semaphore_mem>>)
      %dma_start3A_612 = arith.constant 0 : i32
      %dma_start3A_613 = tpu.memref_slice %arg19[%add3A_587, %dma_start3A_612] : memref<128x120xf32, #tpu.memory_space<vmem>> -> memref<1x120xf32, #tpu.memory_space<vmem>>
      %dma_start3A_614 = arith.constant 0 : i32
      %dma_start3A_615 = tpu.memref_slice %arg6[%reduce_max3A_583, %dma_start3A_614] : memref<100000x120xf32, #tpu.memory_space<hbm>> -> memref<1x120xf32, #tpu.memory_space<hbm>>
      %dma_start3A_616 = arith.constant 0 : i32
      %dma_start3A_617 = tpu.memref_slice %arg19[%add3A_587, %dma_start3A_616] : memref<128x120xf32, #tpu.memory_space<vmem>> -> memref<1x120xf32, #tpu.memory_space<vmem>>
      %dma_start3A_618 = arith.constant 0 : i32
      %dma_start3A_619 = tpu.memref_slice %arg6[%reduce_max3A_583, %dma_start3A_618] : memref<100000x120xf32, #tpu.memory_space<hbm>> -> memref<1x120xf32, #tpu.memory_space<hbm>>
      tpu.enqueue_dma source(%dma_start3A_619 : memref<1x120xf32, #tpu.memory_space<hbm>>) target(%dma_start3A_617 : memref<1x120xf32, #tpu.memory_space<vmem>>) target_semaphore(%arg22 : memref<!tpu.dma_semaphore, #tpu.memory_space<semaphore_mem>>)
      %dma_start3A_620 = arith.constant 0 : i32
      %dma_start3A_621 = tpu.memref_slice %arg20[%add3A_587, %dma_start3A_620] : memref<128x90xf32, #tpu.memory_space<vmem>> -> memref<1x90xf32, #tpu.memory_space<vmem>>
      %dma_start3A_622 = arith.constant 0 : i32
      %dma_start3A_623 = tpu.memref_slice %arg7[%reduce_max3A_583, %dma_start3A_622] : memref<100000x90xf32, #tpu.memory_space<hbm>> -> memref<1x90xf32, #tpu.memory_space<hbm>>
      %dma_start3A_624 = arith.constant 0 : i32
      %dma_start3A_625 = tpu.memref_slice %arg20[%add3A_587, %dma_start3A_624] : memref<128x90xf32, #tpu.memory_space<vmem>> -> memref<1x90xf32, #tpu.memory_space<vmem>>
      %dma_start3A_626 = arith.constant 0 : i32
      %dma_start3A_627 = tpu.memref_slice %arg7[%reduce_max3A_583, %dma_start3A_626] : memref<100000x90xf32, #tpu.memory_space<hbm>> -> memref<1x90xf32, #tpu.memory_space<hbm>>
      tpu.enqueue_dma source(%dma_start3A_627 : memref<1x90xf32, #tpu.memory_space<hbm>>) target(%dma_start3A_625 : memref<1x90xf32, #tpu.memory_space<vmem>>) target_semaphore(%arg22 : memref<!tpu.dma_semaphore, #tpu.memory_space<semaphore_mem>>)
      %dma_start3A_628 = arith.constant 0 : i32
      %dma_start3A_629 = tpu.memref_slice %arg21[%add3A_587, %dma_start3A_628] : memref<128x90xf32, #tpu.memory_space<vmem>> -> memref<1x90xf32, #tpu.memory_space<vmem>>
      %dma_start3A_630 = arith.constant 0 : i32
      %dma_start3A_631 = tpu.memref_slice %arg8[%reduce_max3A_583, %dma_start3A_630] : memref<100000x90xf32, #tpu.memory_space<hbm>> -> memref<1x90xf32, #tpu.memory_space<hbm>>
      %dma_start3A_632 = arith.constant 0 : i32
      %dma_start3A_633 = tpu.memref_slice %arg21[%add3A_587, %dma_start3A_632] : memref<128x90xf32, #tpu.memory_space<vmem>> -> memref<1x90xf32, #tpu.memory_space<vmem>>
      %dma_start3A_634 = arith.constant 0 : i32
      %dma_start3A_635 = tpu.memref_slice %arg8[%reduce_max3A_583, %dma_start3A_634] : memref<100000x90xf32, #tpu.memory_space<hbm>> -> memref<1x90xf32, #tpu.memory_space<hbm>>
      tpu.enqueue_dma source(%dma_start3A_635 : memref<1x90xf32, #tpu.memory_space<hbm>>) target(%dma_start3A_633 : memref<1x90xf32, #tpu.memory_space<vmem>>) target_semaphore(%arg22 : memref<!tpu.dma_semaphore, #tpu.memory_space<semaphore_mem>>)
      %eq3A_636 = arith.constant 9 : i32
      %eq3A_637 = vector.broadcast %eq3A_636 : i32 to vector<16xi32>
      %eq3A_638 = arith.cmpi eq, %iota3A, %eq3A_637 : vector<16xi32>
      %jit3A_639 = arith.constant 0 : i32
      %broadcast_in_dim3A_640 = vector.broadcast %jit3A_639 : i32 to vector<16xi32>
      %select_n3A_641 = arith.select %eq3A_638, %min3A_47, %broadcast_in_dim3A_640 : vector<16xi1>, vector<16xi32>
      %reduce_max3A_642 = arith.constant true
      %reduce_max3A_643 = vector.broadcast %reduce_max3A_642 : i1 to vector<16xi1>
      %reduce_max3A_644 = arith.constant -2147483648 : i32
      %reduce_max3A_645 = vector.broadcast %reduce_max3A_644 : i32 to vector<16xi32>
      %reduce_max3A_646 = arith.xori %select_n3A_641, %reduce_max3A_645 : vector<16xi32>
      %reduce_max3A_647 = tpu.scan <max>, %reduce_max3A_646 masked %reduce_max3A_643 : vector<16xi32>, vector<16xi1> -> vector<16xi32>
      %reduce_max3A_648 = arith.xori %reduce_max3A_647, %reduce_max3A_645 : vector<16xi32>
      %reduce_max3A_649 = vector.extract %reduce_max3A_648[15] : i32 from vector<16xi32>
      %mul3A_650 = arith.constant 16 : i32
      %mul3A_651 = arith.muli %scan3A_42, %mul3A_650 : i32
      %add3A_652 = arith.constant 9 : i32
      %add3A_653 = arith.addi %mul3A_651, %add3A_652 : i32
      %dma_start3A_654 = arith.constant 0 : i32
      %dma_start3A_655 = tpu.memref_slice %arg16[%add3A_653, %dma_start3A_654] : memref<128x29xf32, #tpu.memory_space<vmem>> -> memref<1x29xf32, #tpu.memory_space<vmem>>
      %dma_start3A_656 = arith.constant 0 : i32
      %dma_start3A_657 = tpu.memref_slice %arg3[%reduce_max3A_649, %dma_start3A_656] : memref<100000x29xf32, #tpu.memory_space<hbm>> -> memref<1x29xf32, #tpu.memory_space<hbm>>
      %dma_start3A_658 = arith.constant 0 : i32
      %dma_start3A_659 = tpu.memref_slice %arg16[%add3A_653, %dma_start3A_658] : memref<128x29xf32, #tpu.memory_space<vmem>> -> memref<1x29xf32, #tpu.memory_space<vmem>>
      %dma_start3A_660 = arith.constant 0 : i32
      %dma_start3A_661 = tpu.memref_slice %arg3[%reduce_max3A_649, %dma_start3A_660] : memref<100000x29xf32, #tpu.memory_space<hbm>> -> memref<1x29xf32, #tpu.memory_space<hbm>>
      tpu.enqueue_dma source(%dma_start3A_661 : memref<1x29xf32, #tpu.memory_space<hbm>>) target(%dma_start3A_659 : memref<1x29xf32, #tpu.memory_space<vmem>>) target_semaphore(%arg22 : memref<!tpu.dma_semaphore, #tpu.memory_space<semaphore_mem>>)
      %dma_start3A_662 = arith.constant 0 : i32
      %dma_start3A_663 = tpu.memref_slice %arg17[%add3A_653, %dma_start3A_662] : memref<128x29xf32, #tpu.memory_space<vmem>> -> memref<1x29xf32, #tpu.memory_space<vmem>>
      %dma_start3A_664 = arith.constant 0 : i32
      %dma_start3A_665 = tpu.memref_slice %arg4[%reduce_max3A_649, %dma_start3A_664] : memref<100000x29xf32, #tpu.memory_space<hbm>> -> memref<1x29xf32, #tpu.memory_space<hbm>>
      %dma_start3A_666 = arith.constant 0 : i32
      %dma_start3A_667 = tpu.memref_slice %arg17[%add3A_653, %dma_start3A_666] : memref<128x29xf32, #tpu.memory_space<vmem>> -> memref<1x29xf32, #tpu.memory_space<vmem>>
      %dma_start3A_668 = arith.constant 0 : i32
      %dma_start3A_669 = tpu.memref_slice %arg4[%reduce_max3A_649, %dma_start3A_668] : memref<100000x29xf32, #tpu.memory_space<hbm>> -> memref<1x29xf32, #tpu.memory_space<hbm>>
      tpu.enqueue_dma source(%dma_start3A_669 : memref<1x29xf32, #tpu.memory_space<hbm>>) target(%dma_start3A_667 : memref<1x29xf32, #tpu.memory_space<vmem>>) target_semaphore(%arg22 : memref<!tpu.dma_semaphore, #tpu.memory_space<semaphore_mem>>)
      %dma_start3A_670 = arith.constant 0 : i32
      %dma_start3A_671 = tpu.memref_slice %arg18[%add3A_653, %dma_start3A_670] : memref<128x90xf32, #tpu.memory_space<vmem>> -> memref<1x90xf32, #tpu.memory_space<vmem>>
      %dma_start3A_672 = arith.constant 0 : i32
      %dma_start3A_673 = tpu.memref_slice %arg5[%reduce_max3A_649, %dma_start3A_672] : memref<100000x90xf32, #tpu.memory_space<hbm>> -> memref<1x90xf32, #tpu.memory_space<hbm>>
      %dma_start3A_674 = arith.constant 0 : i32
      %dma_start3A_675 = tpu.memref_slice %arg18[%add3A_653, %dma_start3A_674] : memref<128x90xf32, #tpu.memory_space<vmem>> -> memref<1x90xf32, #tpu.memory_space<vmem>>
      %dma_start3A_676 = arith.constant 0 : i32
      %dma_start3A_677 = tpu.memref_slice %arg5[%reduce_max3A_649, %dma_start3A_676] : memref<100000x90xf32, #tpu.memory_space<hbm>> -> memref<1x90xf32, #tpu.memory_space<hbm>>
      tpu.enqueue_dma source(%dma_start3A_677 : memref<1x90xf32, #tpu.memory_space<hbm>>) target(%dma_start3A_675 : memref<1x90xf32, #tpu.memory_space<vmem>>) target_semaphore(%arg22 : memref<!tpu.dma_semaphore, #tpu.memory_space<semaphore_mem>>)
      %dma_start3A_678 = arith.constant 0 : i32
      %dma_start3A_679 = tpu.memref_slice %arg19[%add3A_653, %dma_start3A_678] : memref<128x120xf32, #tpu.memory_space<vmem>> -> memref<1x120xf32, #tpu.memory_space<vmem>>
      %dma_start3A_680 = arith.constant 0 : i32
      %dma_start3A_681 = tpu.memref_slice %arg6[%reduce_max3A_649, %dma_start3A_680] : memref<100000x120xf32, #tpu.memory_space<hbm>> -> memref<1x120xf32, #tpu.memory_space<hbm>>
      %dma_start3A_682 = arith.constant 0 : i32
      %dma_start3A_683 = tpu.memref_slice %arg19[%add3A_653, %dma_start3A_682] : memref<128x120xf32, #tpu.memory_space<vmem>> -> memref<1x120xf32, #tpu.memory_space<vmem>>
      %dma_start3A_684 = arith.constant 0 : i32
      %dma_start3A_685 = tpu.memref_slice %arg6[%reduce_max3A_649, %dma_start3A_684] : memref<100000x120xf32, #tpu.memory_space<hbm>> -> memref<1x120xf32, #tpu.memory_space<hbm>>
      tpu.enqueue_dma source(%dma_start3A_685 : memref<1x120xf32, #tpu.memory_space<hbm>>) target(%dma_start3A_683 : memref<1x120xf32, #tpu.memory_space<vmem>>) target_semaphore(%arg22 : memref<!tpu.dma_semaphore, #tpu.memory_space<semaphore_mem>>)
      %dma_start3A_686 = arith.constant 0 : i32
      %dma_start3A_687 = tpu.memref_slice %arg20[%add3A_653, %dma_start3A_686] : memref<128x90xf32, #tpu.memory_space<vmem>> -> memref<1x90xf32, #tpu.memory_space<vmem>>
      %dma_start3A_688 = arith.constant 0 : i32
      %dma_start3A_689 = tpu.memref_slice %arg7[%reduce_max3A_649, %dma_start3A_688] : memref<100000x90xf32, #tpu.memory_space<hbm>> -> memref<1x90xf32, #tpu.memory_space<hbm>>
      %dma_start3A_690 = arith.constant 0 : i32
      %dma_start3A_691 = tpu.memref_slice %arg20[%add3A_653, %dma_start3A_690] : memref<128x90xf32, #tpu.memory_space<vmem>> -> memref<1x90xf32, #tpu.memory_space<vmem>>
      %dma_start3A_692 = arith.constant 0 : i32
      %dma_start3A_693 = tpu.memref_slice %arg7[%reduce_max3A_649, %dma_start3A_692] : memref<100000x90xf32, #tpu.memory_space<hbm>> -> memref<1x90xf32, #tpu.memory_space<hbm>>
      tpu.enqueue_dma source(%dma_start3A_693 : memref<1x90xf32, #tpu.memory_space<hbm>>) target(%dma_start3A_691 : memref<1x90xf32, #tpu.memory_space<vmem>>) target_semaphore(%arg22 : memref<!tpu.dma_semaphore, #tpu.memory_space<semaphore_mem>>)
      %dma_start3A_694 = arith.constant 0 : i32
      %dma_start3A_695 = tpu.memref_slice %arg21[%add3A_653, %dma_start3A_694] : memref<128x90xf32, #tpu.memory_space<vmem>> -> memref<1x90xf32, #tpu.memory_space<vmem>>
      %dma_start3A_696 = arith.constant 0 : i32
      %dma_start3A_697 = tpu.memref_slice %arg8[%reduce_max3A_649, %dma_start3A_696] : memref<100000x90xf32, #tpu.memory_space<hbm>> -> memref<1x90xf32, #tpu.memory_space<hbm>>
      %dma_start3A_698 = arith.constant 0 : i32
      %dma_start3A_699 = tpu.memref_slice %arg21[%add3A_653, %dma_start3A_698] : memref<128x90xf32, #tpu.memory_space<vmem>> -> memref<1x90xf32, #tpu.memory_space<vmem>>
      %dma_start3A_700 = arith.constant 0 : i32
      %dma_start3A_701 = tpu.memref_slice %arg8[%reduce_max3A_649, %dma_start3A_700] : memref<100000x90xf32, #tpu.memory_space<hbm>> -> memref<1x90xf32, #tpu.memory_space<hbm>>
      tpu.enqueue_dma source(%dma_start3A_701 : memref<1x90xf32, #tpu.memory_space<hbm>>) target(%dma_start3A_699 : memref<1x90xf32, #tpu.memory_space<vmem>>) target_semaphore(%arg22 : memref<!tpu.dma_semaphore, #tpu.memory_space<semaphore_mem>>)
      %eq3A_702 = arith.constant 10 : i32
      %eq3A_703 = vector.broadcast %eq3A_702 : i32 to vector<16xi32>
      %eq3A_704 = arith.cmpi eq, %iota3A, %eq3A_703 : vector<16xi32>
      %jit3A_705 = arith.constant 0 : i32
      %broadcast_in_dim3A_706 = vector.broadcast %jit3A_705 : i32 to vector<16xi32>
      %select_n3A_707 = arith.select %eq3A_704, %min3A_47, %broadcast_in_dim3A_706 : vector<16xi1>, vector<16xi32>
      %reduce_max3A_708 = arith.constant true
      %reduce_max3A_709 = vector.broadcast %reduce_max3A_708 : i1 to vector<16xi1>
      %reduce_max3A_710 = arith.constant -2147483648 : i32
      %reduce_max3A_711 = vector.broadcast %reduce_max3A_710 : i32 to vector<16xi32>
      %reduce_max3A_712 = arith.xori %select_n3A_707, %reduce_max3A_711 : vector<16xi32>
      %reduce_max3A_713 = tpu.scan <max>, %reduce_max3A_712 masked %reduce_max3A_709 : vector<16xi32>, vector<16xi1> -> vector<16xi32>
      %reduce_max3A_714 = arith.xori %reduce_max3A_713, %reduce_max3A_711 : vector<16xi32>
      %reduce_max3A_715 = vector.extract %reduce_max3A_714[15] : i32 from vector<16xi32>
      %mul3A_716 = arith.constant 16 : i32
      %mul3A_717 = arith.muli %scan3A_42, %mul3A_716 : i32
      %add3A_718 = arith.constant 10 : i32
      %add3A_719 = arith.addi %mul3A_717, %add3A_718 : i32
      %dma_start3A_720 = arith.constant 0 : i32
      %dma_start3A_721 = tpu.memref_slice %arg16[%add3A_719, %dma_start3A_720] : memref<128x29xf32, #tpu.memory_space<vmem>> -> memref<1x29xf32, #tpu.memory_space<vmem>>
      %dma_start3A_722 = arith.constant 0 : i32
      %dma_start3A_723 = tpu.memref_slice %arg3[%reduce_max3A_715, %dma_start3A_722] : memref<100000x29xf32, #tpu.memory_space<hbm>> -> memref<1x29xf32, #tpu.memory_space<hbm>>
      %dma_start3A_724 = arith.constant 0 : i32
      %dma_start3A_725 = tpu.memref_slice %arg16[%add3A_719, %dma_start3A_724] : memref<128x29xf32, #tpu.memory_space<vmem>> -> memref<1x29xf32, #tpu.memory_space<vmem>>
      %dma_start3A_726 = arith.constant 0 : i32
      %dma_start3A_727 = tpu.memref_slice %arg3[%reduce_max3A_715, %dma_start3A_726] : memref<100000x29xf32, #tpu.memory_space<hbm>> -> memref<1x29xf32, #tpu.memory_space<hbm>>
      tpu.enqueue_dma source(%dma_start3A_727 : memref<1x29xf32, #tpu.memory_space<hbm>>) target(%dma_start3A_725 : memref<1x29xf32, #tpu.memory_space<vmem>>) target_semaphore(%arg22 : memref<!tpu.dma_semaphore, #tpu.memory_space<semaphore_mem>>)
      %dma_start3A_728 = arith.constant 0 : i32
      %dma_start3A_729 = tpu.memref_slice %arg17[%add3A_719, %dma_start3A_728] : memref<128x29xf32, #tpu.memory_space<vmem>> -> memref<1x29xf32, #tpu.memory_space<vmem>>
      %dma_start3A_730 = arith.constant 0 : i32
      %dma_start3A_731 = tpu.memref_slice %arg4[%reduce_max3A_715, %dma_start3A_730] : memref<100000x29xf32, #tpu.memory_space<hbm>> -> memref<1x29xf32, #tpu.memory_space<hbm>>
      %dma_start3A_732 = arith.constant 0 : i32
      %dma_start3A_733 = tpu.memref_slice %arg17[%add3A_719, %dma_start3A_732] : memref<128x29xf32, #tpu.memory_space<vmem>> -> memref<1x29xf32, #tpu.memory_space<vmem>>
      %dma_start3A_734 = arith.constant 0 : i32
      %dma_start3A_735 = tpu.memref_slice %arg4[%reduce_max3A_715, %dma_start3A_734] : memref<100000x29xf32, #tpu.memory_space<hbm>> -> memref<1x29xf32, #tpu.memory_space<hbm>>
      tpu.enqueue_dma source(%dma_start3A_735 : memref<1x29xf32, #tpu.memory_space<hbm>>) target(%dma_start3A_733 : memref<1x29xf32, #tpu.memory_space<vmem>>) target_semaphore(%arg22 : memref<!tpu.dma_semaphore, #tpu.memory_space<semaphore_mem>>)
      %dma_start3A_736 = arith.constant 0 : i32
      %dma_start3A_737 = tpu.memref_slice %arg18[%add3A_719, %dma_start3A_736] : memref<128x90xf32, #tpu.memory_space<vmem>> -> memref<1x90xf32, #tpu.memory_space<vmem>>
      %dma_start3A_738 = arith.constant 0 : i32
      %dma_start3A_739 = tpu.memref_slice %arg5[%reduce_max3A_715, %dma_start3A_738] : memref<100000x90xf32, #tpu.memory_space<hbm>> -> memref<1x90xf32, #tpu.memory_space<hbm>>
      %dma_start3A_740 = arith.constant 0 : i32
      %dma_start3A_741 = tpu.memref_slice %arg18[%add3A_719, %dma_start3A_740] : memref<128x90xf32, #tpu.memory_space<vmem>> -> memref<1x90xf32, #tpu.memory_space<vmem>>
      %dma_start3A_742 = arith.constant 0 : i32
      %dma_start3A_743 = tpu.memref_slice %arg5[%reduce_max3A_715, %dma_start3A_742] : memref<100000x90xf32, #tpu.memory_space<hbm>> -> memref<1x90xf32, #tpu.memory_space<hbm>>
      tpu.enqueue_dma source(%dma_start3A_743 : memref<1x90xf32, #tpu.memory_space<hbm>>) target(%dma_start3A_741 : memref<1x90xf32, #tpu.memory_space<vmem>>) target_semaphore(%arg22 : memref<!tpu.dma_semaphore, #tpu.memory_space<semaphore_mem>>)
      %dma_start3A_744 = arith.constant 0 : i32
      %dma_start3A_745 = tpu.memref_slice %arg19[%add3A_719, %dma_start3A_744] : memref<128x120xf32, #tpu.memory_space<vmem>> -> memref<1x120xf32, #tpu.memory_space<vmem>>
      %dma_start3A_746 = arith.constant 0 : i32
      %dma_start3A_747 = tpu.memref_slice %arg6[%reduce_max3A_715, %dma_start3A_746] : memref<100000x120xf32, #tpu.memory_space<hbm>> -> memref<1x120xf32, #tpu.memory_space<hbm>>
      %dma_start3A_748 = arith.constant 0 : i32
      %dma_start3A_749 = tpu.memref_slice %arg19[%add3A_719, %dma_start3A_748] : memref<128x120xf32, #tpu.memory_space<vmem>> -> memref<1x120xf32, #tpu.memory_space<vmem>>
      %dma_start3A_750 = arith.constant 0 : i32
      %dma_start3A_751 = tpu.memref_slice %arg6[%reduce_max3A_715, %dma_start3A_750] : memref<100000x120xf32, #tpu.memory_space<hbm>> -> memref<1x120xf32, #tpu.memory_space<hbm>>
      tpu.enqueue_dma source(%dma_start3A_751 : memref<1x120xf32, #tpu.memory_space<hbm>>) target(%dma_start3A_749 : memref<1x120xf32, #tpu.memory_space<vmem>>) target_semaphore(%arg22 : memref<!tpu.dma_semaphore, #tpu.memory_space<semaphore_mem>>)
      %dma_start3A_752 = arith.constant 0 : i32
      %dma_start3A_753 = tpu.memref_slice %arg20[%add3A_719, %dma_start3A_752] : memref<128x90xf32, #tpu.memory_space<vmem>> -> memref<1x90xf32, #tpu.memory_space<vmem>>
      %dma_start3A_754 = arith.constant 0 : i32
      %dma_start3A_755 = tpu.memref_slice %arg7[%reduce_max3A_715, %dma_start3A_754] : memref<100000x90xf32, #tpu.memory_space<hbm>> -> memref<1x90xf32, #tpu.memory_space<hbm>>
      %dma_start3A_756 = arith.constant 0 : i32
      %dma_start3A_757 = tpu.memref_slice %arg20[%add3A_719, %dma_start3A_756] : memref<128x90xf32, #tpu.memory_space<vmem>> -> memref<1x90xf32, #tpu.memory_space<vmem>>
      %dma_start3A_758 = arith.constant 0 : i32
      %dma_start3A_759 = tpu.memref_slice %arg7[%reduce_max3A_715, %dma_start3A_758] : memref<100000x90xf32, #tpu.memory_space<hbm>> -> memref<1x90xf32, #tpu.memory_space<hbm>>
      tpu.enqueue_dma source(%dma_start3A_759 : memref<1x90xf32, #tpu.memory_space<hbm>>) target(%dma_start3A_757 : memref<1x90xf32, #tpu.memory_space<vmem>>) target_semaphore(%arg22 : memref<!tpu.dma_semaphore, #tpu.memory_space<semaphore_mem>>)
      %dma_start3A_760 = arith.constant 0 : i32
      %dma_start3A_761 = tpu.memref_slice %arg21[%add3A_719, %dma_start3A_760] : memref<128x90xf32, #tpu.memory_space<vmem>> -> memref<1x90xf32, #tpu.memory_space<vmem>>
      %dma_start3A_762 = arith.constant 0 : i32
      %dma_start3A_763 = tpu.memref_slice %arg8[%reduce_max3A_715, %dma_start3A_762] : memref<100000x90xf32, #tpu.memory_space<hbm>> -> memref<1x90xf32, #tpu.memory_space<hbm>>
      %dma_start3A_764 = arith.constant 0 : i32
      %dma_start3A_765 = tpu.memref_slice %arg21[%add3A_719, %dma_start3A_764] : memref<128x90xf32, #tpu.memory_space<vmem>> -> memref<1x90xf32, #tpu.memory_space<vmem>>
      %dma_start3A_766 = arith.constant 0 : i32
      %dma_start3A_767 = tpu.memref_slice %arg8[%reduce_max3A_715, %dma_start3A_766] : memref<100000x90xf32, #tpu.memory_space<hbm>> -> memref<1x90xf32, #tpu.memory_space<hbm>>
      tpu.enqueue_dma source(%dma_start3A_767 : memref<1x90xf32, #tpu.memory_space<hbm>>) target(%dma_start3A_765 : memref<1x90xf32, #tpu.memory_space<vmem>>) target_semaphore(%arg22 : memref<!tpu.dma_semaphore, #tpu.memory_space<semaphore_mem>>)
      %eq3A_768 = arith.constant 11 : i32
      %eq3A_769 = vector.broadcast %eq3A_768 : i32 to vector<16xi32>
      %eq3A_770 = arith.cmpi eq, %iota3A, %eq3A_769 : vector<16xi32>
      %jit3A_771 = arith.constant 0 : i32
      %broadcast_in_dim3A_772 = vector.broadcast %jit3A_771 : i32 to vector<16xi32>
      %select_n3A_773 = arith.select %eq3A_770, %min3A_47, %broadcast_in_dim3A_772 : vector<16xi1>, vector<16xi32>
      %reduce_max3A_774 = arith.constant true
      %reduce_max3A_775 = vector.broadcast %reduce_max3A_774 : i1 to vector<16xi1>
      %reduce_max3A_776 = arith.constant -2147483648 : i32
      %reduce_max3A_777 = vector.broadcast %reduce_max3A_776 : i32 to vector<16xi32>
      %reduce_max3A_778 = arith.xori %select_n3A_773, %reduce_max3A_777 : vector<16xi32>
      %reduce_max3A_779 = tpu.scan <max>, %reduce_max3A_778 masked %reduce_max3A_775 : vector<16xi32>, vector<16xi1> -> vector<16xi32>
      %reduce_max3A_780 = arith.xori %reduce_max3A_779, %reduce_max3A_777 : vector<16xi32>
      %reduce_max3A_781 = vector.extract %reduce_max3A_780[15] : i32 from vector<16xi32>
      %mul3A_782 = arith.constant 16 : i32
      %mul3A_783 = arith.muli %scan3A_42, %mul3A_782 : i32
      %add3A_784 = arith.constant 11 : i32
      %add3A_785 = arith.addi %mul3A_783, %add3A_784 : i32
      %dma_start3A_786 = arith.constant 0 : i32
      %dma_start3A_787 = tpu.memref_slice %arg16[%add3A_785, %dma_start3A_786] : memref<128x29xf32, #tpu.memory_space<vmem>> -> memref<1x29xf32, #tpu.memory_space<vmem>>
      %dma_start3A_788 = arith.constant 0 : i32
      %dma_start3A_789 = tpu.memref_slice %arg3[%reduce_max3A_781, %dma_start3A_788] : memref<100000x29xf32, #tpu.memory_space<hbm>> -> memref<1x29xf32, #tpu.memory_space<hbm>>
      %dma_start3A_790 = arith.constant 0 : i32
      %dma_start3A_791 = tpu.memref_slice %arg16[%add3A_785, %dma_start3A_790] : memref<128x29xf32, #tpu.memory_space<vmem>> -> memref<1x29xf32, #tpu.memory_space<vmem>>
      %dma_start3A_792 = arith.constant 0 : i32
      %dma_start3A_793 = tpu.memref_slice %arg3[%reduce_max3A_781, %dma_start3A_792] : memref<100000x29xf32, #tpu.memory_space<hbm>> -> memref<1x29xf32, #tpu.memory_space<hbm>>
      tpu.enqueue_dma source(%dma_start3A_793 : memref<1x29xf32, #tpu.memory_space<hbm>>) target(%dma_start3A_791 : memref<1x29xf32, #tpu.memory_space<vmem>>) target_semaphore(%arg22 : memref<!tpu.dma_semaphore, #tpu.memory_space<semaphore_mem>>)
      %dma_start3A_794 = arith.constant 0 : i32
      %dma_start3A_795 = tpu.memref_slice %arg17[%add3A_785, %dma_start3A_794] : memref<128x29xf32, #tpu.memory_space<vmem>> -> memref<1x29xf32, #tpu.memory_space<vmem>>
      %dma_start3A_796 = arith.constant 0 : i32
      %dma_start3A_797 = tpu.memref_slice %arg4[%reduce_max3A_781, %dma_start3A_796] : memref<100000x29xf32, #tpu.memory_space<hbm>> -> memref<1x29xf32, #tpu.memory_space<hbm>>
      %dma_start3A_798 = arith.constant 0 : i32
      %dma_start3A_799 = tpu.memref_slice %arg17[%add3A_785, %dma_start3A_798] : memref<128x29xf32, #tpu.memory_space<vmem>> -> memref<1x29xf32, #tpu.memory_space<vmem>>
      %dma_start3A_800 = arith.constant 0 : i32
      %dma_start3A_801 = tpu.memref_slice %arg4[%reduce_max3A_781, %dma_start3A_800] : memref<100000x29xf32, #tpu.memory_space<hbm>> -> memref<1x29xf32, #tpu.memory_space<hbm>>
      tpu.enqueue_dma source(%dma_start3A_801 : memref<1x29xf32, #tpu.memory_space<hbm>>) target(%dma_start3A_799 : memref<1x29xf32, #tpu.memory_space<vmem>>) target_semaphore(%arg22 : memref<!tpu.dma_semaphore, #tpu.memory_space<semaphore_mem>>)
      %dma_start3A_802 = arith.constant 0 : i32
      %dma_start3A_803 = tpu.memref_slice %arg18[%add3A_785, %dma_start3A_802] : memref<128x90xf32, #tpu.memory_space<vmem>> -> memref<1x90xf32, #tpu.memory_space<vmem>>
      %dma_start3A_804 = arith.constant 0 : i32
      %dma_start3A_805 = tpu.memref_slice %arg5[%reduce_max3A_781, %dma_start3A_804] : memref<100000x90xf32, #tpu.memory_space<hbm>> -> memref<1x90xf32, #tpu.memory_space<hbm>>
      %dma_start3A_806 = arith.constant 0 : i32
      %dma_start3A_807 = tpu.memref_slice %arg18[%add3A_785, %dma_start3A_806] : memref<128x90xf32, #tpu.memory_space<vmem>> -> memref<1x90xf32, #tpu.memory_space<vmem>>
      %dma_start3A_808 = arith.constant 0 : i32
      %dma_start3A_809 = tpu.memref_slice %arg5[%reduce_max3A_781, %dma_start3A_808] : memref<100000x90xf32, #tpu.memory_space<hbm>> -> memref<1x90xf32, #tpu.memory_space<hbm>>
      tpu.enqueue_dma source(%dma_start3A_809 : memref<1x90xf32, #tpu.memory_space<hbm>>) target(%dma_start3A_807 : memref<1x90xf32, #tpu.memory_space<vmem>>) target_semaphore(%arg22 : memref<!tpu.dma_semaphore, #tpu.memory_space<semaphore_mem>>)
      %dma_start3A_810 = arith.constant 0 : i32
      %dma_start3A_811 = tpu.memref_slice %arg19[%add3A_785, %dma_start3A_810] : memref<128x120xf32, #tpu.memory_space<vmem>> -> memref<1x120xf32, #tpu.memory_space<vmem>>
      %dma_start3A_812 = arith.constant 0 : i32
      %dma_start3A_813 = tpu.memref_slice %arg6[%reduce_max3A_781, %dma_start3A_812] : memref<100000x120xf32, #tpu.memory_space<hbm>> -> memref<1x120xf32, #tpu.memory_space<hbm>>
      %dma_start3A_814 = arith.constant 0 : i32
      %dma_start3A_815 = tpu.memref_slice %arg19[%add3A_785, %dma_start3A_814] : memref<128x120xf32, #tpu.memory_space<vmem>> -> memref<1x120xf32, #tpu.memory_space<vmem>>
      %dma_start3A_816 = arith.constant 0 : i32
      %dma_start3A_817 = tpu.memref_slice %arg6[%reduce_max3A_781, %dma_start3A_816] : memref<100000x120xf32, #tpu.memory_space<hbm>> -> memref<1x120xf32, #tpu.memory_space<hbm>>
      tpu.enqueue_dma source(%dma_start3A_817 : memref<1x120xf32, #tpu.memory_space<hbm>>) target(%dma_start3A_815 : memref<1x120xf32, #tpu.memory_space<vmem>>) target_semaphore(%arg22 : memref<!tpu.dma_semaphore, #tpu.memory_space<semaphore_mem>>)
      %dma_start3A_818 = arith.constant 0 : i32
      %dma_start3A_819 = tpu.memref_slice %arg20[%add3A_785, %dma_start3A_818] : memref<128x90xf32, #tpu.memory_space<vmem>> -> memref<1x90xf32, #tpu.memory_space<vmem>>
      %dma_start3A_820 = arith.constant 0 : i32
      %dma_start3A_821 = tpu.memref_slice %arg7[%reduce_max3A_781, %dma_start3A_820] : memref<100000x90xf32, #tpu.memory_space<hbm>> -> memref<1x90xf32, #tpu.memory_space<hbm>>
      %dma_start3A_822 = arith.constant 0 : i32
      %dma_start3A_823 = tpu.memref_slice %arg20[%add3A_785, %dma_start3A_822] : memref<128x90xf32, #tpu.memory_space<vmem>> -> memref<1x90xf32, #tpu.memory_space<vmem>>
      %dma_start3A_824 = arith.constant 0 : i32
      %dma_start3A_825 = tpu.memref_slice %arg7[%reduce_max3A_781, %dma_start3A_824] : memref<100000x90xf32, #tpu.memory_space<hbm>> -> memref<1x90xf32, #tpu.memory_space<hbm>>
      tpu.enqueue_dma source(%dma_start3A_825 : memref<1x90xf32, #tpu.memory_space<hbm>>) target(%dma_start3A_823 : memref<1x90xf32, #tpu.memory_space<vmem>>) target_semaphore(%arg22 : memref<!tpu.dma_semaphore, #tpu.memory_space<semaphore_mem>>)
      %dma_start3A_826 = arith.constant 0 : i32
      %dma_start3A_827 = tpu.memref_slice %arg21[%add3A_785, %dma_start3A_826] : memref<128x90xf32, #tpu.memory_space<vmem>> -> memref<1x90xf32, #tpu.memory_space<vmem>>
      %dma_start3A_828 = arith.constant 0 : i32
      %dma_start3A_829 = tpu.memref_slice %arg8[%reduce_max3A_781, %dma_start3A_828] : memref<100000x90xf32, #tpu.memory_space<hbm>> -> memref<1x90xf32, #tpu.memory_space<hbm>>
      %dma_start3A_830 = arith.constant 0 : i32
      %dma_start3A_831 = tpu.memref_slice %arg21[%add3A_785, %dma_start3A_830] : memref<128x90xf32, #tpu.memory_space<vmem>> -> memref<1x90xf32, #tpu.memory_space<vmem>>
      %dma_start3A_832 = arith.constant 0 : i32
      %dma_start3A_833 = tpu.memref_slice %arg8[%reduce_max3A_781, %dma_start3A_832] : memref<100000x90xf32, #tpu.memory_space<hbm>> -> memref<1x90xf32, #tpu.memory_space<hbm>>
      tpu.enqueue_dma source(%dma_start3A_833 : memref<1x90xf32, #tpu.memory_space<hbm>>) target(%dma_start3A_831 : memref<1x90xf32, #tpu.memory_space<vmem>>) target_semaphore(%arg22 : memref<!tpu.dma_semaphore, #tpu.memory_space<semaphore_mem>>)
      %eq3A_834 = arith.constant 12 : i32
      %eq3A_835 = vector.broadcast %eq3A_834 : i32 to vector<16xi32>
      %eq3A_836 = arith.cmpi eq, %iota3A, %eq3A_835 : vector<16xi32>
      %jit3A_837 = arith.constant 0 : i32
      %broadcast_in_dim3A_838 = vector.broadcast %jit3A_837 : i32 to vector<16xi32>
      %select_n3A_839 = arith.select %eq3A_836, %min3A_47, %broadcast_in_dim3A_838 : vector<16xi1>, vector<16xi32>
      %reduce_max3A_840 = arith.constant true
      %reduce_max3A_841 = vector.broadcast %reduce_max3A_840 : i1 to vector<16xi1>
      %reduce_max3A_842 = arith.constant -2147483648 : i32
      %reduce_max3A_843 = vector.broadcast %reduce_max3A_842 : i32 to vector<16xi32>
      %reduce_max3A_844 = arith.xori %select_n3A_839, %reduce_max3A_843 : vector<16xi32>
      %reduce_max3A_845 = tpu.scan <max>, %reduce_max3A_844 masked %reduce_max3A_841 : vector<16xi32>, vector<16xi1> -> vector<16xi32>
      %reduce_max3A_846 = arith.xori %reduce_max3A_845, %reduce_max3A_843 : vector<16xi32>
      %reduce_max3A_847 = vector.extract %reduce_max3A_846[15] : i32 from vector<16xi32>
      %mul3A_848 = arith.constant 16 : i32
      %mul3A_849 = arith.muli %scan3A_42, %mul3A_848 : i32
      %add3A_850 = arith.constant 12 : i32
      %add3A_851 = arith.addi %mul3A_849, %add3A_850 : i32
      %dma_start3A_852 = arith.constant 0 : i32
      %dma_start3A_853 = tpu.memref_slice %arg16[%add3A_851, %dma_start3A_852] : memref<128x29xf32, #tpu.memory_space<vmem>> -> memref<1x29xf32, #tpu.memory_space<vmem>>
      %dma_start3A_854 = arith.constant 0 : i32
      %dma_start3A_855 = tpu.memref_slice %arg3[%reduce_max3A_847, %dma_start3A_854] : memref<100000x29xf32, #tpu.memory_space<hbm>> -> memref<1x29xf32, #tpu.memory_space<hbm>>
      %dma_start3A_856 = arith.constant 0 : i32
      %dma_start3A_857 = tpu.memref_slice %arg16[%add3A_851, %dma_start3A_856] : memref<128x29xf32, #tpu.memory_space<vmem>> -> memref<1x29xf32, #tpu.memory_space<vmem>>
      %dma_start3A_858 = arith.constant 0 : i32
      %dma_start3A_859 = tpu.memref_slice %arg3[%reduce_max3A_847, %dma_start3A_858] : memref<100000x29xf32, #tpu.memory_space<hbm>> -> memref<1x29xf32, #tpu.memory_space<hbm>>
      tpu.enqueue_dma source(%dma_start3A_859 : memref<1x29xf32, #tpu.memory_space<hbm>>) target(%dma_start3A_857 : memref<1x29xf32, #tpu.memory_space<vmem>>) target_semaphore(%arg22 : memref<!tpu.dma_semaphore, #tpu.memory_space<semaphore_mem>>)
      %dma_start3A_860 = arith.constant 0 : i32
      %dma_start3A_861 = tpu.memref_slice %arg17[%add3A_851, %dma_start3A_860] : memref<128x29xf32, #tpu.memory_space<vmem>> -> memref<1x29xf32, #tpu.memory_space<vmem>>
      %dma_start3A_862 = arith.constant 0 : i32
      %dma_start3A_863 = tpu.memref_slice %arg4[%reduce_max3A_847, %dma_start3A_862] : memref<100000x29xf32, #tpu.memory_space<hbm>> -> memref<1x29xf32, #tpu.memory_space<hbm>>
      %dma_start3A_864 = arith.constant 0 : i32
      %dma_start3A_865 = tpu.memref_slice %arg17[%add3A_851, %dma_start3A_864] : memref<128x29xf32, #tpu.memory_space<vmem>> -> memref<1x29xf32, #tpu.memory_space<vmem>>
      %dma_start3A_866 = arith.constant 0 : i32
      %dma_start3A_867 = tpu.memref_slice %arg4[%reduce_max3A_847, %dma_start3A_866] : memref<100000x29xf32, #tpu.memory_space<hbm>> -> memref<1x29xf32, #tpu.memory_space<hbm>>
      tpu.enqueue_dma source(%dma_start3A_867 : memref<1x29xf32, #tpu.memory_space<hbm>>) target(%dma_start3A_865 : memref<1x29xf32, #tpu.memory_space<vmem>>) target_semaphore(%arg22 : memref<!tpu.dma_semaphore, #tpu.memory_space<semaphore_mem>>)
      %dma_start3A_868 = arith.constant 0 : i32
      %dma_start3A_869 = tpu.memref_slice %arg18[%add3A_851, %dma_start3A_868] : memref<128x90xf32, #tpu.memory_space<vmem>> -> memref<1x90xf32, #tpu.memory_space<vmem>>
      %dma_start3A_870 = arith.constant 0 : i32
      %dma_start3A_871 = tpu.memref_slice %arg5[%reduce_max3A_847, %dma_start3A_870] : memref<100000x90xf32, #tpu.memory_space<hbm>> -> memref<1x90xf32, #tpu.memory_space<hbm>>
      %dma_start3A_872 = arith.constant 0 : i32
      %dma_start3A_873 = tpu.memref_slice %arg18[%add3A_851, %dma_start3A_872] : memref<128x90xf32, #tpu.memory_space<vmem>> -> memref<1x90xf32, #tpu.memory_space<vmem>>
      %dma_start3A_874 = arith.constant 0 : i32
      %dma_start3A_875 = tpu.memref_slice %arg5[%reduce_max3A_847, %dma_start3A_874] : memref<100000x90xf32, #tpu.memory_space<hbm>> -> memref<1x90xf32, #tpu.memory_space<hbm>>
      tpu.enqueue_dma source(%dma_start3A_875 : memref<1x90xf32, #tpu.memory_space<hbm>>) target(%dma_start3A_873 : memref<1x90xf32, #tpu.memory_space<vmem>>) target_semaphore(%arg22 : memref<!tpu.dma_semaphore, #tpu.memory_space<semaphore_mem>>)
      %dma_start3A_876 = arith.constant 0 : i32
      %dma_start3A_877 = tpu.memref_slice %arg19[%add3A_851, %dma_start3A_876] : memref<128x120xf32, #tpu.memory_space<vmem>> -> memref<1x120xf32, #tpu.memory_space<vmem>>
      %dma_start3A_878 = arith.constant 0 : i32
      %dma_start3A_879 = tpu.memref_slice %arg6[%reduce_max3A_847, %dma_start3A_878] : memref<100000x120xf32, #tpu.memory_space<hbm>> -> memref<1x120xf32, #tpu.memory_space<hbm>>
      %dma_start3A_880 = arith.constant 0 : i32
      %dma_start3A_881 = tpu.memref_slice %arg19[%add3A_851, %dma_start3A_880] : memref<128x120xf32, #tpu.memory_space<vmem>> -> memref<1x120xf32, #tpu.memory_space<vmem>>
      %dma_start3A_882 = arith.constant 0 : i32
      %dma_start3A_883 = tpu.memref_slice %arg6[%reduce_max3A_847, %dma_start3A_882] : memref<100000x120xf32, #tpu.memory_space<hbm>> -> memref<1x120xf32, #tpu.memory_space<hbm>>
      tpu.enqueue_dma source(%dma_start3A_883 : memref<1x120xf32, #tpu.memory_space<hbm>>) target(%dma_start3A_881 : memref<1x120xf32, #tpu.memory_space<vmem>>) target_semaphore(%arg22 : memref<!tpu.dma_semaphore, #tpu.memory_space<semaphore_mem>>)
      %dma_start3A_884 = arith.constant 0 : i32
      %dma_start3A_885 = tpu.memref_slice %arg20[%add3A_851, %dma_start3A_884] : memref<128x90xf32, #tpu.memory_space<vmem>> -> memref<1x90xf32, #tpu.memory_space<vmem>>
      %dma_start3A_886 = arith.constant 0 : i32
      %dma_start3A_887 = tpu.memref_slice %arg7[%reduce_max3A_847, %dma_start3A_886] : memref<100000x90xf32, #tpu.memory_space<hbm>> -> memref<1x90xf32, #tpu.memory_space<hbm>>
      %dma_start3A_888 = arith.constant 0 : i32
      %dma_start3A_889 = tpu.memref_slice %arg20[%add3A_851, %dma_start3A_888] : memref<128x90xf32, #tpu.memory_space<vmem>> -> memref<1x90xf32, #tpu.memory_space<vmem>>
      %dma_start3A_890 = arith.constant 0 : i32
      %dma_start3A_891 = tpu.memref_slice %arg7[%reduce_max3A_847, %dma_start3A_890] : memref<100000x90xf32, #tpu.memory_space<hbm>> -> memref<1x90xf32, #tpu.memory_space<hbm>>
      tpu.enqueue_dma source(%dma_start3A_891 : memref<1x90xf32, #tpu.memory_space<hbm>>) target(%dma_start3A_889 : memref<1x90xf32, #tpu.memory_space<vmem>>) target_semaphore(%arg22 : memref<!tpu.dma_semaphore, #tpu.memory_space<semaphore_mem>>)
      %dma_start3A_892 = arith.constant 0 : i32
      %dma_start3A_893 = tpu.memref_slice %arg21[%add3A_851, %dma_start3A_892] : memref<128x90xf32, #tpu.memory_space<vmem>> -> memref<1x90xf32, #tpu.memory_space<vmem>>
      %dma_start3A_894 = arith.constant 0 : i32
      %dma_start3A_895 = tpu.memref_slice %arg8[%reduce_max3A_847, %dma_start3A_894] : memref<100000x90xf32, #tpu.memory_space<hbm>> -> memref<1x90xf32, #tpu.memory_space<hbm>>
      %dma_start3A_896 = arith.constant 0 : i32
      %dma_start3A_897 = tpu.memref_slice %arg21[%add3A_851, %dma_start3A_896] : memref<128x90xf32, #tpu.memory_space<vmem>> -> memref<1x90xf32, #tpu.memory_space<vmem>>
      %dma_start3A_898 = arith.constant 0 : i32
      %dma_start3A_899 = tpu.memref_slice %arg8[%reduce_max3A_847, %dma_start3A_898] : memref<100000x90xf32, #tpu.memory_space<hbm>> -> memref<1x90xf32, #tpu.memory_space<hbm>>
      tpu.enqueue_dma source(%dma_start3A_899 : memref<1x90xf32, #tpu.memory_space<hbm>>) target(%dma_start3A_897 : memref<1x90xf32, #tpu.memory_space<vmem>>) target_semaphore(%arg22 : memref<!tpu.dma_semaphore, #tpu.memory_space<semaphore_mem>>)
      %eq3A_900 = arith.constant 13 : i32
      %eq3A_901 = vector.broadcast %eq3A_900 : i32 to vector<16xi32>
      %eq3A_902 = arith.cmpi eq, %iota3A, %eq3A_901 : vector<16xi32>
      %jit3A_903 = arith.constant 0 : i32
      %broadcast_in_dim3A_904 = vector.broadcast %jit3A_903 : i32 to vector<16xi32>
      %select_n3A_905 = arith.select %eq3A_902, %min3A_47, %broadcast_in_dim3A_904 : vector<16xi1>, vector<16xi32>
      %reduce_max3A_906 = arith.constant true
      %reduce_max3A_907 = vector.broadcast %reduce_max3A_906 : i1 to vector<16xi1>
      %reduce_max3A_908 = arith.constant -2147483648 : i32
      %reduce_max3A_909 = vector.broadcast %reduce_max3A_908 : i32 to vector<16xi32>
      %reduce_max3A_910 = arith.xori %select_n3A_905, %reduce_max3A_909 : vector<16xi32>
      %reduce_max3A_911 = tpu.scan <max>, %reduce_max3A_910 masked %reduce_max3A_907 : vector<16xi32>, vector<16xi1> -> vector<16xi32>
      %reduce_max3A_912 = arith.xori %reduce_max3A_911, %reduce_max3A_909 : vector<16xi32>
      %reduce_max3A_913 = vector.extract %reduce_max3A_912[15] : i32 from vector<16xi32>
      %mul3A_914 = arith.constant 16 : i32
      %mul3A_915 = arith.muli %scan3A_42, %mul3A_914 : i32
      %add3A_916 = arith.constant 13 : i32
      %add3A_917 = arith.addi %mul3A_915, %add3A_916 : i32
      %dma_start3A_918 = arith.constant 0 : i32
      %dma_start3A_919 = tpu.memref_slice %arg16[%add3A_917, %dma_start3A_918] : memref<128x29xf32, #tpu.memory_space<vmem>> -> memref<1x29xf32, #tpu.memory_space<vmem>>
      %dma_start3A_920 = arith.constant 0 : i32
      %dma_start3A_921 = tpu.memref_slice %arg3[%reduce_max3A_913, %dma_start3A_920] : memref<100000x29xf32, #tpu.memory_space<hbm>> -> memref<1x29xf32, #tpu.memory_space<hbm>>
      %dma_start3A_922 = arith.constant 0 : i32
      %dma_start3A_923 = tpu.memref_slice %arg16[%add3A_917, %dma_start3A_922] : memref<128x29xf32, #tpu.memory_space<vmem>> -> memref<1x29xf32, #tpu.memory_space<vmem>>
      %dma_start3A_924 = arith.constant 0 : i32
      %dma_start3A_925 = tpu.memref_slice %arg3[%reduce_max3A_913, %dma_start3A_924] : memref<100000x29xf32, #tpu.memory_space<hbm>> -> memref<1x29xf32, #tpu.memory_space<hbm>>
      tpu.enqueue_dma source(%dma_start3A_925 : memref<1x29xf32, #tpu.memory_space<hbm>>) target(%dma_start3A_923 : memref<1x29xf32, #tpu.memory_space<vmem>>) target_semaphore(%arg22 : memref<!tpu.dma_semaphore, #tpu.memory_space<semaphore_mem>>)
      %dma_start3A_926 = arith.constant 0 : i32
      %dma_start3A_927 = tpu.memref_slice %arg17[%add3A_917, %dma_start3A_926] : memref<128x29xf32, #tpu.memory_space<vmem>> -> memref<1x29xf32, #tpu.memory_space<vmem>>
      %dma_start3A_928 = arith.constant 0 : i32
      %dma_start3A_929 = tpu.memref_slice %arg4[%reduce_max3A_913, %dma_start3A_928] : memref<100000x29xf32, #tpu.memory_space<hbm>> -> memref<1x29xf32, #tpu.memory_space<hbm>>
      %dma_start3A_930 = arith.constant 0 : i32
      %dma_start3A_931 = tpu.memref_slice %arg17[%add3A_917, %dma_start3A_930] : memref<128x29xf32, #tpu.memory_space<vmem>> -> memref<1x29xf32, #tpu.memory_space<vmem>>
      %dma_start3A_932 = arith.constant 0 : i32
      %dma_start3A_933 = tpu.memref_slice %arg4[%reduce_max3A_913, %dma_start3A_932] : memref<100000x29xf32, #tpu.memory_space<hbm>> -> memref<1x29xf32, #tpu.memory_space<hbm>>
      tpu.enqueue_dma source(%dma_start3A_933 : memref<1x29xf32, #tpu.memory_space<hbm>>) target(%dma_start3A_931 : memref<1x29xf32, #tpu.memory_space<vmem>>) target_semaphore(%arg22 : memref<!tpu.dma_semaphore, #tpu.memory_space<semaphore_mem>>)
      %dma_start3A_934 = arith.constant 0 : i32
      %dma_start3A_935 = tpu.memref_slice %arg18[%add3A_917, %dma_start3A_934] : memref<128x90xf32, #tpu.memory_space<vmem>> -> memref<1x90xf32, #tpu.memory_space<vmem>>
      %dma_start3A_936 = arith.constant 0 : i32
      %dma_start3A_937 = tpu.memref_slice %arg5[%reduce_max3A_913, %dma_start3A_936] : memref<100000x90xf32, #tpu.memory_space<hbm>> -> memref<1x90xf32, #tpu.memory_space<hbm>>
      %dma_start3A_938 = arith.constant 0 : i32
      %dma_start3A_939 = tpu.memref_slice %arg18[%add3A_917, %dma_start3A_938] : memref<128x90xf32, #tpu.memory_space<vmem>> -> memref<1x90xf32, #tpu.memory_space<vmem>>
      %dma_start3A_940 = arith.constant 0 : i32
      %dma_start3A_941 = tpu.memref_slice %arg5[%reduce_max3A_913, %dma_start3A_940] : memref<100000x90xf32, #tpu.memory_space<hbm>> -> memref<1x90xf32, #tpu.memory_space<hbm>>
      tpu.enqueue_dma source(%dma_start3A_941 : memref<1x90xf32, #tpu.memory_space<hbm>>) target(%dma_start3A_939 : memref<1x90xf32, #tpu.memory_space<vmem>>) target_semaphore(%arg22 : memref<!tpu.dma_semaphore, #tpu.memory_space<semaphore_mem>>)
      %dma_start3A_942 = arith.constant 0 : i32
      %dma_start3A_943 = tpu.memref_slice %arg19[%add3A_917, %dma_start3A_942] : memref<128x120xf32, #tpu.memory_space<vmem>> -> memref<1x120xf32, #tpu.memory_space<vmem>>
      %dma_start3A_944 = arith.constant 0 : i32
      %dma_start3A_945 = tpu.memref_slice %arg6[%reduce_max3A_913, %dma_start3A_944] : memref<100000x120xf32, #tpu.memory_space<hbm>> -> memref<1x120xf32, #tpu.memory_space<hbm>>
      %dma_start3A_946 = arith.constant 0 : i32
      %dma_start3A_947 = tpu.memref_slice %arg19[%add3A_917, %dma_start3A_946] : memref<128x120xf32, #tpu.memory_space<vmem>> -> memref<1x120xf32, #tpu.memory_space<vmem>>
      %dma_start3A_948 = arith.constant 0 : i32
      %dma_start3A_949 = tpu.memref_slice %arg6[%reduce_max3A_913, %dma_start3A_948] : memref<100000x120xf32, #tpu.memory_space<hbm>> -> memref<1x120xf32, #tpu.memory_space<hbm>>
      tpu.enqueue_dma source(%dma_start3A_949 : memref<1x120xf32, #tpu.memory_space<hbm>>) target(%dma_start3A_947 : memref<1x120xf32, #tpu.memory_space<vmem>>) target_semaphore(%arg22 : memref<!tpu.dma_semaphore, #tpu.memory_space<semaphore_mem>>)
      %dma_start3A_950 = arith.constant 0 : i32
      %dma_start3A_951 = tpu.memref_slice %arg20[%add3A_917, %dma_start3A_950] : memref<128x90xf32, #tpu.memory_space<vmem>> -> memref<1x90xf32, #tpu.memory_space<vmem>>
      %dma_start3A_952 = arith.constant 0 : i32
      %dma_start3A_953 = tpu.memref_slice %arg7[%reduce_max3A_913, %dma_start3A_952] : memref<100000x90xf32, #tpu.memory_space<hbm>> -> memref<1x90xf32, #tpu.memory_space<hbm>>
      %dma_start3A_954 = arith.constant 0 : i32
      %dma_start3A_955 = tpu.memref_slice %arg20[%add3A_917, %dma_start3A_954] : memref<128x90xf32, #tpu.memory_space<vmem>> -> memref<1x90xf32, #tpu.memory_space<vmem>>
      %dma_start3A_956 = arith.constant 0 : i32
      %dma_start3A_957 = tpu.memref_slice %arg7[%reduce_max3A_913, %dma_start3A_956] : memref<100000x90xf32, #tpu.memory_space<hbm>> -> memref<1x90xf32, #tpu.memory_space<hbm>>
      tpu.enqueue_dma source(%dma_start3A_957 : memref<1x90xf32, #tpu.memory_space<hbm>>) target(%dma_start3A_955 : memref<1x90xf32, #tpu.memory_space<vmem>>) target_semaphore(%arg22 : memref<!tpu.dma_semaphore, #tpu.memory_space<semaphore_mem>>)
      %dma_start3A_958 = arith.constant 0 : i32
      %dma_start3A_959 = tpu.memref_slice %arg21[%add3A_917, %dma_start3A_958] : memref<128x90xf32, #tpu.memory_space<vmem>> -> memref<1x90xf32, #tpu.memory_space<vmem>>
      %dma_start3A_960 = arith.constant 0 : i32
      %dma_start3A_961 = tpu.memref_slice %arg8[%reduce_max3A_913, %dma_start3A_960] : memref<100000x90xf32, #tpu.memory_space<hbm>> -> memref<1x90xf32, #tpu.memory_space<hbm>>
      %dma_start3A_962 = arith.constant 0 : i32
      %dma_start3A_963 = tpu.memref_slice %arg21[%add3A_917, %dma_start3A_962] : memref<128x90xf32, #tpu.memory_space<vmem>> -> memref<1x90xf32, #tpu.memory_space<vmem>>
      %dma_start3A_964 = arith.constant 0 : i32
      %dma_start3A_965 = tpu.memref_slice %arg8[%reduce_max3A_913, %dma_start3A_964] : memref<100000x90xf32, #tpu.memory_space<hbm>> -> memref<1x90xf32, #tpu.memory_space<hbm>>
      tpu.enqueue_dma source(%dma_start3A_965 : memref<1x90xf32, #tpu.memory_space<hbm>>) target(%dma_start3A_963 : memref<1x90xf32, #tpu.memory_space<vmem>>) target_semaphore(%arg22 : memref<!tpu.dma_semaphore, #tpu.memory_space<semaphore_mem>>)
      %eq3A_966 = arith.constant 14 : i32
      %eq3A_967 = vector.broadcast %eq3A_966 : i32 to vector<16xi32>
      %eq3A_968 = arith.cmpi eq, %iota3A, %eq3A_967 : vector<16xi32>
      %jit3A_969 = arith.constant 0 : i32
      %broadcast_in_dim3A_970 = vector.broadcast %jit3A_969 : i32 to vector<16xi32>
      %select_n3A_971 = arith.select %eq3A_968, %min3A_47, %broadcast_in_dim3A_970 : vector<16xi1>, vector<16xi32>
      %reduce_max3A_972 = arith.constant true
      %reduce_max3A_973 = vector.broadcast %reduce_max3A_972 : i1 to vector<16xi1>
      %reduce_max3A_974 = arith.constant -2147483648 : i32
      %reduce_max3A_975 = vector.broadcast %reduce_max3A_974 : i32 to vector<16xi32>
      %reduce_max3A_976 = arith.xori %select_n3A_971, %reduce_max3A_975 : vector<16xi32>
      %reduce_max3A_977 = tpu.scan <max>, %reduce_max3A_976 masked %reduce_max3A_973 : vector<16xi32>, vector<16xi1> -> vector<16xi32>
      %reduce_max3A_978 = arith.xori %reduce_max3A_977, %reduce_max3A_975 : vector<16xi32>
      %reduce_max3A_979 = vector.extract %reduce_max3A_978[15] : i32 from vector<16xi32>
      %mul3A_980 = arith.constant 16 : i32
      %mul3A_981 = arith.muli %scan3A_42, %mul3A_980 : i32
      %add3A_982 = arith.constant 14 : i32
      %add3A_983 = arith.addi %mul3A_981, %add3A_982 : i32
      %dma_start3A_984 = arith.constant 0 : i32
      %dma_start3A_985 = tpu.memref_slice %arg16[%add3A_983, %dma_start3A_984] : memref<128x29xf32, #tpu.memory_space<vmem>> -> memref<1x29xf32, #tpu.memory_space<vmem>>
      %dma_start3A_986 = arith.constant 0 : i32
      %dma_start3A_987 = tpu.memref_slice %arg3[%reduce_max3A_979, %dma_start3A_986] : memref<100000x29xf32, #tpu.memory_space<hbm>> -> memref<1x29xf32, #tpu.memory_space<hbm>>
      %dma_start3A_988 = arith.constant 0 : i32
      %dma_start3A_989 = tpu.memref_slice %arg16[%add3A_983, %dma_start3A_988] : memref<128x29xf32, #tpu.memory_space<vmem>> -> memref<1x29xf32, #tpu.memory_space<vmem>>
      %dma_start3A_990 = arith.constant 0 : i32
      %dma_start3A_991 = tpu.memref_slice %arg3[%reduce_max3A_979, %dma_start3A_990] : memref<100000x29xf32, #tpu.memory_space<hbm>> -> memref<1x29xf32, #tpu.memory_space<hbm>>
      tpu.enqueue_dma source(%dma_start3A_991 : memref<1x29xf32, #tpu.memory_space<hbm>>) target(%dma_start3A_989 : memref<1x29xf32, #tpu.memory_space<vmem>>) target_semaphore(%arg22 : memref<!tpu.dma_semaphore, #tpu.memory_space<semaphore_mem>>)
      %dma_start3A_992 = arith.constant 0 : i32
      %dma_start3A_993 = tpu.memref_slice %arg17[%add3A_983, %dma_start3A_992] : memref<128x29xf32, #tpu.memory_space<vmem>> -> memref<1x29xf32, #tpu.memory_space<vmem>>
      %dma_start3A_994 = arith.constant 0 : i32
      %dma_start3A_995 = tpu.memref_slice %arg4[%reduce_max3A_979, %dma_start3A_994] : memref<100000x29xf32, #tpu.memory_space<hbm>> -> memref<1x29xf32, #tpu.memory_space<hbm>>
      %dma_start3A_996 = arith.constant 0 : i32
      %dma_start3A_997 = tpu.memref_slice %arg17[%add3A_983, %dma_start3A_996] : memref<128x29xf32, #tpu.memory_space<vmem>> -> memref<1x29xf32, #tpu.memory_space<vmem>>
      %dma_start3A_998 = arith.constant 0 : i32
      %dma_start3A_999 = tpu.memref_slice %arg4[%reduce_max3A_979, %dma_start3A_998] : memref<100000x29xf32, #tpu.memory_space<hbm>> -> memref<1x29xf32, #tpu.memory_space<hbm>>
      tpu.enqueue_dma source(%dma_start3A_999 : memref<1x29xf32, #tpu.memory_space<hbm>>) target(%dma_start3A_997 : memref<1x29xf32, #tpu.memory_space<vmem>>) target_semaphore(%arg22 : memref<!tpu.dma_semaphore, #tpu.memory_space<semaphore_mem>>)
      %dma_start3A_1000 = arith.constant 0 : i32
      %dma_start3A_1001 = tpu.memref_slice %arg18[%add3A_983, %dma_start3A_1000] : memref<128x90xf32, #tpu.memory_space<vmem>> -> memref<1x90xf32, #tpu.memory_space<vmem>>
      %dma_start3A_1002 = arith.constant 0 : i32
      %dma_start3A_1003 = tpu.memref_slice %arg5[%reduce_max3A_979, %dma_start3A_1002] : memref<100000x90xf32, #tpu.memory_space<hbm>> -> memref<1x90xf32, #tpu.memory_space<hbm>>
      %dma_start3A_1004 = arith.constant 0 : i32
      %dma_start3A_1005 = tpu.memref_slice %arg18[%add3A_983, %dma_start3A_1004] : memref<128x90xf32, #tpu.memory_space<vmem>> -> memref<1x90xf32, #tpu.memory_space<vmem>>
      %dma_start3A_1006 = arith.constant 0 : i32
      %dma_start3A_1007 = tpu.memref_slice %arg5[%reduce_max3A_979, %dma_start3A_1006] : memref<100000x90xf32, #tpu.memory_space<hbm>> -> memref<1x90xf32, #tpu.memory_space<hbm>>
      tpu.enqueue_dma source(%dma_start3A_1007 : memref<1x90xf32, #tpu.memory_space<hbm>>) target(%dma_start3A_1005 : memref<1x90xf32, #tpu.memory_space<vmem>>) target_semaphore(%arg22 : memref<!tpu.dma_semaphore, #tpu.memory_space<semaphore_mem>>)
      %dma_start3A_1008 = arith.constant 0 : i32
      %dma_start3A_1009 = tpu.memref_slice %arg19[%add3A_983, %dma_start3A_1008] : memref<128x120xf32, #tpu.memory_space<vmem>> -> memref<1x120xf32, #tpu.memory_space<vmem>>
      %dma_start3A_1010 = arith.constant 0 : i32
      %dma_start3A_1011 = tpu.memref_slice %arg6[%reduce_max3A_979, %dma_start3A_1010] : memref<100000x120xf32, #tpu.memory_space<hbm>> -> memref<1x120xf32, #tpu.memory_space<hbm>>
      %dma_start3A_1012 = arith.constant 0 : i32
      %dma_start3A_1013 = tpu.memref_slice %arg19[%add3A_983, %dma_start3A_1012] : memref<128x120xf32, #tpu.memory_space<vmem>> -> memref<1x120xf32, #tpu.memory_space<vmem>>
      %dma_start3A_1014 = arith.constant 0 : i32
      %dma_start3A_1015 = tpu.memref_slice %arg6[%reduce_max3A_979, %dma_start3A_1014] : memref<100000x120xf32, #tpu.memory_space<hbm>> -> memref<1x120xf32, #tpu.memory_space<hbm>>
      tpu.enqueue_dma source(%dma_start3A_1015 : memref<1x120xf32, #tpu.memory_space<hbm>>) target(%dma_start3A_1013 : memref<1x120xf32, #tpu.memory_space<vmem>>) target_semaphore(%arg22 : memref<!tpu.dma_semaphore, #tpu.memory_space<semaphore_mem>>)
      %dma_start3A_1016 = arith.constant 0 : i32
      %dma_start3A_1017 = tpu.memref_slice %arg20[%add3A_983, %dma_start3A_1016] : memref<128x90xf32, #tpu.memory_space<vmem>> -> memref<1x90xf32, #tpu.memory_space<vmem>>
      %dma_start3A_1018 = arith.constant 0 : i32
      %dma_start3A_1019 = tpu.memref_slice %arg7[%reduce_max3A_979, %dma_start3A_1018] : memref<100000x90xf32, #tpu.memory_space<hbm>> -> memref<1x90xf32, #tpu.memory_space<hbm>>
      %dma_start3A_1020 = arith.constant 0 : i32
      %dma_start3A_1021 = tpu.memref_slice %arg20[%add3A_983, %dma_start3A_1020] : memref<128x90xf32, #tpu.memory_space<vmem>> -> memref<1x90xf32, #tpu.memory_space<vmem>>
      %dma_start3A_1022 = arith.constant 0 : i32
      %dma_start3A_1023 = tpu.memref_slice %arg7[%reduce_max3A_979, %dma_start3A_1022] : memref<100000x90xf32, #tpu.memory_space<hbm>> -> memref<1x90xf32, #tpu.memory_space<hbm>>
      tpu.enqueue_dma source(%dma_start3A_1023 : memref<1x90xf32, #tpu.memory_space<hbm>>) target(%dma_start3A_1021 : memref<1x90xf32, #tpu.memory_space<vmem>>) target_semaphore(%arg22 : memref<!tpu.dma_semaphore, #tpu.memory_space<semaphore_mem>>)
      %dma_start3A_1024 = arith.constant 0 : i32
      %dma_start3A_1025 = tpu.memref_slice %arg21[%add3A_983, %dma_start3A_1024] : memref<128x90xf32, #tpu.memory_space<vmem>> -> memref<1x90xf32, #tpu.memory_space<vmem>>
      %dma_start3A_1026 = arith.constant 0 : i32
      %dma_start3A_1027 = tpu.memref_slice %arg8[%reduce_max3A_979, %dma_start3A_1026] : memref<100000x90xf32, #tpu.memory_space<hbm>> -> memref<1x90xf32, #tpu.memory_space<hbm>>
      %dma_start3A_1028 = arith.constant 0 : i32
      %dma_start3A_1029 = tpu.memref_slice %arg21[%add3A_983, %dma_start3A_1028] : memref<128x90xf32, #tpu.memory_space<vmem>> -> memref<1x90xf32, #tpu.memory_space<vmem>>
      %dma_start3A_1030 = arith.constant 0 : i32
      %dma_start3A_1031 = tpu.memref_slice %arg8[%reduce_max3A_979, %dma_start3A_1030] : memref<100000x90xf32, #tpu.memory_space<hbm>> -> memref<1x90xf32, #tpu.memory_space<hbm>>
      tpu.enqueue_dma source(%dma_start3A_1031 : memref<1x90xf32, #tpu.memory_space<hbm>>) target(%dma_start3A_1029 : memref<1x90xf32, #tpu.memory_space<vmem>>) target_semaphore(%arg22 : memref<!tpu.dma_semaphore, #tpu.memory_space<semaphore_mem>>)
      %eq3A_1032 = arith.constant 15 : i32
      %eq3A_1033 = vector.broadcast %eq3A_1032 : i32 to vector<16xi32>
      %eq3A_1034 = arith.cmpi eq, %iota3A, %eq3A_1033 : vector<16xi32>
      %jit3A_1035 = arith.constant 0 : i32
      %broadcast_in_dim3A_1036 = vector.broadcast %jit3A_1035 : i32 to vector<16xi32>
      %select_n3A_1037 = arith.select %eq3A_1034, %min3A_47, %broadcast_in_dim3A_1036 : vector<16xi1>, vector<16xi32>
      %reduce_max3A_1038 = arith.constant true
      %reduce_max3A_1039 = vector.broadcast %reduce_max3A_1038 : i1 to vector<16xi1>
      %reduce_max3A_1040 = arith.constant -2147483648 : i32
      %reduce_max3A_1041 = vector.broadcast %reduce_max3A_1040 : i32 to vector<16xi32>
      %reduce_max3A_1042 = arith.xori %select_n3A_1037, %reduce_max3A_1041 : vector<16xi32>
      %reduce_max3A_1043 = tpu.scan <max>, %reduce_max3A_1042 masked %reduce_max3A_1039 : vector<16xi32>, vector<16xi1> -> vector<16xi32>
      %reduce_max3A_1044 = arith.xori %reduce_max3A_1043, %reduce_max3A_1041 : vector<16xi32>
      %reduce_max3A_1045 = vector.extract %reduce_max3A_1044[15] : i32 from vector<16xi32>
      %mul3A_1046 = arith.constant 16 : i32
      %mul3A_1047 = arith.muli %scan3A_42, %mul3A_1046 : i32
      %add3A_1048 = arith.constant 15 : i32
      %add3A_1049 = arith.addi %mul3A_1047, %add3A_1048 : i32
      %dma_start3A_1050 = arith.constant 0 : i32
      %dma_start3A_1051 = tpu.memref_slice %arg16[%add3A_1049, %dma_start3A_1050] : memref<128x29xf32, #tpu.memory_space<vmem>> -> memref<1x29xf32, #tpu.memory_space<vmem>>
      %dma_start3A_1052 = arith.constant 0 : i32
      %dma_start3A_1053 = tpu.memref_slice %arg3[%reduce_max3A_1045, %dma_start3A_1052] : memref<100000x29xf32, #tpu.memory_space<hbm>> -> memref<1x29xf32, #tpu.memory_space<hbm>>
      %dma_start3A_1054 = arith.constant 0 : i32
      %dma_start3A_1055 = tpu.memref_slice %arg16[%add3A_1049, %dma_start3A_1054] : memref<128x29xf32, #tpu.memory_space<vmem>> -> memref<1x29xf32, #tpu.memory_space<vmem>>
      %dma_start3A_1056 = arith.constant 0 : i32
      %dma_start3A_1057 = tpu.memref_slice %arg3[%reduce_max3A_1045, %dma_start3A_1056] : memref<100000x29xf32, #tpu.memory_space<hbm>> -> memref<1x29xf32, #tpu.memory_space<hbm>>
      tpu.enqueue_dma source(%dma_start3A_1057 : memref<1x29xf32, #tpu.memory_space<hbm>>) target(%dma_start3A_1055 : memref<1x29xf32, #tpu.memory_space<vmem>>) target_semaphore(%arg22 : memref<!tpu.dma_semaphore, #tpu.memory_space<semaphore_mem>>)
      %dma_start3A_1058 = arith.constant 0 : i32
      %dma_start3A_1059 = tpu.memref_slice %arg17[%add3A_1049, %dma_start3A_1058] : memref<128x29xf32, #tpu.memory_space<vmem>> -> memref<1x29xf32, #tpu.memory_space<vmem>>
      %dma_start3A_1060 = arith.constant 0 : i32
      %dma_start3A_1061 = tpu.memref_slice %arg4[%reduce_max3A_1045, %dma_start3A_1060] : memref<100000x29xf32, #tpu.memory_space<hbm>> -> memref<1x29xf32, #tpu.memory_space<hbm>>
      %dma_start3A_1062 = arith.constant 0 : i32
      %dma_start3A_1063 = tpu.memref_slice %arg17[%add3A_1049, %dma_start3A_1062] : memref<128x29xf32, #tpu.memory_space<vmem>> -> memref<1x29xf32, #tpu.memory_space<vmem>>
      %dma_start3A_1064 = arith.constant 0 : i32
      %dma_start3A_1065 = tpu.memref_slice %arg4[%reduce_max3A_1045, %dma_start3A_1064] : memref<100000x29xf32, #tpu.memory_space<hbm>> -> memref<1x29xf32, #tpu.memory_space<hbm>>
      tpu.enqueue_dma source(%dma_start3A_1065 : memref<1x29xf32, #tpu.memory_space<hbm>>) target(%dma_start3A_1063 : memref<1x29xf32, #tpu.memory_space<vmem>>) target_semaphore(%arg22 : memref<!tpu.dma_semaphore, #tpu.memory_space<semaphore_mem>>)
      %dma_start3A_1066 = arith.constant 0 : i32
      %dma_start3A_1067 = tpu.memref_slice %arg18[%add3A_1049, %dma_start3A_1066] : memref<128x90xf32, #tpu.memory_space<vmem>> -> memref<1x90xf32, #tpu.memory_space<vmem>>
      %dma_start3A_1068 = arith.constant 0 : i32
      %dma_start3A_1069 = tpu.memref_slice %arg5[%reduce_max3A_1045, %dma_start3A_1068] : memref<100000x90xf32, #tpu.memory_space<hbm>> -> memref<1x90xf32, #tpu.memory_space<hbm>>
      %dma_start3A_1070 = arith.constant 0 : i32
      %dma_start3A_1071 = tpu.memref_slice %arg18[%add3A_1049, %dma_start3A_1070] : memref<128x90xf32, #tpu.memory_space<vmem>> -> memref<1x90xf32, #tpu.memory_space<vmem>>
      %dma_start3A_1072 = arith.constant 0 : i32
      %dma_start3A_1073 = tpu.memref_slice %arg5[%reduce_max3A_1045, %dma_start3A_1072] : memref<100000x90xf32, #tpu.memory_space<hbm>> -> memref<1x90xf32, #tpu.memory_space<hbm>>
      tpu.enqueue_dma source(%dma_start3A_1073 : memref<1x90xf32, #tpu.memory_space<hbm>>) target(%dma_start3A_1071 : memref<1x90xf32, #tpu.memory_space<vmem>>) target_semaphore(%arg22 : memref<!tpu.dma_semaphore, #tpu.memory_space<semaphore_mem>>)
      %dma_start3A_1074 = arith.constant 0 : i32
      %dma_start3A_1075 = tpu.memref_slice %arg19[%add3A_1049, %dma_start3A_1074] : memref<128x120xf32, #tpu.memory_space<vmem>> -> memref<1x120xf32, #tpu.memory_space<vmem>>
      %dma_start3A_1076 = arith.constant 0 : i32
      %dma_start3A_1077 = tpu.memref_slice %arg6[%reduce_max3A_1045, %dma_start3A_1076] : memref<100000x120xf32, #tpu.memory_space<hbm>> -> memref<1x120xf32, #tpu.memory_space<hbm>>
      %dma_start3A_1078 = arith.constant 0 : i32
      %dma_start3A_1079 = tpu.memref_slice %arg19[%add3A_1049, %dma_start3A_1078] : memref<128x120xf32, #tpu.memory_space<vmem>> -> memref<1x120xf32, #tpu.memory_space<vmem>>
      %dma_start3A_1080 = arith.constant 0 : i32
      %dma_start3A_1081 = tpu.memref_slice %arg6[%reduce_max3A_1045, %dma_start3A_1080] : memref<100000x120xf32, #tpu.memory_space<hbm>> -> memref<1x120xf32, #tpu.memory_space<hbm>>
      tpu.enqueue_dma source(%dma_start3A_1081 : memref<1x120xf32, #tpu.memory_space<hbm>>) target(%dma_start3A_1079 : memref<1x120xf32, #tpu.memory_space<vmem>>) target_semaphore(%arg22 : memref<!tpu.dma_semaphore, #tpu.memory_space<semaphore_mem>>)
      %dma_start3A_1082 = arith.constant 0 : i32
      %dma_start3A_1083 = tpu.memref_slice %arg20[%add3A_1049, %dma_start3A_1082] : memref<128x90xf32, #tpu.memory_space<vmem>> -> memref<1x90xf32, #tpu.memory_space<vmem>>
      %dma_start3A_1084 = arith.constant 0 : i32
      %dma_start3A_1085 = tpu.memref_slice %arg7[%reduce_max3A_1045, %dma_start3A_1084] : memref<100000x90xf32, #tpu.memory_space<hbm>> -> memref<1x90xf32, #tpu.memory_space<hbm>>
      %dma_start3A_1086 = arith.constant 0 : i32
      %dma_start3A_1087 = tpu.memref_slice %arg20[%add3A_1049, %dma_start3A_1086] : memref<128x90xf32, #tpu.memory_space<vmem>> -> memref<1x90xf32, #tpu.memory_space<vmem>>
      %dma_start3A_1088 = arith.constant 0 : i32
      %dma_start3A_1089 = tpu.memref_slice %arg7[%reduce_max3A_1045, %dma_start3A_1088] : memref<100000x90xf32, #tpu.memory_space<hbm>> -> memref<1x90xf32, #tpu.memory_space<hbm>>
      tpu.enqueue_dma source(%dma_start3A_1089 : memref<1x90xf32, #tpu.memory_space<hbm>>) target(%dma_start3A_1087 : memref<1x90xf32, #tpu.memory_space<vmem>>) target_semaphore(%arg22 : memref<!tpu.dma_semaphore, #tpu.memory_space<semaphore_mem>>)
      %dma_start3A_1090 = arith.constant 0 : i32
      %dma_start3A_1091 = tpu.memref_slice %arg21[%add3A_1049, %dma_start3A_1090] : memref<128x90xf32, #tpu.memory_space<vmem>> -> memref<1x90xf32, #tpu.memory_space<vmem>>
      %dma_start3A_1092 = arith.constant 0 : i32
      %dma_start3A_1093 = tpu.memref_slice %arg8[%reduce_max3A_1045, %dma_start3A_1092] : memref<100000x90xf32, #tpu.memory_space<hbm>> -> memref<1x90xf32, #tpu.memory_space<hbm>>
      %dma_start3A_1094 = arith.constant 0 : i32
      %dma_start3A_1095 = tpu.memref_slice %arg21[%add3A_1049, %dma_start3A_1094] : memref<128x90xf32, #tpu.memory_space<vmem>> -> memref<1x90xf32, #tpu.memory_space<vmem>>
      %dma_start3A_1096 = arith.constant 0 : i32
      %dma_start3A_1097 = tpu.memref_slice %arg8[%reduce_max3A_1045, %dma_start3A_1096] : memref<100000x90xf32, #tpu.memory_space<hbm>> -> memref<1x90xf32, #tpu.memory_space<hbm>>
      tpu.enqueue_dma source(%dma_start3A_1097 : memref<1x90xf32, #tpu.memory_space<hbm>>) target(%dma_start3A_1095 : memref<1x90xf32, #tpu.memory_space<vmem>>) target_semaphore(%arg22 : memref<!tpu.dma_semaphore, #tpu.memory_space<semaphore_mem>>)
    }
    %scan3A_6 = arith.constant 8 : i32
    %dma_wait3A = arith.constant 0 : i32
    %dma_wait3A_7 = arith.constant 0 : i32
    %dma_wait3A_8 = tpu.memref_slice %arg3[%dma_wait3A, %dma_wait3A_7] : memref<100000x29xf32, #tpu.memory_space<hbm>> -> memref<128x29xf32, #tpu.memory_space<hbm>>
    %dma_wait3A_9 = arith.constant 0 : i32
    %dma_wait3A_10 = arith.constant 0 : i32
    %dma_wait3A_11 = tpu.memref_slice %arg3[%dma_wait3A_9, %dma_wait3A_10] : memref<100000x29xf32, #tpu.memory_space<hbm>> -> memref<128x29xf32, #tpu.memory_space<hbm>>
    tpu.wait_dma2 semaphore(%arg22 : memref<!tpu.dma_semaphore, #tpu.memory_space<semaphore_mem>>) src(%dma_wait3A_11 : memref<128x29xf32, #tpu.memory_space<hbm>>) dst(%arg16 : memref<128x29xf32, #tpu.memory_space<vmem>>)
    %dma_wait3A_12 = arith.constant 0 : i32
    %dma_wait3A_13 = arith.constant 0 : i32
    %dma_wait3A_14 = tpu.memref_slice %arg4[%dma_wait3A_12, %dma_wait3A_13] : memref<100000x29xf32, #tpu.memory_space<hbm>> -> memref<128x29xf32, #tpu.memory_space<hbm>>
    %dma_wait3A_15 = arith.constant 0 : i32
    %dma_wait3A_16 = arith.constant 0 : i32
    %dma_wait3A_17 = tpu.memref_slice %arg4[%dma_wait3A_15, %dma_wait3A_16] : memref<100000x29xf32, #tpu.memory_space<hbm>> -> memref<128x29xf32, #tpu.memory_space<hbm>>
    tpu.wait_dma2 semaphore(%arg22 : memref<!tpu.dma_semaphore, #tpu.memory_space<semaphore_mem>>) src(%dma_wait3A_17 : memref<128x29xf32, #tpu.memory_space<hbm>>) dst(%arg17 : memref<128x29xf32, #tpu.memory_space<vmem>>)
    %dma_wait3A_18 = arith.constant 0 : i32
    %dma_wait3A_19 = arith.constant 0 : i32
    %dma_wait3A_20 = tpu.memref_slice %arg5[%dma_wait3A_18, %dma_wait3A_19] : memref<100000x90xf32, #tpu.memory_space<hbm>> -> memref<128x90xf32, #tpu.memory_space<hbm>>
    %dma_wait3A_21 = arith.constant 0 : i32
    %dma_wait3A_22 = arith.constant 0 : i32
    %dma_wait3A_23 = tpu.memref_slice %arg5[%dma_wait3A_21, %dma_wait3A_22] : memref<100000x90xf32, #tpu.memory_space<hbm>> -> memref<128x90xf32, #tpu.memory_space<hbm>>
    tpu.wait_dma2 semaphore(%arg22 : memref<!tpu.dma_semaphore, #tpu.memory_space<semaphore_mem>>) src(%dma_wait3A_23 : memref<128x90xf32, #tpu.memory_space<hbm>>) dst(%arg18 : memref<128x90xf32, #tpu.memory_space<vmem>>)
    %dma_wait3A_24 = arith.constant 0 : i32
    %dma_wait3A_25 = arith.constant 0 : i32
    %dma_wait3A_26 = tpu.memref_slice %arg6[%dma_wait3A_24, %dma_wait3A_25] : memref<100000x120xf32, #tpu.memory_space<hbm>> -> memref<128x120xf32, #tpu.memory_space<hbm>>
    %dma_wait3A_27 = arith.constant 0 : i32
    %dma_wait3A_28 = arith.constant 0 : i32
    %dma_wait3A_29 = tpu.memref_slice %arg6[%dma_wait3A_27, %dma_wait3A_28] : memref<100000x120xf32, #tpu.memory_space<hbm>> -> memref<128x120xf32, #tpu.memory_space<hbm>>
    tpu.wait_dma2 semaphore(%arg22 : memref<!tpu.dma_semaphore, #tpu.memory_space<semaphore_mem>>) src(%dma_wait3A_29 : memref<128x120xf32, #tpu.memory_space<hbm>>) dst(%arg19 : memref<128x120xf32, #tpu.memory_space<vmem>>)
    %dma_wait3A_30 = arith.constant 0 : i32
    %dma_wait3A_31 = arith.constant 0 : i32
    %dma_wait3A_32 = tpu.memref_slice %arg7[%dma_wait3A_30, %dma_wait3A_31] : memref<100000x90xf32, #tpu.memory_space<hbm>> -> memref<128x90xf32, #tpu.memory_space<hbm>>
    %dma_wait3A_33 = arith.constant 0 : i32
    %dma_wait3A_34 = arith.constant 0 : i32
    %dma_wait3A_35 = tpu.memref_slice %arg7[%dma_wait3A_33, %dma_wait3A_34] : memref<100000x90xf32, #tpu.memory_space<hbm>> -> memref<128x90xf32, #tpu.memory_space<hbm>>
    tpu.wait_dma2 semaphore(%arg22 : memref<!tpu.dma_semaphore, #tpu.memory_space<semaphore_mem>>) src(%dma_wait3A_35 : memref<128x90xf32, #tpu.memory_space<hbm>>) dst(%arg20 : memref<128x90xf32, #tpu.memory_space<vmem>>)
    %dma_wait3A_36 = arith.constant 0 : i32
    %dma_wait3A_37 = arith.constant 0 : i32
    %dma_wait3A_38 = tpu.memref_slice %arg8[%dma_wait3A_36, %dma_wait3A_37] : memref<100000x90xf32, #tpu.memory_space<hbm>> -> memref<128x90xf32, #tpu.memory_space<hbm>>
    %dma_wait3A_39 = arith.constant 0 : i32
    %dma_wait3A_40 = arith.constant 0 : i32
    %dma_wait3A_41 = tpu.memref_slice %arg8[%dma_wait3A_39, %dma_wait3A_40] : memref<100000x90xf32, #tpu.memory_space<hbm>> -> memref<128x90xf32, #tpu.memory_space<hbm>>
    tpu.wait_dma2 semaphore(%arg22 : memref<!tpu.dma_semaphore, #tpu.memory_space<semaphore_mem>>) src(%dma_wait3A_41 : memref<128x90xf32, #tpu.memory_space<hbm>>) dst(%arg21 : memref<128x90xf32, #tpu.memory_space<vmem>>)
    "tpu.region"() ({
      %run_scoped3A = tpu.sem_alloc : memref<!tpu.dma_semaphore, #tpu.memory_space<semaphore_mem>>
      %dma_start3A = arith.constant 0 : i32
      %dma_start3A_42 = tpu.memref_slice %arg9[%mul3A_2, %dma_start3A] : memref<4096x29xf32, #tpu.memory_space<hbm>> -> memref<128x29xf32, #tpu.memory_space<hbm>>
      %dma_start3A_43 = arith.constant 0 : i32
      %dma_start3A_44 = tpu.memref_slice %arg9[%mul3A_2, %dma_start3A_43] : memref<4096x29xf32, #tpu.memory_space<hbm>> -> memref<128x29xf32, #tpu.memory_space<hbm>>
      tpu.enqueue_dma source(%arg16 : memref<128x29xf32, #tpu.memory_space<vmem>>) target(%dma_start3A_44 : memref<128x29xf32, #tpu.memory_space<hbm>>) target_semaphore(%run_scoped3A : memref<!tpu.dma_semaphore, #tpu.memory_space<semaphore_mem>>)
      %dma_wait3A_45 = arith.constant 0 : i32
      %dma_wait3A_46 = tpu.memref_slice %arg9[%mul3A_2, %dma_wait3A_45] : memref<4096x29xf32, #tpu.memory_space<hbm>> -> memref<128x29xf32, #tpu.memory_space<hbm>>
      %dma_wait3A_47 = arith.constant 0 : i32
      %dma_wait3A_48 = tpu.memref_slice %arg9[%mul3A_2, %dma_wait3A_47] : memref<4096x29xf32, #tpu.memory_space<hbm>> -> memref<128x29xf32, #tpu.memory_space<hbm>>
      tpu.wait_dma2 semaphore(%run_scoped3A : memref<!tpu.dma_semaphore, #tpu.memory_space<semaphore_mem>>) src(%arg16 : memref<128x29xf32, #tpu.memory_space<vmem>>) dst(%dma_wait3A_48 : memref<128x29xf32, #tpu.memory_space<hbm>>)
      tpu.yield
    }) : () -> ()
    "tpu.region"() ({
      %run_scoped3A = tpu.sem_alloc : memref<!tpu.dma_semaphore, #tpu.memory_space<semaphore_mem>>
      %dma_start3A = arith.constant 0 : i32
      %dma_start3A_42 = tpu.memref_slice %arg10[%mul3A_2, %dma_start3A] : memref<4096x29xf32, #tpu.memory_space<hbm>> -> memref<128x29xf32, #tpu.memory_space<hbm>>
      %dma_start3A_43 = arith.constant 0 : i32
      %dma_start3A_44 = tpu.memref_slice %arg10[%mul3A_2, %dma_start3A_43] : memref<4096x29xf32, #tpu.memory_space<hbm>> -> memref<128x29xf32, #tpu.memory_space<hbm>>
      tpu.enqueue_dma source(%arg17 : memref<128x29xf32, #tpu.memory_space<vmem>>) target(%dma_start3A_44 : memref<128x29xf32, #tpu.memory_space<hbm>>) target_semaphore(%run_scoped3A : memref<!tpu.dma_semaphore, #tpu.memory_space<semaphore_mem>>)
      %dma_wait3A_45 = arith.constant 0 : i32
      %dma_wait3A_46 = tpu.memref_slice %arg10[%mul3A_2, %dma_wait3A_45] : memref<4096x29xf32, #tpu.memory_space<hbm>> -> memref<128x29xf32, #tpu.memory_space<hbm>>
      %dma_wait3A_47 = arith.constant 0 : i32
      %dma_wait3A_48 = tpu.memref_slice %arg10[%mul3A_2, %dma_wait3A_47] : memref<4096x29xf32, #tpu.memory_space<hbm>> -> memref<128x29xf32, #tpu.memory_space<hbm>>
      tpu.wait_dma2 semaphore(%run_scoped3A : memref<!tpu.dma_semaphore, #tpu.memory_space<semaphore_mem>>) src(%arg17 : memref<128x29xf32, #tpu.memory_space<vmem>>) dst(%dma_wait3A_48 : memref<128x29xf32, #tpu.memory_space<hbm>>)
      tpu.yield
    }) : () -> ()
    "tpu.region"() ({
      %run_scoped3A = tpu.sem_alloc : memref<!tpu.dma_semaphore, #tpu.memory_space<semaphore_mem>>
      %dma_start3A = arith.constant 0 : i32
      %dma_start3A_42 = tpu.memref_slice %arg11[%mul3A_2, %dma_start3A] : memref<4096x90xf32, #tpu.memory_space<hbm>> -> memref<128x90xf32, #tpu.memory_space<hbm>>
      %dma_start3A_43 = arith.constant 0 : i32
      %dma_start3A_44 = tpu.memref_slice %arg11[%mul3A_2, %dma_start3A_43] : memref<4096x90xf32, #tpu.memory_space<hbm>> -> memref<128x90xf32, #tpu.memory_space<hbm>>
      tpu.enqueue_dma source(%arg18 : memref<128x90xf32, #tpu.memory_space<vmem>>) target(%dma_start3A_44 : memref<128x90xf32, #tpu.memory_space<hbm>>) target_semaphore(%run_scoped3A : memref<!tpu.dma_semaphore, #tpu.memory_space<semaphore_mem>>)
      %dma_wait3A_45 = arith.constant 0 : i32
      %dma_wait3A_46 = tpu.memref_slice %arg11[%mul3A_2, %dma_wait3A_45] : memref<4096x90xf32, #tpu.memory_space<hbm>> -> memref<128x90xf32, #tpu.memory_space<hbm>>
      %dma_wait3A_47 = arith.constant 0 : i32
      %dma_wait3A_48 = tpu.memref_slice %arg11[%mul3A_2, %dma_wait3A_47] : memref<4096x90xf32, #tpu.memory_space<hbm>> -> memref<128x90xf32, #tpu.memory_space<hbm>>
      tpu.wait_dma2 semaphore(%run_scoped3A : memref<!tpu.dma_semaphore, #tpu.memory_space<semaphore_mem>>) src(%arg18 : memref<128x90xf32, #tpu.memory_space<vmem>>) dst(%dma_wait3A_48 : memref<128x90xf32, #tpu.memory_space<hbm>>)
      tpu.yield
    }) : () -> ()
    "tpu.region"() ({
      %run_scoped3A = tpu.sem_alloc : memref<!tpu.dma_semaphore, #tpu.memory_space<semaphore_mem>>
      %dma_start3A = arith.constant 0 : i32
      %dma_start3A_42 = tpu.memref_slice %arg12[%mul3A_2, %dma_start3A] : memref<4096x120xf32, #tpu.memory_space<hbm>> -> memref<128x120xf32, #tpu.memory_space<hbm>>
      %dma_start3A_43 = arith.constant 0 : i32
      %dma_start3A_44 = tpu.memref_slice %arg12[%mul3A_2, %dma_start3A_43] : memref<4096x120xf32, #tpu.memory_space<hbm>> -> memref<128x120xf32, #tpu.memory_space<hbm>>
      tpu.enqueue_dma source(%arg19 : memref<128x120xf32, #tpu.memory_space<vmem>>) target(%dma_start3A_44 : memref<128x120xf32, #tpu.memory_space<hbm>>) target_semaphore(%run_scoped3A : memref<!tpu.dma_semaphore, #tpu.memory_space<semaphore_mem>>)
      %dma_wait3A_45 = arith.constant 0 : i32
      %dma_wait3A_46 = tpu.memref_slice %arg12[%mul3A_2, %dma_wait3A_45] : memref<4096x120xf32, #tpu.memory_space<hbm>> -> memref<128x120xf32, #tpu.memory_space<hbm>>
      %dma_wait3A_47 = arith.constant 0 : i32
      %dma_wait3A_48 = tpu.memref_slice %arg12[%mul3A_2, %dma_wait3A_47] : memref<4096x120xf32, #tpu.memory_space<hbm>> -> memref<128x120xf32, #tpu.memory_space<hbm>>
      tpu.wait_dma2 semaphore(%run_scoped3A : memref<!tpu.dma_semaphore, #tpu.memory_space<semaphore_mem>>) src(%arg19 : memref<128x120xf32, #tpu.memory_space<vmem>>) dst(%dma_wait3A_48 : memref<128x120xf32, #tpu.memory_space<hbm>>)
      tpu.yield
    }) : () -> ()
    "tpu.region"() ({
      %run_scoped3A = tpu.sem_alloc : memref<!tpu.dma_semaphore, #tpu.memory_space<semaphore_mem>>
      %dma_start3A = arith.constant 0 : i32
      %dma_start3A_42 = tpu.memref_slice %arg13[%mul3A_2, %dma_start3A] : memref<4096x90xf32, #tpu.memory_space<hbm>> -> memref<128x90xf32, #tpu.memory_space<hbm>>
      %dma_start3A_43 = arith.constant 0 : i32
      %dma_start3A_44 = tpu.memref_slice %arg13[%mul3A_2, %dma_start3A_43] : memref<4096x90xf32, #tpu.memory_space<hbm>> -> memref<128x90xf32, #tpu.memory_space<hbm>>
      tpu.enqueue_dma source(%arg20 : memref<128x90xf32, #tpu.memory_space<vmem>>) target(%dma_start3A_44 : memref<128x90xf32, #tpu.memory_space<hbm>>) target_semaphore(%run_scoped3A : memref<!tpu.dma_semaphore, #tpu.memory_space<semaphore_mem>>)
      %dma_wait3A_45 = arith.constant 0 : i32
      %dma_wait3A_46 = tpu.memref_slice %arg13[%mul3A_2, %dma_wait3A_45] : memref<4096x90xf32, #tpu.memory_space<hbm>> -> memref<128x90xf32, #tpu.memory_space<hbm>>
      %dma_wait3A_47 = arith.constant 0 : i32
      %dma_wait3A_48 = tpu.memref_slice %arg13[%mul3A_2, %dma_wait3A_47] : memref<4096x90xf32, #tpu.memory_space<hbm>> -> memref<128x90xf32, #tpu.memory_space<hbm>>
      tpu.wait_dma2 semaphore(%run_scoped3A : memref<!tpu.dma_semaphore, #tpu.memory_space<semaphore_mem>>) src(%arg20 : memref<128x90xf32, #tpu.memory_space<vmem>>) dst(%dma_wait3A_48 : memref<128x90xf32, #tpu.memory_space<hbm>>)
      tpu.yield
    }) : () -> ()
    "tpu.region"() ({
      %run_scoped3A = tpu.sem_alloc : memref<!tpu.dma_semaphore, #tpu.memory_space<semaphore_mem>>
      %dma_start3A = arith.constant 0 : i32
      %dma_start3A_42 = tpu.memref_slice %arg14[%mul3A_2, %dma_start3A] : memref<4096x90xf32, #tpu.memory_space<hbm>> -> memref<128x90xf32, #tpu.memory_space<hbm>>
      %dma_start3A_43 = arith.constant 0 : i32
      %dma_start3A_44 = tpu.memref_slice %arg14[%mul3A_2, %dma_start3A_43] : memref<4096x90xf32, #tpu.memory_space<hbm>> -> memref<128x90xf32, #tpu.memory_space<hbm>>
      tpu.enqueue_dma source(%arg21 : memref<128x90xf32, #tpu.memory_space<vmem>>) target(%dma_start3A_44 : memref<128x90xf32, #tpu.memory_space<hbm>>) target_semaphore(%run_scoped3A : memref<!tpu.dma_semaphore, #tpu.memory_space<semaphore_mem>>)
      %dma_wait3A_45 = arith.constant 0 : i32
      %dma_wait3A_46 = tpu.memref_slice %arg14[%mul3A_2, %dma_wait3A_45] : memref<4096x90xf32, #tpu.memory_space<hbm>> -> memref<128x90xf32, #tpu.memory_space<hbm>>
      %dma_wait3A_47 = arith.constant 0 : i32
      %dma_wait3A_48 = tpu.memref_slice %arg14[%mul3A_2, %dma_wait3A_47] : memref<4096x90xf32, #tpu.memory_space<hbm>> -> memref<128x90xf32, #tpu.memory_space<hbm>>
      tpu.wait_dma2 semaphore(%run_scoped3A : memref<!tpu.dma_semaphore, #tpu.memory_space<semaphore_mem>>) src(%arg21 : memref<128x90xf32, #tpu.memory_space<vmem>>) dst(%dma_wait3A_48 : memref<128x90xf32, #tpu.memory_space<hbm>>)
      tpu.yield
    }) : () -> ()
    return
  }
}

module attributes {stable_mosaic.version = 14 : i64} {
  func.func @_mlp_body(%arg0: i32, %arg1: memref<512x480xf32, #tpu.memory_space<vmem>>, %arg2: memref<480x512xf32, #tpu.memory_space<vmem>>, %arg3: memref<1x512xf32, #tpu.memory_space<vmem>>, %arg4: memref<512x256xf32, #tpu.memory_space<vmem>>, %arg5: memref<1x256xf32, #tpu.memory_space<vmem>>, %arg6: memref<256x128xf32, #tpu.memory_space<vmem>>, %arg7: memref<1x128xf32, #tpu.memory_space<vmem>>, %arg8: memref<128x29xf32, #tpu.memory_space<vmem>>, %arg9: memref<1x29xf32, #tpu.memory_space<vmem>>, %arg10: memref<512x29xf32, #tpu.memory_space<vmem>>) attributes {dimension_semantics = [#tpu.dimension_semantics<arbitrary>], iteration_bounds = array<i64: 8>, scalar_prefetch = 0 : i64, scratch_operands = 0 : i64, tpu.core_type = #tpu.core_type<tc>, window_params = [{transform_indices = @transform_0, window_bounds = array<i64: 512, 480>}, {pipeline_mode = #tpu.pipeline_mode<synchronous>, transform_indices = @transform_1, window_bounds = array<i64: 480, 512>}, {pipeline_mode = #tpu.pipeline_mode<synchronous>, transform_indices = @transform_2, window_bounds = array<i64: 1, 512>}, {pipeline_mode = #tpu.pipeline_mode<synchronous>, transform_indices = @transform_3, window_bounds = array<i64: 512, 256>}, {pipeline_mode = #tpu.pipeline_mode<synchronous>, transform_indices = @transform_4, window_bounds = array<i64: 1, 256>}, {pipeline_mode = #tpu.pipeline_mode<synchronous>, transform_indices = @transform_5, window_bounds = array<i64: 256, 128>}, {pipeline_mode = #tpu.pipeline_mode<synchronous>, transform_indices = @transform_6, window_bounds = array<i64: 1, 128>}, {pipeline_mode = #tpu.pipeline_mode<synchronous>, transform_indices = @transform_7, window_bounds = array<i64: 128, 29>}, {pipeline_mode = #tpu.pipeline_mode<synchronous>, transform_indices = @transform_8, window_bounds = array<i64: 1, 29>}, {transform_indices = @transform_9, window_bounds = array<i64: 512, 29>}]} {
    %get3A = arith.constant 0 : index
    %get3A_0 = arith.constant 0 : index
    %get3A_1 = vector.load %arg1[%get3A, %get3A_0] : memref<512x480xf32, #tpu.memory_space<vmem>>, vector<512x480xf32>
    %get3A_2 = arith.constant 0 : index
    %get3A_3 = arith.constant 0 : index
    %get3A_4 = vector.load %arg2[%get3A_2, %get3A_3] : memref<480x512xf32, #tpu.memory_space<vmem>>, vector<480x512xf32>
    %dot_general3A = arith.constant dense<0.000000e+00> : vector<512x512xf32>
    %dot_general3A_5 = tpu.matmul %get3A_1, %get3A_4, %dot_general3A {dimension_numbers = #tpu.dot_dimension_numbers<[1], [0], [0], [1], [0, 0, 1, 1], [], []>, transpose_lhs_hint = false} : vector<512x480xf32>, vector<480x512xf32>, vector<512x512xf32> -> vector<512x512xf32>
    %get3A_6 = arith.constant 0 : index
    %get3A_7 = arith.constant 0 : index
    %get3A_8 = vector.load %arg3[%get3A_6, %get3A_7] : memref<1x512xf32, #tpu.memory_space<vmem>>, vector<1x512xf32>
    %add3A = vector.broadcast %get3A_8 : vector<1x512xf32> to vector<512x512xf32>
    %add3A_9 = arith.addf %dot_general3A_5, %add3A : vector<512x512xf32>
    %gt3A = arith.constant 0.000000e+00 : f32
    %gt3A_10 = vector.broadcast %gt3A : f32 to vector<512x512xf32>
    %gt3A_11 = arith.cmpf ogt, %add3A_9, %gt3A_10 : vector<512x512xf32>
    %min3A = arith.constant 0.000000e+00 : f32
    %min3A_12 = vector.broadcast %min3A : f32 to vector<512x512xf32>
    %min3A_13 = arith.minimumf %add3A_9, %min3A_12 : vector<512x512xf32>
    %exp3A = math.exp %min3A_13 : vector<512x512xf32>
    %sub3A = arith.constant 1.000000e+00 : f32
    %sub3A_14 = vector.broadcast %sub3A : f32 to vector<512x512xf32>
    %sub3A_15 = arith.subf %exp3A, %sub3A_14 : vector<512x512xf32>
    %select_n3A = arith.select %gt3A_11, %add3A_9, %sub3A_15 : vector<512x512xi1>, vector<512x512xf32>
    %get3A_16 = arith.constant 0 : index
    %get3A_17 = arith.constant 0 : index
    %get3A_18 = vector.load %arg4[%get3A_16, %get3A_17] : memref<512x256xf32, #tpu.memory_space<vmem>>, vector<512x256xf32>
    %dot_general3A_19 = arith.constant dense<0.000000e+00> : vector<512x256xf32>
    %dot_general3A_20 = tpu.matmul %select_n3A, %get3A_18, %dot_general3A_19 {dimension_numbers = #tpu.dot_dimension_numbers<[1], [0], [0], [1], [0, 0, 1, 1], [], []>, transpose_lhs_hint = false} : vector<512x512xf32>, vector<512x256xf32>, vector<512x256xf32> -> vector<512x256xf32>
    %get3A_21 = arith.constant 0 : index
    %get3A_22 = arith.constant 0 : index
    %get3A_23 = vector.load %arg5[%get3A_21, %get3A_22] : memref<1x256xf32, #tpu.memory_space<vmem>>, vector<1x256xf32>
    %add3A_24 = vector.broadcast %get3A_23 : vector<1x256xf32> to vector<512x256xf32>
    %add3A_25 = arith.addf %dot_general3A_20, %add3A_24 : vector<512x256xf32>
    %gt3A_26 = arith.constant 0.000000e+00 : f32
    %gt3A_27 = vector.broadcast %gt3A_26 : f32 to vector<512x256xf32>
    %gt3A_28 = arith.cmpf ogt, %add3A_25, %gt3A_27 : vector<512x256xf32>
    %min3A_29 = arith.constant 0.000000e+00 : f32
    %min3A_30 = vector.broadcast %min3A_29 : f32 to vector<512x256xf32>
    %min3A_31 = arith.minimumf %add3A_25, %min3A_30 : vector<512x256xf32>
    %exp3A_32 = math.exp %min3A_31 : vector<512x256xf32>
    %sub3A_33 = arith.constant 1.000000e+00 : f32
    %sub3A_34 = vector.broadcast %sub3A_33 : f32 to vector<512x256xf32>
    %sub3A_35 = arith.subf %exp3A_32, %sub3A_34 : vector<512x256xf32>
    %select_n3A_36 = arith.select %gt3A_28, %add3A_25, %sub3A_35 : vector<512x256xi1>, vector<512x256xf32>
    %get3A_37 = arith.constant 0 : index
    %get3A_38 = arith.constant 0 : index
    %get3A_39 = vector.load %arg6[%get3A_37, %get3A_38] : memref<256x128xf32, #tpu.memory_space<vmem>>, vector<256x128xf32>
    %dot_general3A_40 = arith.constant dense<0.000000e+00> : vector<512x128xf32>
    %dot_general3A_41 = tpu.matmul %select_n3A_36, %get3A_39, %dot_general3A_40 {dimension_numbers = #tpu.dot_dimension_numbers<[1], [0], [0], [1], [0, 0, 1, 1], [], []>, transpose_lhs_hint = false} : vector<512x256xf32>, vector<256x128xf32>, vector<512x128xf32> -> vector<512x128xf32>
    %get3A_42 = arith.constant 0 : index
    %get3A_43 = arith.constant 0 : index
    %get3A_44 = vector.load %arg7[%get3A_42, %get3A_43] : memref<1x128xf32, #tpu.memory_space<vmem>>, vector<1x128xf32>
    %add3A_45 = vector.broadcast %get3A_44 : vector<1x128xf32> to vector<512x128xf32>
    %add3A_46 = arith.addf %dot_general3A_41, %add3A_45 : vector<512x128xf32>
    %gt3A_47 = arith.constant 0.000000e+00 : f32
    %gt3A_48 = vector.broadcast %gt3A_47 : f32 to vector<512x128xf32>
    %gt3A_49 = arith.cmpf ogt, %add3A_46, %gt3A_48 : vector<512x128xf32>
    %min3A_50 = arith.constant 0.000000e+00 : f32
    %min3A_51 = vector.broadcast %min3A_50 : f32 to vector<512x128xf32>
    %min3A_52 = arith.minimumf %add3A_46, %min3A_51 : vector<512x128xf32>
    %exp3A_53 = math.exp %min3A_52 : vector<512x128xf32>
    %sub3A_54 = arith.constant 1.000000e+00 : f32
    %sub3A_55 = vector.broadcast %sub3A_54 : f32 to vector<512x128xf32>
    %sub3A_56 = arith.subf %exp3A_53, %sub3A_55 : vector<512x128xf32>
    %select_n3A_57 = arith.select %gt3A_49, %add3A_46, %sub3A_56 : vector<512x128xi1>, vector<512x128xf32>
    %get3A_58 = arith.constant 0 : index
    %get3A_59 = arith.constant 0 : index
    %get3A_60 = vector.load %arg8[%get3A_58, %get3A_59] : memref<128x29xf32, #tpu.memory_space<vmem>>, vector<128x29xf32>
    %dot_general3A_61 = arith.constant dense<0.000000e+00> : vector<512x29xf32>
    %dot_general3A_62 = tpu.matmul %select_n3A_57, %get3A_60, %dot_general3A_61 {dimension_numbers = #tpu.dot_dimension_numbers<[1], [0], [0], [1], [0, 0, 1, 1], [], []>, transpose_lhs_hint = false} : vector<512x128xf32>, vector<128x29xf32>, vector<512x29xf32> -> vector<512x29xf32>
    %get3A_63 = arith.constant 0 : index
    %get3A_64 = arith.constant 0 : index
    %get3A_65 = vector.load %arg9[%get3A_63, %get3A_64] : memref<1x29xf32, #tpu.memory_space<vmem>>, vector<1x29xf32>
    %add3A_66 = vector.broadcast %get3A_65 : vector<1x29xf32> to vector<512x29xf32>
    %add3A_67 = arith.addf %dot_general3A_62, %add3A_66 : vector<512x29xf32>
    %swap3A = arith.constant 0 : index
    %swap3A_68 = arith.constant 0 : index
    %swap3A_69 = vector.load %arg10[%swap3A, %swap3A_68] : memref<512x29xf32, #tpu.memory_space<vmem>>, vector<512x29xf32>
    tpu.vector_store %arg10[%swap3A, %swap3A_68], %add3A_67 {strides = array<i32>} : memref<512x29xf32, #tpu.memory_space<vmem>>, vector<512x29xf32>,
    return
  }
  func.func @transform_0(%arg0: i32) -> (i32, i32) {
    %c0_i32 = arith.constant 0 : i32
    %c0_i32_0 = arith.constant 0 : i32
    return %arg0, %c0_i32 : i32, i32
  }
  func.func @transform_1(%arg0: i32) -> (i32, i32) {
    %c0_i32 = arith.constant 0 : i32
    %c0_i32_0 = arith.constant 0 : i32
    %c0_i32_1 = arith.constant 0 : i32
    return %c0_i32, %c0_i32_0 : i32, i32
  }
  func.func @transform_2(%arg0: i32) -> (i32, i32) {
    %c0_i32 = arith.constant 0 : i32
    %c0_i32_0 = arith.constant 0 : i32
    %c0_i32_1 = arith.constant 0 : i32
    return %c0_i32, %c0_i32_0 : i32, i32
  }
  func.func @transform_3(%arg0: i32) -> (i32, i32) {
    %c0_i32 = arith.constant 0 : i32
    %c0_i32_0 = arith.constant 0 : i32
    %c0_i32_1 = arith.constant 0 : i32
    return %c0_i32, %c0_i32_0 : i32, i32
  }
  func.func @transform_4(%arg0: i32) -> (i32, i32) {
    %c0_i32 = arith.constant 0 : i32
    %c0_i32_0 = arith.constant 0 : i32
    %c0_i32_1 = arith.constant 0 : i32
    return %c0_i32, %c0_i32_0 : i32, i32
  }
  func.func @transform_5(%arg0: i32) -> (i32, i32) {
    %c0_i32 = arith.constant 0 : i32
    %c0_i32_0 = arith.constant 0 : i32
    %c0_i32_1 = arith.constant 0 : i32
    return %c0_i32, %c0_i32_0 : i32, i32
  }
  func.func @transform_6(%arg0: i32) -> (i32, i32) {
    %c0_i32 = arith.constant 0 : i32
    %c0_i32_0 = arith.constant 0 : i32
    %c0_i32_1 = arith.constant 0 : i32
    return %c0_i32, %c0_i32_0 : i32, i32
  }
  func.func @transform_7(%arg0: i32) -> (i32, i32) {
    %c0_i32 = arith.constant 0 : i32
    %c0_i32_0 = arith.constant 0 : i32
    %c0_i32_1 = arith.constant 0 : i32
    return %c0_i32, %c0_i32_0 : i32, i32
  }
  func.func @transform_8(%arg0: i32) -> (i32, i32) {
    %c0_i32 = arith.constant 0 : i32
    %c0_i32_0 = arith.constant 0 : i32
    %c0_i32_1 = arith.constant 0 : i32
    return %c0_i32, %c0_i32_0 : i32, i32
  }
  func.func @transform_9(%arg0: i32) -> (i32, i32) {
    %c0_i32 = arith.constant 0 : i32
    %c0_i32_0 = arith.constant 0 : i32
    return %arg0, %c0_i32 : i32, i32
  }
}

</mosaic_0001>

<sc_bundles>
// kernel: kernel.4.cloned.1.call-start
scs
__scs_entry_jumppad:
0x0: {  	(pc) =	sbr.rel $0x88, $3  }
0x1: {  	(tag) =	ssettag $0x0;
	lr =	simm.s32 $0x1  }
0x2: {  	[smem:$0x3F91] =	sst lr;
	_ =	strace $0xD0000000  }
0x3: {  	_ = 	snop  }
0x4: {  	_ = 	snop  }
0x5: {  	_ = 	snop  }
0x6: {  	_ = 	snop  }
0x7: {  	_ = 	snop  }
__scs_overlays_trampoline_lowered:
0x8: {  	[smem:$0x3FA0] =	sst s0  }
0x9: {  	[smem:$0x3FA1] =	sst s1  }
0xa: {  	[smem:$0x3FA2] =	sst s2  }
0xb: {  	[smem:$0x3FA3] =	sst s3  }
0xc: {  	[smem:$0x3FA4] =	sst s4  }
0xd: {  	[smem:$0x3FA5] =	sst s5  }
0xe: {  	[smem:$0x3FA6] =	sst s6  }
0xf: {  	[smem:$0x3FA7] =	sst s7  }
0x10: {  	[smem:$0x3FA8] =	sst s8  }
0x11: {  	[smem:$0x3FA9] =	sst s9;
	s0 =	simm.s32 @!p0 $0x0  }
0x12: {  	s1 =	sld [smem:$0x3F8F];
	s0 =	simm.s32 @p0 $0x1  }
0x13: {  	[smem:$0x3FAA] =	sst s0;
	s0 =	simm.s32 @!p1 $0x0  }
0x14: {  	s2 =	sld [smem:$0x3F8E];
	s0 =	simm.s32 @p1 $0x1  }
0x15: {  	[smem:$0x3FAB] =	sst s0;
	s0 =	simm.s32 @!p2 $0x0  }
0x16: {  	s3 =	sld [smem:$0x3FDB];
	s0 =	simm.s32 @p2 $0x1  }
0x17: {  	s4 =	simm.s32 $0x1BF5;
	[smem:$0x3FAD] =	sst s0  }
0x18: {  	s0 =	sld [smem:$0x3F90];
	_ =	swait.ge [sflag:s4], $0x0  }
0x19: {  	s7 =	sld [smem:$0x3F91]  }
0x1a: {  	s8 =	sadd.s32 $0xFFFFE003, lr  }
0x1b: {  	s9 =	sadd.s32 $0xFFFFFEF7, lr;
	s5 =	simm.s32 $0xFFFFFFFF;
	p2 =	slt.u32 s8, $0xFFFFF086  }
0x1c: {  	p1 =	slt.u32 s9, $0xF7A;
	s5 =	simm.s32 @!p2 $0x0  }
0x1d: {  	s5 =	simm.s32 @p1 $0x1;
	p0 =	seq.s32 s7, s2  }
0x1e: {  	s7 =	smul.u32 @!p0 $0xF7A, s2;
	p2 =	seq.s32 @!p0 s5, $0x0  }
0x1f: {  	s9 =	smul.u32 $0xF7A, s1;
	s8 =	simm.s32 @!p0 $0x1BF5;
	p2 =	por !p2, p0  }
0x20: {  	[sflag:s8] =	ssyncset.s32 @!p0 $0xFFFFF086;
	s6 =	sadd.s32 @!p0 s3, s7;
	s7 =	simm.s32 @!p0 $0x108  }
0x21: {  	s3 =	sadd.s32 s3, s9;
	s6 =	sadd.s32 @!p0 $0x88, s6;
	s7 =	simm.s32 @p2 $0x1082  }
0x22: {  	[simem:s7], [sflag:s8] =	dma.local @!p0 [hbm:s6], $0xF7A  }
0x23: {  	s9 =	sor.u32 $0xD0000000, s2;
	s6 =	simm.s32 $0x108;
	_ =	swait.ge @!p0 [sflag:s8], $0x0  }
0x24: {  	s3 =	sadd.s32 $0x88, s3;
	s6 =	simm.s32 @!p1 $0x1082;
	[sflag:s4] =	ssyncset.s32 $0xFFFFF086  }
0x25: {  	[simem:s6], [sflag:s4] =	dma.local [hbm:s3], $0xF7A  }
0x26: {  	[smem:$0x3F91] =	sst s1;
	(tag) =	ssettag s2;
	_ =	strace s9  }
0x27: {  	s1 =	sld [smem:$0x3FA1]  }
0x28: {  	s2 =	sld [smem:$0x3FA2]  }
0x29: {  	s4 =	sld [smem:$0x3FA4]  }
0x2a: {  	p0 =	seq.s32 s5, $0x0;
	s5 =	sld [smem:$0x3FA5]  }
0x2b: {  	s6 =	sld [smem:$0x3FA6]  }
0x2c: {  	s7 =	sld [smem:$0x3FA7]  }
0x2d: {  	s3 =	simm.s32 $0x108;
	s8 =	sld [smem:$0x3FA8]  }
0x2e: {  	s3 =	simm.s32 @!p0 $0x1082;
	s9 =	sld [smem:$0x3FA9]  }
0x2f: {  	lr =	sadd.s32 s0, s3;
	s0 =	sld [smem:$0x3FA0]  }
0x30: {  	s3 =	sld [smem:$0x3FA3]  }
0x31: {  	[smem:$0x3FAC] =	sst s10  }
0x32: {  	s10 =	sld [smem:$0x3FAA];
	_ =	sdelay $0x3  }
0x33: {  	p0 =	seq.s32 s10, $0x1;
	s10 =	sld [smem:$0x3FAC];
	_ =	sdelay $0x3  }
0x34: {  	[smem:$0x3FAC] =	sst s10  }
0x35: {  	s10 =	sld [smem:$0x3FAB];
	_ =	sdelay $0x3  }
0x36: {  	p1 =	seq.s32 s10, $0x1;
	s10 =	sld [smem:$0x3FAC];
	_ =	sdelay $0x3  }
0x37: {  	[smem:$0x3FAC] =	sst s10  }
0x38: {  	s10 =	sld [smem:$0x3FAD]  }
0x39: {  	_ = 	snop;
	(pc) =	sbr.ind lr, $3  }
0x3a: {  	_ = 	snop  }
0x3b: {  	_ = 	snop  }
0x3c: {  	p2 =	seq.s32 s10, $0x1;
	s10 =	sld [smem:$0x3FAC]  }
0x3d: {  	_ =	shalt  }
0x3e: {  	_ =	shalt  }
0x3f: {  	_ =	shalt  }
0x40: {  	_ =	shalt  }
0x41: {  	_ =	shalt  }
0x42: {  	_ =	shalt  }
0x43: {  	_ =	shalt  }
0x44: {  	_ =	shalt  }
0x45: {  	_ =	shalt  }
0x46: {  	_ =	shalt  }
0x47: {  	_ =	shalt  }
0x48: {  	_ =	shalt  }
0x49: {  	_ =	shalt  }
0x4a: {  	_ =	shalt  }
0x4b: {  	_ =	shalt  }
0x4c: {  	_ =	shalt  }
0x4d: {  	_ =	shalt  }
0x4e: {  	_ =	shalt  }
0x4f: {  	_ =	shalt  }
0x50: {  	_ =	shalt  }
0x51: {  	_ =	shalt  }
0x52: {  	_ =	shalt  }
0x53: {  	_ =	shalt  }
0x54: {  	_ =	shalt  }
0x55: {  	_ =	shalt  }
0x56: {  	_ =	shalt  }
0x57: {  	_ =	shalt  }
0x58: {  	_ =	shalt  }
0x59: {  	_ =	shalt  }
0x5a: {  	_ =	shalt  }
0x5b: {  	_ =	shalt  }
0x5c: {  	_ =	shalt  }
0x5d: {  	_ =	shalt  }
0x5e: {  	_ =	shalt  }
0x5f: {  	_ =	shalt  }
0x60: {  	_ =	shalt  }
0x61: {  	_ =	shalt  }
0x62: {  	_ =	shalt  }
0x63: {  	_ =	shalt  }
0x64: {  	_ =	shalt  }
0x65: {  	_ =	shalt  }
0x66: {  	_ =	shalt  }
0x67: {  	_ =	shalt  }
0x68: {  	_ =	shalt  }
0x69: {  	_ =	shalt  }
0x6a: {  	_ =	shalt  }
0x6b: {  	_ =	shalt  }
0x6c: {  	_ =	shalt  }
0x6d: {  	_ =	shalt  }
0x6e: {  	_ =	shalt  }
0x6f: {  	_ =	shalt  }
0x70: {  	_ =	shalt  }
0x71: {  	_ =	shalt  }
0x72: {  	_ =	shalt  }
0x73: {  	_ =	shalt  }
0x74: {  	_ =	shalt  }
0x75: {  	_ =	shalt  }
0x76: {  	_ =	shalt  }
0x77: {  	_ =	shalt  }
0x78: {  	_ =	shalt  }
0x79: {  	_ =	shalt  }
0x7a: {  	_ =	shalt  }
0x7b: {  	_ =	shalt  }
0x7c: {  	_ =	shalt  }
0x7d: {  	_ =	shalt  }
0x7e: {  	_ =	shalt  }
0x7f: {  	_ =	shalt  }
0x80: {  	_ =	shalt  }
0x81: {  	_ =	shalt  }
0x82: {  	_ =	shalt  }
0x83: {  	_ =	shalt  }
0x84: {  	_ =	shalt  }
0x85: {  	_ =	shalt  }
0x86: {  	_ =	shalt  }
0x87: {  	_ =	shalt  }
.Lfunc_end0:
.L_simem_size_0:
called_computation_lowered:
.L_overlay_start_0:
0x88: {  	s2 =	sld [smem:$0x3FD9]  }
0x89: {  	s3 =	sld [smem:$0x3FFE];
	_ =	sdelay $0x1  }
0x8a: {  	s1 =	srdreg.scid  }
0x8b: {  	s0 =	sand.u32 $0x1, s1  }
0x8c: {  	s17 =	sshll.u32 s0, $0xA;
	s2 =	sadd.s32 s3, s2  }
0x8d: {  	s2 =	sadd.s32 s2, s17  }
0x8e: {  	[smem:$0x3FB8] =	sst s2  }
0x8f: {  	_ = 	snop  }
0x90: {  	s2 =	sld [smem:$0x3FBA];
	(tm) =	ssettm $0x1  }
0x91: {  	s18 =	sld [smem:$0x3FFB];
	_ =	sdelay $0x3  }
0x92: {  	_ =	strace s18  }
0x93: {  	s3 =	sld [smem:$0x3FFC];
	_ =	sdelay $0x3  }
0x94: {  	_ =	strace s3  }
0x95: {  	s3 =	sld [smem:$0x3FFD];
	_ =	sdelay $0x3  }
0x96: {  	_ =	strace s3  }
0x97: {  	_ =	strace $0x8FFFFFFF  }
0x98: {  	s19 =	sld [smem:$0x3FDB];
	_ =	sdelay $0x1  }
0x99: {  	s4 =	simm.s32 $_scs_section_size  }
0x9a: {  	s5 =	simm.s32 $_size__tile_overlayer_lowered;
	s6 =	simm.s32 $_tile_overlayer_lowered  }
0x9b: {  	s22 =	simm.s32 $0x1BFF;
	s21 =	sshll.u32 s6, $0x1;
	s3 =	sadd.s32 s4, s19  }
0x9c: {  	s7 =	simm.s32 $0x0;
	s20 =	sshll.u32 s5, $0x1;
	s5 =	sadd.s32 s21, s3  }
0x9d: {  	[timem:s7], [sflag:s22] =	dma.local [hbm:s5], s20  }
0x9e: {  	_ =	swait.ge [sflag:s22], s20  }
0x9f: {  	s4 =	ssub.s32 $0x0, s20;
	[sflag:s22] =	ssyncset.done $0x0  }
0xa0: {  	[sflag:s22] =	ssyncadd.s32 s4;
	_ =	sdelay $0x1  }
0xa1: {  	s23 =	simm.s32 $0x1B8B  }
0xa2: {  	_ =	swait.ge [sflag:s23], $0x1  }
0xa3: {  	[sflag:s23] =	ssyncset.done $0x0  }
0xa4: {  	s25 =	simm.s32 $0x1B8E;
	s24 =	sld [smem:$0x3FFE];
	[sflag:s23] =	ssyncadd.s32 $0xFFFFFFFF  }
0xa5: {  	s26 =	simm.s32 $execute0_lowered;
	[smem:$0x3FD2] =	sst s25  }
0xa6: {  	s5 =	sshll.u32 s26, $0x1;
	_ =	strace $0x80000046;
	[dreg:$0x1] =	wrdreg $0xFFFFFFFF  }
0xa7: {  	s28 =	simm.s32 $_size_execute0_lowered;
	s3 =	sadd.s32 s3, s5;
	[dreg:$0x0] =	wrdreg $0x0  }
0xa8: {  	s5 =	sshll.u32 s28, $0x1;
	[dreg:$0x2] =	wrdreg s3  }
0xa9: {  	[dreg:$0x3] =	wrdreg s5  }
0xaa: {  	[dreg:$0x4] =	wrdreg $0xC0  }
0xab: {  	_ =	task [dreg:s7], $0x5FFFF  }
0xac: {  	[dreg:$0x1] =	wrdreg $0xFFFFFFFF  }
0xad: {  	[dreg:$0x0] =	wrdreg $0x60  }
0xae: {  	[dreg:$0x2] =	wrdreg s2  }
0xaf: {  	[dreg:$0x3] =	wrdreg s24  }
0xb0: {  	[dreg:$0x4] =	wrdreg $0x9  }
0xb1: {  	_ =	task.clear_ibuf [dreg:s7], $0x5FFFF;
	_ =	strace $0x90000046  }
0xb2: {  	s29 =	simm.s32 $0x9;
	_ =	strace $0x80000048  }
0xb3: {  	_ =	swait.ge [sflag:s29], $0x1  }
0xb4: {  	[sflag:s29] =	ssyncadd.s32 $0xFFFFFFFF  }
0xb5: {  	_ =	strace $0x90000048  }
0xb6: {  	_ =	sfence  }
0xb7: {  	s30 =	sld [smem:$0x0];
	_ =	sdelay $0x2  }
0xb8: {  	s31 =	sshll.u32 s1, $0xD;
	s1 =	sshrl.u32 s1, $0x2  }
0xb9: {  	s3 =	sand.u32 $0x4000, s31;
	s1 =	sadd.s32 s1, s30  }
0xba: {  	s0 =	sor.u32 s3, s0;
	s1 =	sshll.u32 s1, $0x11  }
0xbb: {  	s0 =	sor.u32 s1, s0  }
0xbc: {  	s0 =	sadd.s32 $0x8F2B, s0  }
0xbd: {  	[sflag:s0] =	ssyncadd.remote.s32 $0x1  }
0xbe: {  	_ =	sfence.sel $0xFFFF  }
0xbf: {  	[dreg:$0x0] =	wrdreg $0xFFFFFFFF;
	(pc) =	sbr.abs _section_cstart, $3  }
0xc0: {  	[dreg:$0x1] =	wrdreg $0xFFFFFFFF  }
0xc1: {  	_ =	task.clear_ibuf [dreg:s7], $0x2FFFF;
	_ =	strace $0x9FFFFFFF  }
0xc2: {  	(tm) =	ssettm $0x7FFFFFFF  }
0xc3: {  	_ =	shalt  }
tec
execute0_lowered:
.L_overlay_start_1:
0x0: {  	(tag) =	ssettag $0x1  }
0x1: {  	s0 =	rddreg [dreg:$0x0]  }
0x2: {  	s1 =	rddreg [dreg:$0x1];
	s2 =	simm.s32 $0x0;
	s3 =	srdreg.scid  }
0x3: {  	s4 =	stileid.u32;
	s17 =	simm.s32 $0x2;
	s18 =	simm.s32 $0x1  }
0x4: {  	s25 =	simm.s32 $0x0;
	[smem:$0x7FF] =	sst s2;
	s9 =	sand.u32 $0x1, s3  }
0x5: {  	s5 =	sshll.u32 s4, $0x8;
	s3 =	sadd.s32 $0x4400, s1;
	s4 =	sadd.s32 $0x8B2A00, s1  }
0x6: {  	s7 =	sadd.s32 $0x41EC00, s1;
	s8 =	sadd.s32 $0x5A5600, s1;
	s6 =	sshll.u32 s9, $0x7  }
0x7: {  	_ =	strace $0x80000047;
	s14 =	ssub.s32 $0x2, s9;
	s13 =	sor.u32 s6, s5  }
0x8: {  	s5 =	sadd.s32 $0x298200, s1;
	s6 =	sadd.s32 $0x72C000, s1;
	s10 =	sshll.u32 s13, $0x4  }
0x9: {  	vm3 =	vcmask $0x70C;
	vm4 =	vcmask $0xB10;
	s15 =	sshrl.u32 s14, $0x1;
	s31 =	sshrl.u32 s13, $0x3;
	s1 =	sadd.s32 s10, s1  }
0xa: {  	vm5 =	vcmask $0xF14;
	vm6 =	vcmask $0x1318;
	vm7 =	vcmask $0x171C;
	s16 =	ssub.s32 s14, s15;
	s14 =	sadd.s32 s0, s31;
	s28 =	sadd.s32 $0x1CAE00, s1  }
0xb: {  	vm8 =	vcmask $0x1B20;
	vm9 =	vcmask $0x1F24;
	vm10 =	vcmask $0x2328;
	s16 =	smax.u32 s16, $0x1;
	s29 =	sadd.s32 $0x1DAE00, s1;
	[dreg:$0x3] =	wrdreg s28  }
0xc: {  	vm0 =	vmmov $0x1;
	vm11 =	vcmask $0x272C;
	vm12 =	vcmask $0x2B30;
	s30 =	sadd.s32 $0x18AE00, s1;
	s12 =	sadd.s32 $0x1BAE00, s1;
	[dreg:$0x4] =	wrdreg s29  }
0xd: {  	vm15 =	vmmov $0x7fff;
	vm13 =	vcmask $0x2F34;
	vm14 =	vcmask $0x3338;
	s13 =	sadd.s32 $0x19AE00, s1;
	s15 =	sadd.s32 $0x1AAE00, s1;
	[dreg:$0x5] =	wrdreg s30  }
.LBB2_1:
0xe: {  	[tilespmem:s2], [sflag:$0x2] =	stream.linear.gather [hbm4b:s14+s2], $0x80, $0x38;
	[tilespmem:$0x18080] =	vst v63  }
0xf: {  	_ =	swait.ge [sflag:s17], $0x80  }
0x10: {  	[sflag:s17] =	ssyncset.done $0x0  }
0x11: {  	[sflag:s17] =	ssyncadd.s32 $0xFFFFFF80  }
0x12: {  	v0 =	vld [tilespmem:s2+$0x0];
	_ =	sdelay $0x4  }
0x13: {  	vm1 =	vlt.s32 v0, $0x1869F  }
0x14: {  	v0 =	vnsel vm1, $0x1869F, v0  }
0x15: {  	v1 =	vnsel vm0, $0x0, v0  }
0x16: {  	v1 =	vxor.u32 $0x80000000, v1  }
0x17: {  	(xrf0) =	vmax.scan.msk.u32 $0xffff, v1;
	_ =	sdelay $0x5  }
0x18: {  	vm2 =	vcmask $0x308;
	v1, _, _ =	vpop (xrf0)  }
0x19: {  	v2 =	vsel vm2, $0x0, v0;
	(v2sf) =	vpush v1, $0xF  }
0x1a: {  	v50 =	vxor.u32 $0x80000000, v2  }
0x1b: {  	(xrf0) =	vmax.scan.msk.u32 $0xffff, v50;
	_ =	sdelay $0x5  }
0x1c: {  	v1, _, _ =	vpop (xrf0)  }
0x1d: {  	(v2sf) =	vpush v1, $0xF;
	_ =	sdelay $0x2  }
0x1e: {  	v51 =	vsel vm3, $0x0, v0  }
0x1f: {  	v1 =	vxor.u32 $0x80000000, v51  }
0x20: {  	(xrf0) =	vmax.scan.msk.u32 $0xffff, v1  }
0x21: {  	s0 =	spop (v2sf)  }
0x22: {  	s0 =	sshll.u32 s0, $0x4  }
0x23: {  	s0 =	sand.u32 $0x1FFFFFF0, s0  }
0x24: {  	s1 =	simm.s32 $0x80;
	s19 =	sadd.s32 s3, s0  }
0x25: {  	[tilespmem:s1], [sflag:$0x1] =	stream.linear.gather [hbm4b:s19+s2], $0x80, $0x38;
	[tilespmem:$0x18080] =	vst v63  }
0x26: {  	s23 =	simm.s32 $0x4080;
	v1, _, _ =	vpop (xrf0);
	s24 =	sadd.s32 s4, s0  }
0x27: {  	(v2sf) =	vpush v1, $0xF;
	[tilespmem:s23], [sflag:$0x1] =	stream.linear.gather [hbm4b:s24+s2], $0x80, $0x38;
	[tilespmem:$0x18080] =	vst v63  }
0x28: {  	s26 =	simm.s32 $0x8080;
	s29 =	sadd.s32 s5, s0  }
0x29: {  	[tilespmem:s26], [sflag:$0x1] =	stream.linear.gather [hbm4b:s29+s2], $0x80, $0x38;
	[tilespmem:$0x18080] =	vst v63  }
0x2a: {  	s31 =	simm.s32 $0xC080;
	v52 =	vsel vm4, $0x0, v0;
	s20 =	sadd.s32 s6, s0;
	s30 =	spop (v2sf)  }
0x2b: {  	v1 =	vxor.u32 $0x80000000, v52;
	[tilespmem:s31], [sflag:$0x1] =	stream.linear.gather [hbm4b:s20+s2], $0x80, $0x38;
	[tilespmem:$0x18080] =	vst v63  }
0x2c: {  	s9 =	simm.s32 $0x10080;
	(xrf0) =	vmax.scan.msk.u32 $0xffff, v1;
	s10 =	sadd.s32 s7, s0;
	s1 =	sshll.u32 s30, $0x4  }
0x2d: {  	[tilespmem:s9], [sflag:$0x1] =	stream.linear.gather [hbm4b:s10+s2], $0x80, $0x38;
	[tilespmem:$0x18080] =	vst v63  }
0x2e: {  	s11 =	simm.s32 $0x14080;
	s0 =	sadd.s32 s8, s0;
	s1 =	sand.u32 $0x1FFFFFF0, s1  }
0x2f: {  	[tilespmem:s11], [sflag:$0x1] =	stream.linear.gather [hbm4b:s0+s2], $0x80, $0x38;
	[tilespmem:$0x18080] =	vst v63  }
0x30: {  	s21 =	sadd.s32 s3, s1;
	s20 =	simm.s32 $0x100  }
0x31: {  	[tilespmem:s20], [sflag:$0x1] =	stream.linear.gather [hbm4b:s21+s2], $0x80, $0x38;
	[tilespmem:$0x18080] =	vst v63  }
0x32: {  	s22 =	simm.s32 $0x4100;
	v1, _, _ =	vpop (xrf0);
	s23 =	sadd.s32 s4, s1  }
0x33: {  	(v2sf) =	vpush v1, $0xF;
	[tilespmem:s22], [sflag:$0x1] =	stream.linear.gather [hbm4b:s23+s2], $0x80, $0x38;
	[tilespmem:$0x18080] =	vst v63  }
0x34: {  	s24 =	simm.s32 $0x8100;
	s26 =	sadd.s32 s5, s1  }
0x35: {  	[tilespmem:s24], [sflag:$0x1] =	stream.linear.gather [hbm4b:s26+s2], $0x80, $0x38;
	[tilespmem:$0x18080] =	vst v63  }
0x36: {  	v53 =	vsel vm5, $0x0, v0;
	s30 =	simm.s32 $0xC100;
	s31 =	sadd.s32 s6, s1;
	s29 =	spop (v2sf)  }
0x37: {  	v1 =	vxor.u32 $0x80000000, v53;
	[tilespmem:s30], [sflag:$0x1] =	stream.linear.gather [hbm4b:s31+s2], $0x80, $0x38;
	[tilespmem:$0x18080] =	vst v63  }
0x38: {  	(xrf0) =	vmax.scan.msk.u32 $0xffff, v1;
	s9 =	simm.s32 $0x10100;
	s10 =	sadd.s32 s7, s1;
	s0 =	sshll.u32 s29, $0x4  }
0x39: {  	[tilespmem:s9], [sflag:$0x1] =	stream.linear.gather [hbm4b:s10+s2], $0x80, $0x38;
	[tilespmem:$0x18080] =	vst v63  }
0x3a: {  	s1 =	sadd.s32 s8, s1;
	s11 =	simm.s32 $0x14100;
	s0 =	sand.u32 $0x1FFFFFF0, s0  }
0x3b: {  	[tilespmem:s11], [sflag:$0x1] =	stream.linear.gather [hbm4b:s1+s2], $0x80, $0x38;
	[tilespmem:$0x18080] =	vst v63  }
0x3c: {  	s20 =	simm.s32 $0x180;
	s21 =	sadd.s32 s3, s0  }
0x3d: {  	[tilespmem:s20], [sflag:$0x1] =	stream.linear.gather [hbm4b:s21+s2], $0x80, $0x38;
	[tilespmem:$0x18080] =	vst v63  }
0x3e: {  	v1, _, _ =	vpop (xrf0);
	s22 =	simm.s32 $0x4180;
	s23 =	sadd.s32 s4, s0  }
0x3f: {  	(v2sf) =	vpush v1, $0xF;
	[tilespmem:s22], [sflag:$0x1] =	stream.linear.gather [hbm4b:s23+s2], $0x80, $0x38;
	[tilespmem:$0x18080] =	vst v63  }
0x40: {  	s24 =	simm.s32 $0x8180;
	s26 =	sadd.s32 s5, s0  }
0x41: {  	[tilespmem:s24], [sflag:$0x1] =	stream.linear.gather [hbm4b:s26+s2], $0x80, $0x38;
	[tilespmem:$0x18080] =	vst v63  }
0x42: {  	v54 =	vsel vm6, $0x0, v0;
	s30 =	simm.s32 $0xC180;
	s31 =	sadd.s32 s6, s0;
	s29 =	spop (v2sf)  }
0x43: {  	v1 =	vxor.u32 $0x80000000, v54;
	[tilespmem:s30], [sflag:$0x1] =	stream.linear.gather [hbm4b:s31+s2], $0x80, $0x38;
	[tilespmem:$0x18080] =	vst v63  }
0x44: {  	(xrf0) =	vmax.scan.msk.u32 $0xffff, v1;
	s9 =	simm.s32 $0x10180;
	s10 =	sadd.s32 s7, s0;
	s1 =	sshll.u32 s29, $0x4  }
0x45: {  	[tilespmem:s9], [sflag:$0x1] =	stream.linear.gather [hbm4b:s10+s2], $0x80, $0x38;
	[tilespmem:$0x18080] =	vst v63  }
0x46: {  	s0 =	sadd.s32 s8, s0;
	s11 =	simm.s32 $0x14180;
	s1 =	sand.u32 $0x1FFFFFF0, s1  }
0x47: {  	[tilespmem:s11], [sflag:$0x1] =	stream.linear.gather [hbm4b:s0+s2], $0x80, $0x38;
	[tilespmem:$0x18080] =	vst v63  }
0x48: {  	s20 =	simm.s32 $0x200;
	s21 =	sadd.s32 s3, s1  }
0x49: {  	[tilespmem:s20], [sflag:$0x1] =	stream.linear.gather [hbm4b:s21+s2], $0x80, $0x38;
	[tilespmem:$0x18080] =	vst v63  }
0x4a: {  	v1, _, _ =	vpop (xrf0);
	s22 =	simm.s32 $0x4200;
	s23 =	sadd.s32 s4, s1  }
0x4b: {  	(v2sf) =	vpush v1, $0xF;
	[tilespmem:s22], [sflag:$0x1] =	stream.linear.gather [hbm4b:s23+s2], $0x80, $0x38;
	[tilespmem:$0x18080] =	vst v63  }
0x4c: {  	s24 =	simm.s32 $0x8200;
	s26 =	sadd.s32 s5, s1  }
0x4d: {  	[tilespmem:s24], [sflag:$0x1] =	stream.linear.gather [hbm4b:s26+s2], $0x80, $0x38;
	[tilespmem:$0x18080] =	vst v63  }
0x4e: {  	v55 =	vsel vm7, $0x0, v0;
	s29 =	spop (v2sf);
	s30 =	simm.s32 $0xC200;
	s31 =	sadd.s32 s6, s1  }
0x4f: {  	v1 =	vxor.u32 $0x80000000, v55;
	[tilespmem:s30], [sflag:$0x1] =	stream.linear.gather [hbm4b:s31+s2], $0x80, $0x38;
	[tilespmem:$0x18080] =	vst v63  }
0x50: {  	(xrf0) =	vmax.scan.msk.u32 $0xffff, v1;
	s9 =	simm.s32 $0x10200;
	s10 =	sadd.s32 s7, s1;
	s0 =	sshll.u32 s29, $0x4  }
0x51: {  	[tilespmem:s9], [sflag:$0x1] =	stream.linear.gather [hbm4b:s10+s2], $0x80, $0x38;
	[tilespmem:$0x18080] =	vst v63  }
0x52: {  	s1 =	sadd.s32 s8, s1;
	s11 =	simm.s32 $0x14200;
	s0 =	sand.u32 $0x1FFFFFF0, s0  }
0x53: {  	[tilespmem:s11], [sflag:$0x1] =	stream.linear.gather [hbm4b:s1+s2], $0x80, $0x38;
	[tilespmem:$0x18080] =	vst v63  }
0x54: {  	s20 =	simm.s32 $0x280;
	s21 =	sadd.s32 s3, s0  }
0x55: {  	[tilespmem:s20], [sflag:$0x1] =	stream.linear.gather [hbm4b:s21+s2], $0x80, $0x38;
	[tilespmem:$0x18080] =	vst v63  }
0x56: {  	v1, _, _ =	vpop (xrf0);
	s22 =	simm.s32 $0x4280;
	s23 =	sadd.s32 s4, s0  }
0x57: {  	(v2sf) =	vpush v1, $0xF;
	[tilespmem:s22], [sflag:$0x1] =	stream.linear.gather [hbm4b:s23+s2], $0x80, $0x38;
	[tilespmem:$0x18080] =	vst v63  }
0x58: {  	s24 =	simm.s32 $0x8280;
	s26 =	sadd.s32 s5, s0  }
0x59: {  	[tilespmem:s24], [sflag:$0x1] =	stream.linear.gather [hbm4b:s26+s2], $0x80, $0x38;
	[tilespmem:$0x18080] =	vst v63  }
0x5a: {  	v56 =	vsel vm8, $0x0, v0;
	s29 =	spop (v2sf);
	s30 =	simm.s32 $0xC280;
	s31 =	sadd.s32 s6, s0  }
0x5b: {  	v1 =	vxor.u32 $0x80000000, v56;
	[tilespmem:s30], [sflag:$0x1] =	stream.linear.gather [hbm4b:s31+s2], $0x80, $0x38;
	[tilespmem:$0x18080] =	vst v63  }
0x5c: {  	(xrf0) =	vmax.scan.msk.u32 $0xffff, v1;
	s9 =	simm.s32 $0x10280;
	s10 =	sadd.s32 s7, s0;
	s1 =	sshll.u32 s29, $0x4  }
0x5d: {  	[tilespmem:s9], [sflag:$0x1] =	stream.linear.gather [hbm4b:s10+s2], $0x80, $0x38;
	[tilespmem:$0x18080] =	vst v63  }
0x5e: {  	s0 =	sadd.s32 s8, s0;
	s11 =	simm.s32 $0x14280;
	s1 =	sand.u32 $0x1FFFFFF0, s1  }
0x5f: {  	[tilespmem:s11], [sflag:$0x1] =	stream.linear.gather [hbm4b:s0+s2], $0x80, $0x38;
	[tilespmem:$0x18080] =	vst v63  }
0x60: {  	s20 =	simm.s32 $0x300;
	s21 =	sadd.s32 s3, s1  }
0x61: {  	[tilespmem:s20], [sflag:$0x1] =	stream.linear.gather [hbm4b:s21+s2], $0x80, $0x38;
	[tilespmem:$0x18080] =	vst v63  }
0x62: {  	v1, _, _ =	vpop (xrf0);
	s22 =	simm.s32 $0x4300;
	s23 =	sadd.s32 s4, s1  }
0x63: {  	(v2sf) =	vpush v1, $0xF;
	[tilespmem:s22], [sflag:$0x1] =	stream.linear.gather [hbm4b:s23+s2], $0x80, $0x38;
	[tilespmem:$0x18080] =	vst v63  }
0x64: {  	s24 =	simm.s32 $0x8300;
	s26 =	sadd.s32 s5, s1  }
0x65: {  	[tilespmem:s24], [sflag:$0x1] =	stream.linear.gather [hbm4b:s26+s2], $0x80, $0x38;
	[tilespmem:$0x18080] =	vst v63  }
0x66: {  	v57 =	vsel vm9, $0x0, v0;
	s29 =	spop (v2sf);
	s30 =	simm.s32 $0xC300;
	s31 =	sadd.s32 s6, s1  }
0x67: {  	v1 =	vxor.u32 $0x80000000, v57;
	[tilespmem:s30], [sflag:$0x1] =	stream.linear.gather [hbm4b:s31+s2], $0x80, $0x38;
	[tilespmem:$0x18080] =	vst v63  }
0x68: {  	(xrf0) =	vmax.scan.msk.u32 $0xffff, v1;
	s9 =	simm.s32 $0x10300;
	s10 =	sadd.s32 s7, s1;
	s0 =	sshll.u32 s29, $0x4  }
0x69: {  	[tilespmem:s9], [sflag:$0x1] =	stream.linear.gather [hbm4b:s10+s2], $0x80, $0x38;
	[tilespmem:$0x18080] =	vst v63  }
0x6a: {  	s1 =	sadd.s32 s8, s1;
	s11 =	simm.s32 $0x14300;
	s0 =	sand.u32 $0x1FFFFFF0, s0  }
0x6b: {  	[tilespmem:s11], [sflag:$0x1] =	stream.linear.gather [hbm4b:s1+s2], $0x80, $0x38;
	[tilespmem:$0x18080] =	vst v63  }
0x6c: {  	s20 =	simm.s32 $0x380;
	s21 =	sadd.s32 s3, s0  }
0x6d: {  	[tilespmem:s20], [sflag:$0x1] =	stream.linear.gather [hbm4b:s21+s2], $0x80, $0x38;
	[tilespmem:$0x18080] =	vst v63  }
0x6e: {  	v1, _, _ =	vpop (xrf0);
	s22 =	simm.s32 $0x4380;
	s23 =	sadd.s32 s4, s0  }
0x6f: {  	(v2sf) =	vpush v1, $0xF;
	[tilespmem:s22], [sflag:$0x1] =	stream.linear.gather [hbm4b:s23+s2], $0x80, $0x38;
	[tilespmem:$0x18080] =	vst v63  }
0x70: {  	s24 =	simm.s32 $0x8380;
	s26 =	sadd.s32 s5, s0  }
0x71: {  	[tilespmem:s24], [sflag:$0x1] =	stream.linear.gather [hbm4b:s26+s2], $0x80, $0x38;
	[tilespmem:$0x18080] =	vst v63  }
0x72: {  	v58 =	vsel vm10, $0x0, v0;
	s29 =	spop (v2sf);
	s30 =	simm.s32 $0xC380;
	s31 =	sadd.s32 s6, s0  }
0x73: {  	v1 =	vxor.u32 $0x80000000, v58;
	[tilespmem:s30], [sflag:$0x1] =	stream.linear.gather [hbm4b:s31+s2], $0x80, $0x38;
	[tilespmem:$0x18080] =	vst v63  }
0x74: {  	(xrf0) =	vmax.scan.msk.u32 $0xffff, v1;
	s9 =	simm.s32 $0x10380;
	s10 =	sadd.s32 s7, s0;
	s1 =	sshll.u32 s29, $0x4  }
0x75: {  	[tilespmem:s9], [sflag:$0x1] =	stream.linear.gather [hbm4b:s10+s2], $0x80, $0x38;
	[tilespmem:$0x18080] =	vst v63  }
0x76: {  	s0 =	sadd.s32 s8, s0;
	s11 =	simm.s32 $0x14380;
	s1 =	sand.u32 $0x1FFFFFF0, s1  }
0x77: {  	[tilespmem:s11], [sflag:$0x1] =	stream.linear.gather [hbm4b:s0+s2], $0x80, $0x38;
	[tilespmem:$0x18080] =	vst v63  }
0x78: {  	s20 =	simm.s32 $0x400;
	s21 =	sadd.s32 s3, s1  }
0x79: {  	[tilespmem:s20], [sflag:$0x1] =	stream.linear.gather [hbm4b:s21+s2], $0x80, $0x38;
	[tilespmem:$0x18080] =	vst v63  }
0x7a: {  	v1, _, _ =	vpop (xrf0);
	s22 =	simm.s32 $0x4400;
	s23 =	sadd.s32 s4, s1  }
0x7b: {  	(v2sf) =	vpush v1, $0xF;
	[tilespmem:s22], [sflag:$0x1] =	stream.linear.gather [hbm4b:s23+s2], $0x80, $0x38;
	[tilespmem:$0x18080] =	vst v63  }
0x7c: {  	s24 =	simm.s32 $0x8400;
	s26 =	sadd.s32 s5, s1  }
0x7d: {  	[tilespmem:s24], [sflag:$0x1] =	stream.linear.gather [hbm4b:s26+s2], $0x80, $0x38;
	[tilespmem:$0x18080] =	vst v63  }
0x7e: {  	v59 =	vsel vm11, $0x0, v0;
	s29 =	spop (v2sf);
	s30 =	simm.s32 $0xC400;
	s31 =	sadd.s32 s6, s1  }
0x7f: {  	v1 =	vxor.u32 $0x80000000, v59;
	[tilespmem:s30], [sflag:$0x1] =	stream.linear.gather [hbm4b:s31+s2], $0x80, $0x38;
	[tilespmem:$0x18080] =	vst v63  }
0x80: {  	(xrf0) =	vmax.scan.msk.u32 $0xffff, v1;
	s9 =	simm.s32 $0x10400;
	s10 =	sadd.s32 s7, s1;
	s0 =	sshll.u32 s29, $0x4  }
0x81: {  	[tilespmem:s9], [sflag:$0x1] =	stream.linear.gather [hbm4b:s10+s2], $0x80, $0x38;
	[tilespmem:$0x18080] =	vst v63  }
0x82: {  	s1 =	sadd.s32 s8, s1;
	s11 =	simm.s32 $0x14400;
	s0 =	sand.u32 $0x1FFFFFF0, s0  }
0x83: {  	[tilespmem:s11], [sflag:$0x1] =	stream.linear.gather [hbm4b:s1+s2], $0x80, $0x38;
	[tilespmem:$0x18080] =	vst v63  }
0x84: {  	s20 =	simm.s32 $0x480;
	s21 =	sadd.s32 s3, s0  }
0x85: {  	[tilespmem:s20], [sflag:$0x1] =	stream.linear.gather [hbm4b:s21+s2], $0x80, $0x38;
	[tilespmem:$0x18080] =	vst v63  }
0x86: {  	v1, _, _ =	vpop (xrf0);
	s22 =	simm.s32 $0x4480;
	s23 =	sadd.s32 s4, s0  }
0x87: {  	(v2sf) =	vpush v1, $0xF;
	[tilespmem:s22], [sflag:$0x1] =	stream.linear.gather [hbm4b:s23+s2], $0x80, $0x38;
	[tilespmem:$0x18080] =	vst v63  }
0x88: {  	s24 =	simm.s32 $0x8480;
	s26 =	sadd.s32 s5, s0  }
0x89: {  	[tilespmem:s24], [sflag:$0x1] =	stream.linear.gather [hbm4b:s26+s2], $0x80, $0x38;
	[tilespmem:$0x18080] =	vst v63  }
0x8a: {  	v60 =	vsel vm12, $0x0, v0;
	s29 =	spop (v2sf);
	s30 =	simm.s32 $0xC480;
	s31 =	sadd.s32 s6, s0  }
0x8b: {  	v1 =	vxor.u32 $0x80000000, v60;
	[tilespmem:s30], [sflag:$0x1] =	stream.linear.gather [hbm4b:s31+s2], $0x80, $0x38;
	[tilespmem:$0x18080] =	vst v63  }
0x8c: {  	(xrf0) =	vmax.scan.msk.u32 $0xffff, v1;
	s9 =	simm.s32 $0x10480;
	s10 =	sadd.s32 s7, s0;
	s1 =	sshll.u32 s29, $0x4  }
0x8d: {  	[tilespmem:s9], [sflag:$0x1] =	stream.linear.gather [hbm4b:s10+s2], $0x80, $0x38;
	[tilespmem:$0x18080] =	vst v63  }
0x8e: {  	s0 =	sadd.s32 s8, s0;
	s11 =	simm.s32 $0x14480;
	s1 =	sand.u32 $0x1FFFFFF0, s1  }
0x8f: {  	[tilespmem:s11], [sflag:$0x1] =	stream.linear.gather [hbm4b:s0+s2], $0x80, $0x38;
	[tilespmem:$0x18080] =	vst v63  }
0x90: {  	s20 =	simm.s32 $0x500;
	s21 =	sadd.s32 s3, s1  }
0x91: {  	[tilespmem:s20], [sflag:$0x1] =	stream.linear.gather [hbm4b:s21+s2], $0x80, $0x38;
	[tilespmem:$0x18080] =	vst v63  }
0x92: {  	v1, _, _ =	vpop (xrf0);
	s22 =	simm.s32 $0x4500;
	s23 =	sadd.s32 s4, s1  }
0x93: {  	(v2sf) =	vpush v1, $0xF;
	[tilespmem:s22], [sflag:$0x1] =	stream.linear.gather [hbm4b:s23+s2], $0x80, $0x38;
	[tilespmem:$0x18080] =	vst v63  }
0x94: {  	s24 =	simm.s32 $0x8500;
	s26 =	sadd.s32 s5, s1  }
0x95: {  	[tilespmem:s24], [sflag:$0x1] =	stream.linear.gather [hbm4b:s26+s2], $0x80, $0x38;
	[tilespmem:$0x18080] =	vst v63  }
0x96: {  	v61 =	vsel vm13, $0x0, v0;
	s29 =	spop (v2sf);
	s30 =	simm.s32 $0xC500;
	s31 =	sadd.s32 s6, s1  }
0x97: {  	v1 =	vxor.u32 $0x80000000, v61;
	[tilespmem:s30], [sflag:$0x1] =	stream.linear.gather [hbm4b:s31+s2], $0x80, $0x38;
	[tilespmem:$0x18080] =	vst v63  }
0x98: {  	(xrf0) =	vmax.scan.msk.u32 $0xffff, v1;
	s9 =	simm.s32 $0x10500;
	s10 =	sadd.s32 s7, s1;
	s0 =	sshll.u32 s29, $0x4  }
0x99: {  	[tilespmem:s9], [sflag:$0x1] =	stream.linear.gather [hbm4b:s10+s2], $0x80, $0x38;
	[tilespmem:$0x18080] =	vst v63  }
0x9a: {  	s1 =	sadd.s32 s8, s1;
	s11 =	simm.s32 $0x14500;
	s0 =	sand.u32 $0x1FFFFFF0, s0  }
0x9b: {  	[tilespmem:s11], [sflag:$0x1] =	stream.linear.gather [hbm4b:s1+s2], $0x80, $0x38;
	[tilespmem:$0x18080] =	vst v63  }
0x9c: {  	s20 =	simm.s32 $0x580;
	s21 =	sadd.s32 s3, s0  }
0x9d: {  	[tilespmem:s20], [sflag:$0x1] =	stream.linear.gather [hbm4b:s21+s2], $0x80, $0x38;
	[tilespmem:$0x18080] =	vst v63  }
0x9e: {  	v1, _, _ =	vpop (xrf0);
	s22 =	simm.s32 $0x4580;
	s23 =	sadd.s32 s4, s0  }
0x9f: {  	(v2sf) =	vpush v1, $0xF;
	[tilespmem:s22], [sflag:$0x1] =	stream.linear.gather [hbm4b:s23+s2], $0x80, $0x38;
	[tilespmem:$0x18080] =	vst v63  }
0xa0: {  	s24 =	simm.s32 $0x8580;
	s26 =	sadd.s32 s5, s0  }
0xa1: {  	[tilespmem:s24], [sflag:$0x1] =	stream.linear.gather [hbm4b:s26+s2], $0x80, $0x38;
	[tilespmem:$0x18080] =	vst v63  }
0xa2: {  	v62 =	vsel vm14, $0x0, v0;
	s29 =	spop (v2sf);
	s30 =	simm.s32 $0xC580;
	s31 =	sadd.s32 s6, s0  }
0xa3: {  	v1 =	vxor.u32 $0x80000000, v62;
	[tilespmem:s30], [sflag:$0x1] =	stream.linear.gather [hbm4b:s31+s2], $0x80, $0x38;
	[tilespmem:$0x18080] =	vst v63  }
0xa4: {  	(xrf0) =	vmax.scan.msk.u32 $0xffff, v1;
	s9 =	simm.s32 $0x10580;
	s10 =	sadd.s32 s7, s0;
	s1 =	sshll.u32 s29, $0x4  }
0xa5: {  	[tilespmem:s9], [sflag:$0x1] =	stream.linear.gather [hbm4b:s10+s2], $0x80, $0x38;
	[tilespmem:$0x18080] =	vst v63  }
0xa6: {  	s0 =	sadd.s32 s8, s0;
	s11 =	simm.s32 $0x14580;
	s1 =	sand.u32 $0x1FFFFFF0, s1  }
0xa7: {  	[tilespmem:s11], [sflag:$0x1] =	stream.linear.gather [hbm4b:s0+s2], $0x80, $0x38;
	[tilespmem:$0x18080] =	vst v63  }
0xa8: {  	s20 =	simm.s32 $0x600;
	s21 =	sadd.s32 s3, s1  }
0xa9: {  	[tilespmem:s20], [sflag:$0x1] =	stream.linear.gather [hbm4b:s21+s2], $0x80, $0x38;
	[tilespmem:$0x18080] =	vst v63  }
0xaa: {  	v1, _, _ =	vpop (xrf0);
	s22 =	simm.s32 $0x4600;
	s23 =	sadd.s32 s4, s1  }
0xab: {  	(v2sf) =	vpush v1, $0xF;
	[tilespmem:s22], [sflag:$0x1] =	stream.linear.gather [hbm4b:s23+s2], $0x80, $0x38;
	[tilespmem:$0x18080] =	vst v63  }
0xac: {  	s24 =	simm.s32 $0x8600;
	s26 =	sadd.s32 s5, s1  }
0xad: {  	vm2 =	vcmask $0x373C;
	[tilespmem:s24], [sflag:$0x1] =	stream.linear.gather [hbm4b:s26+s2], $0x80, $0x38;
	[tilespmem:$0x18080] =	vst v63  }
0xae: {  	v63 =	vsel vm2, $0x0, v0;
	s29 =	spop (v2sf);
	s30 =	simm.s32 $0xC600;
	s31 =	sadd.s32 s6, s1  }
0xaf: {  	v1 =	vxor.u32 $0x80000000, v63;
	[tilespmem:s30], [sflag:$0x1] =	stream.linear.gather [hbm4b:s31+s2], $0x80, $0x38;
	[tilespmem:$0x18080] =	vst v63  }
0xb0: {  	(xrf0) =	vmax.scan.msk.u32 $0xffff, v1;
	s9 =	simm.s32 $0x10600;
	s10 =	sadd.s32 s7, s1;
	s0 =	sshll.u32 s29, $0x4  }
0xb1: {  	[tilespmem:s9], [sflag:$0x1] =	stream.linear.gather [hbm4b:s10+s2], $0x80, $0x38;
	[tilespmem:$0x18080] =	vst v63  }
0xb2: {  	s1 =	sadd.s32 s8, s1;
	s11 =	simm.s32 $0x14600;
	s0 =	sand.u32 $0x1FFFFFF0, s0  }
0xb3: {  	[tilespmem:s11], [sflag:$0x1] =	stream.linear.gather [hbm4b:s1+s2], $0x80, $0x38;
	[tilespmem:$0x18080] =	vst v63  }
0xb4: {  	s20 =	simm.s32 $0x680;
	s21 =	sadd.s32 s3, s0  }
0xb5: {  	[tilespmem:s20], [sflag:$0x1] =	stream.linear.gather [hbm4b:s21+s2], $0x80, $0x38;
	[tilespmem:$0x18080] =	vst v63  }
0xb6: {  	v1, _, _ =	vpop (xrf0);
	s22 =	simm.s32 $0x4680;
	s23 =	sadd.s32 s4, s0  }
0xb7: {  	(v2sf) =	vpush v1, $0xF;
	[tilespmem:s22], [sflag:$0x1] =	stream.linear.gather [hbm4b:s23+s2], $0x80, $0x38;
	[tilespmem:$0x18080] =	vst v63  }
0xb8: {  	s24 =	simm.s32 $0x8680;
	s26 =	sadd.s32 s5, s0  }
0xb9: {  	[tilespmem:s24], [sflag:$0x1] =	stream.linear.gather [hbm4b:s26+s2], $0x80, $0x38;
	[tilespmem:$0x18080] =	vst v63  }
0xba: {  	v0 =	vsel vm15, $0x0, v0;
	s29 =	spop (v2sf);
	s30 =	simm.s32 $0xC680;
	s31 =	sadd.s32 s6, s0  }
0xbb: {  	v0 =	vxor.u32 $0x80000000, v0;
	[tilespmem:s30], [sflag:$0x1] =	stream.linear.gather [hbm4b:s31+s2], $0x80, $0x38;
	[tilespmem:$0x18080] =	vst v63  }
0xbc: {  	(xrf0) =	vmax.scan.msk.u32 $0xffff, v0;
	s9 =	simm.s32 $0x10680;
	s10 =	sadd.s32 s7, s0;
	s1 =	sshll.u32 s29, $0x4  }
0xbd: {  	[tilespmem:s9], [sflag:$0x1] =	stream.linear.gather [hbm4b:s10+s2], $0x80, $0x38;
	[tilespmem:$0x18080] =	vst v63  }
0xbe: {  	s0 =	sadd.s32 s8, s0;
	s11 =	simm.s32 $0x14680;
	s1 =	sand.u32 $0x1FFFFFF0, s1  }
0xbf: {  	[tilespmem:s11], [sflag:$0x1] =	stream.linear.gather [hbm4b:s0+s2], $0x80, $0x38;
	[tilespmem:$0x18080] =	vst v63  }
0xc0: {  	s20 =	simm.s32 $0x700;
	s21 =	sadd.s32 s3, s1  }
0xc1: {  	[tilespmem:s20], [sflag:$0x1] =	stream.linear.gather [hbm4b:s21+s2], $0x80, $0x38;
	[tilespmem:$0x18080] =	vst v63  }
0xc2: {  	v0, _, _ =	vpop (xrf0);
	s22 =	simm.s32 $0x4700;
	s23 =	sadd.s32 s4, s1  }
0xc3: {  	(v2sf) =	vpush v0, $0xF;
	[tilespmem:s22], [sflag:$0x1] =	stream.linear.gather [hbm4b:s23+s2], $0x80, $0x38;
	[tilespmem:$0x18080] =	vst v63  }
0xc4: {  	s24 =	simm.s32 $0x8700;
	s26 =	sadd.s32 s5, s1  }
0xc5: {  	[tilespmem:s24], [sflag:$0x1] =	stream.linear.gather [hbm4b:s26+s2], $0x80, $0x38;
	[tilespmem:$0x18080] =	vst v63  }
0xc6: {  	s29 =	spop (v2sf);
	s30 =	simm.s32 $0xC700;
	s31 =	sadd.s32 s6, s1  }
0xc7: {  	[tilespmem:s30], [sflag:$0x1] =	stream.linear.gather [hbm4b:s31+s2], $0x80, $0x38;
	[tilespmem:$0x18080] =	vst v63  }
0xc8: {  	s9 =	simm.s32 $0x10700;
	s10 =	sadd.s32 s7, s1;
	s0 =	sshll.u32 s29, $0x4  }
0xc9: {  	[tilespmem:s9], [sflag:$0x1] =	stream.linear.gather [hbm4b:s10+s2], $0x80, $0x38;
	[tilespmem:$0x18080] =	vst v63  }
0xca: {  	s1 =	sadd.s32 s8, s1;
	s11 =	simm.s32 $0x14700;
	s0 =	sand.u32 $0x1FFFFFF0, s0  }
0xcb: {  	[tilespmem:s11], [sflag:$0x1] =	stream.linear.gather [hbm4b:s1+s2], $0x80, $0x38;
	[tilespmem:$0x18080] =	vst v63  }
0xcc: {  	s20 =	simm.s32 $0x780;
	s21 =	sadd.s32 s3, s0  }
0xcd: {  	[tilespmem:s20], [sflag:$0x1] =	stream.linear.gather [hbm4b:s21+s2], $0x80, $0x38;
	[tilespmem:$0x18080] =	vst v63  }
0xce: {  	s28 =	simm.s32 $0x10;
	s22 =	simm.s32 $0x4780;
	s23 =	sadd.s32 s4, s0  }
0xcf: {  	[tilespmem:s22], [sflag:$0x1] =	stream.linear.gather [hbm4b:s23+s2], $0x80, $0x38;
	[tilespmem:$0x18080] =	vst v63  }
0xd0: {  	s19 =	simm.s32 $0x14780;
	s24 =	simm.s32 $0x8780;
	s26 =	sadd.s32 s5, s0  }
0xd1: {  	[tilespmem:s24], [sflag:$0x1] =	stream.linear.gather [hbm4b:s26+s2], $0x80, $0x38;
	[tilespmem:$0x18080] =	vst v63  }
0xd2: {  	s29 =	spop (v2sf);
	s30 =	simm.s32 $0xC780;
	s31 =	sadd.s32 s6, s0  }
0xd3: {  	[tilespmem:s30], [sflag:$0x1] =	stream.linear.gather [hbm4b:s31+s2], $0x80, $0x38;
	[tilespmem:$0x18080] =	vst v63  }
0xd4: {  	s9 =	simm.s32 $0x10780;
	s10 =	sadd.s32 s7, s0;
	s1 =	sshll.u32 s29, $0x4  }
0xd5: {  	[tilespmem:s9], [sflag:$0x1] =	stream.linear.gather [hbm4b:s10+s2], $0x80, $0x38;
	[tilespmem:$0x18080] =	vst v63  }
0xd6: {  	s0 =	sadd.s32 s8, s0;
	s11 =	sand.u32 $0x1FFFFFF0, s1;
	s1 =	simm.s32 $0x14800  }
0xd7: {  	[tilespmem:s19], [sflag:$0x1] =	stream.linear.gather [hbm4b:s0+s2], $0x80, $0x38;
	[tilespmem:$0x18080] =	vst v63  }
0xd8: {  	s21 =	simm.s32 $0x800;
	s29 =	sadd.s32 s5, s11;
	s22 =	sadd.s32 s3, s11  }
0xd9: {  	[tilespmem:s21], [sflag:$0x1] =	stream.linear.gather [hbm4b:s22+s2], $0x80, $0x38;
	[tilespmem:$0x18080] =	vst v63  }
0xda: {  	s20 =	sadd.s32 s8, s11;
	s23 =	simm.s32 $0x4800;
	s24 =	sadd.s32 s4, s11  }
0xdb: {  	[tilespmem:s23], [sflag:$0x1] =	stream.linear.gather [hbm4b:s24+s2], $0x80, $0x38;
	[tilespmem:$0x18080] =	vst v63  }
0xdc: {  	s26 =	simm.s32 $0x8800;
	s30 =	simm.s32 $0xC800;
	s31 =	sadd.s32 s6, s11  }
0xdd: {  	[tilespmem:s26], [sflag:$0x1] =	stream.linear.gather [hbm4b:s29+s2], $0x80, $0x38;
	[tilespmem:$0x18080] =	vst v63  }
0xde: {  	s0 =	simm.s32 $0x10800;
	s19 =	sadd.s32 s7, s11;
	s26 =	simm.s32 $0x2000  }
0xdf: {  	[tilespmem:s30], [sflag:$0x1] =	stream.linear.gather [hbm4b:s31+s2], $0x80, $0x38;
	[tilespmem:$0x18080] =	vst v63  }
.LBB2_2:
0xe0: {  	[tilespmem:s0], [sflag:$0x1] =	stream.linear.gather [hbm4b:s19+s2], $0x80, $0x38;
	[tilespmem:$0x18080] =	vst v63  }
0xe1: {  	p0 =	sne.s32 s26, $0xE000;
	s0 =	smov.u32 s26;
	s26 =	sadd.s32 $0x2000, s26  }
0xe2: {  	[tilespmem:s1], [sflag:$0x1] =	stream.linear.gather [hbm4b:s20+s2], $0x80, $0x38;
	[tilespmem:$0x18080] =	vst v63  }
0xe3: {  	v0 =	vld [tilespmem:s28+$0x0];
	_ =	sdelay $0x4  }
0xe4: {  	vm1 =	vlt.s32 v0, $0x1869F  }
0xe5: {  	v0 =	vnsel vm1, $0x1869F, v0;
	vm1 =	vcmask $0x308  }
0xe6: {  	v1 =	vnsel vm0, $0x0, v0;
	v2 =	vsel vm1, $0x0, v0;
	v3 =	vsel vm3, $0x0, v0  }
0xe7: {  	v4 =	vsel vm4, $0x0, v0;
	v1 =	vxor.u32 $0x80000000, v1;
	v3 =	vxor.u32 $0x80000000, v3  }
0xe8: {  	v5 =	vsel vm5, $0x0, v0;
	v2 =	vxor.u32 $0x80000000, v2;
	v4 =	vxor.u32 $0x80000000, v4;
	(xrf0) =	vmax.scan.msk.u32 $0xffff, v1  }
0xe9: {  	v6 =	vsel vm7, $0x0, v0;
	v1 =	vxor.u32 $0x80000000, v5;
	v5 =	vsel vm6, $0x0, v0;
	(xrf0) =	vmax.scan.msk.u32 $0xffff, v2  }
0xea: {  	v2 =	vxor.u32 $0x80000000, v5;
	v5 =	vxor.u32 $0x80000000, v6;
	v6 =	vsel vm8, $0x0, v0;
	(xrf0) =	vmax.scan.msk.u32 $0xffff, v3  }
0xeb: {  	v7 =	vsel vm10, $0x0, v0;
	v3 =	vxor.u32 $0x80000000, v6;
	v6 =	vsel vm9, $0x0, v0;
	(xrf0) =	vmax.scan.msk.u32 $0xffff, v4  }
0xec: {  	v4 =	vxor.u32 $0x80000000, v6;
	v6 =	vxor.u32 $0x80000000, v7;
	v7 =	vsel vm11, $0x0, v0;
	(xrf0) =	vmax.scan.msk.u32 $0xffff, v1  }
0xed: {  	v8 =	vsel vm13, $0x0, v0;
	v1 =	vxor.u32 $0x80000000, v7;
	v7 =	vsel vm12, $0x0, v0;
	(xrf0) =	vmax.scan.msk.u32 $0xffff, v2  }
0xee: {  	v11 =	vsel vm14, $0x0, v0;
	v2 =	vxor.u32 $0x80000000, v7;
	v7 =	vxor.u32 $0x80000000, v8;
	v9, _, _ =	vpop (xrf0);
	(xrf0) =	vmax.scan.msk.u32 $0xffff, v5  }
0xef: {  	v10 =	vsel vm2, $0x0, v0;
	v5 =	vxor.u32 $0x80000000, v11;
	(v2sf) =	vpush v9, $0xF;
	v9, _, _ =	vpop (xrf0);
	(xrf0) =	vmax.scan.msk.u32 $0xffff, v3  }
0xf0: {  	v0 =	vsel vm15, $0x0, v0;
	v3 =	vxor.u32 $0x80000000, v10;
	(v2sf) =	vpush v9, $0xF;
	v8, _, _ =	vpop (xrf0);
	(xrf0) =	vmax.scan.msk.u32 $0xffff, v4  }
0xf1: {  	v0 =	vxor.u32 $0x80000000, v0;
	v4, _, _ =	vpop (xrf0);
	(xrf0) =	vmax.scan.msk.u32 $0xffff, v6  }
0xf2: {  	v6, _, _ =	vpop (xrf0);
	(xrf0) =	vmax.scan.msk.u32 $0xffff, v1  }
0xf3: {  	v9, _, _ =	vpop (xrf0);
	(xrf0) =	vmax.scan.msk.u32 $0xffff, v2  }
0xf4: {  	(v2sf) =	vpush v8, $0xF;
	v8, _, _ =	vpop (xrf0);
	(xrf0) =	vmax.scan.msk.u32 $0xffff, v7  }
0xf5: {  	v7, _, _ =	vpop (xrf0);
	(xrf0) =	vmax.scan.msk.u32 $0xffff, v5  }
0xf6: {  	v10, _, _ =	vpop (xrf0);
	(xrf0) =	vmax.scan.msk.u32 $0xffff, v3  }
0xf7: {  	v11, _, _ =	vpop (xrf0);
	(xrf0) =	vmax.scan.msk.u32 $0xffff, v0  }
0xf8: {  	(v2sf) =	vpush v4, $0xF;
	v5, _, _ =	vpop (xrf0)  }
0xf9: {  	v4, _, _ =	vpop (xrf0)  }
0xfa: {  	v3, _, _ =	vpop (xrf0)  }
0xfb: {  	v2, _, _ =	vpop (xrf0)  }
0xfc: {  	v1, _, _ =	vpop (xrf0)  }
0xfd: {  	s29 =	sshra.s32 s0, $0x2;
	v0, _, _ =	vpop (xrf0)  }
0xfe: {  	s0 =	spop (v2sf)  }
0xff: {  	s0 =	sshll.u32 s0, $0x4;
	s1 =	spop (v2sf)  }
0x100: {  	s19 =	sadd.s32 $0x80, s29;
	s0 =	sand.u32 $0x1FFFFFF0, s0;
	s1 =	sshll.u32 s1, $0x4;
	(v2sf) =	vpush v6, $0xF  }
0x101: {  	s21 =	sadd.s32 $0x4080, s29;
	s20 =	sadd.s32 s3, s0;
	s22 =	sadd.s32 s4, s0  }
0x102: {  	[tilespmem:s19], [sflag:$0x1] =	stream.linear.gather [hbm4b:s20+s2], $0x80, $0x38;
	[tilespmem:$0x18080] =	vst v63  }
0x103: {  	s19 =	sadd.s32 $0x8080, s29;
	s20 =	sadd.s32 s5, s0;
	s23 =	spop (v2sf)  }
0x104: {  	[tilespmem:s21], [sflag:$0x1] =	stream.linear.gather [hbm4b:s22+s2], $0x80, $0x38;
	[tilespmem:$0x18080] =	vst v63  }
0x105: {  	s21 =	sadd.s32 $0xC080, s29;
	s22 =	sadd.s32 s6, s0;
	s23 =	sshll.u32 s23, $0x4  }
0x106: {  	[tilespmem:s19], [sflag:$0x1] =	stream.linear.gather [hbm4b:s20+s2], $0x80, $0x38;
	[tilespmem:$0x18080] =	vst v63  }
0x107: {  	s19 =	sadd.s32 $0x10080, s29;
	s20 =	sadd.s32 s7, s0;
	s30 =	spop (v2sf)  }
0x108: {  	[tilespmem:s21], [sflag:$0x1] =	stream.linear.gather [hbm4b:s22+s2], $0x80, $0x38;
	(v2sf) =	vpush v9, $0xF;
	[tilespmem:$0x18080] =	vst v63  }
0x109: {  	s0 =	sadd.s32 s8, s0;
	s21 =	sadd.s32 $0x14080, s29;
	s22 =	sand.u32 $0x1FFFFFF0, s1  }
0x10a: {  	[tilespmem:s19], [sflag:$0x1] =	stream.linear.gather [hbm4b:s20+s2], $0x80, $0x38;
	[tilespmem:$0x18080] =	vst v63  }
0x10b: {  	s1 =	sadd.s32 $0x100, s29;
	s20 =	sadd.s32 s3, s22;
	s19 =	sshll.u32 s30, $0x4  }
0x10c: {  	[tilespmem:s21], [sflag:$0x1] =	stream.linear.gather [hbm4b:s0+s2], $0x80, $0x38;
	[tilespmem:$0x18080] =	vst v63  }
0x10d: {  	s19 =	sand.u32 $0x1FFFFFF0, s19;
	s0 =	sadd.s32 $0x4100, s29;
	s21 =	sadd.s32 s4, s22  }
0x10e: {  	[tilespmem:s1], [sflag:$0x1] =	stream.linear.gather [hbm4b:s20+s2], $0x80, $0x38;
	(v2sf) =	vpush v8, $0xF;
	[tilespmem:$0x18080] =	vst v63  }
0x10f: {  	s1 =	sadd.s32 $0x8100, s29;
	s20 =	sadd.s32 s5, s22;
	s30 =	spop (v2sf)  }
0x110: {  	[tilespmem:s0], [sflag:$0x1] =	stream.linear.gather [hbm4b:s21+s2], $0x80, $0x38;
	[tilespmem:$0x18080] =	vst v63  }
0x111: {  	s0 =	sadd.s32 $0xC100, s29;
	s21 =	sadd.s32 s6, s22;
	s30 =	sshll.u32 s30, $0x4  }
0x112: {  	[tilespmem:s1], [sflag:$0x1] =	stream.linear.gather [hbm4b:s20+s2], $0x80, $0x38;
	[tilespmem:$0x18080] =	vst v63  }
0x113: {  	s31 =	sadd.s32 s7, s22;
	s20 =	sadd.s32 $0x10100, s29;
	s1 =	sand.u32 $0x1FFFFFF0, s30  }
0x114: {  	[tilespmem:s0], [sflag:$0x1] =	stream.linear.gather [hbm4b:s21+s2], $0x80, $0x38;
	(v2sf) =	vpush v7, $0xF;
	[tilespmem:$0x18080] =	vst v63  }
0x115: {  	s0 =	sadd.s32 $0x14100, s29;
	s21 =	sadd.s32 s8, s22;
	s22 =	sand.u32 $0x1FFFFFF0, s23  }
0x116: {  	[tilespmem:s20], [sflag:$0x1] =	stream.linear.gather [hbm4b:s31+s2], $0x80, $0x38;
	[tilespmem:$0x18080] =	vst v63  }
0x117: {  	s23 =	sadd.s32 s3, s22;
	s20 =	sadd.s32 $0x180, s29;
	s30 =	spop (v2sf)  }
0x118: {  	[tilespmem:s0], [sflag:$0x1] =	stream.linear.gather [hbm4b:s21+s2], $0x80, $0x38;
	[tilespmem:$0x18080] =	vst v63  }
0x119: {  	s31 =	sadd.s32 s4, s22;
	s21 =	sadd.s32 $0x4180, s29;
	s0 =	sshll.u32 s30, $0x4  }
0x11a: {  	[tilespmem:s20], [sflag:$0x1] =	stream.linear.gather [hbm4b:s23+s2], $0x80, $0x38;
	(v2sf) =	vpush v10, $0xF;
	[tilespmem:$0x18080] =	vst v63  }
0x11b: {  	s0 =	sand.u32 $0x1FFFFFF0, s0;
	s20 =	sadd.s32 $0x8180, s29;
	s23 =	sadd.s32 s5, s22  }
0x11c: {  	[tilespmem:s21], [sflag:$0x1] =	stream.linear.gather [hbm4b:s31+s2], $0x80, $0x38;
	[tilespmem:$0x18080] =	vst v63  }
0x11d: {  	s30 =	sadd.s32 s6, s22;
	s21 =	sadd.s32 $0xC180, s29;
	s31 =	spop (v2sf)  }
0x11e: {  	[tilespmem:s20], [sflag:$0x1] =	stream.linear.gather [hbm4b:s23+s2], $0x80, $0x38;
	[tilespmem:$0x18080] =	vst v63  }
0x11f: {  	s20 =	sadd.s32 $0x10180, s29;
	s23 =	sadd.s32 s7, s22;
	s31 =	sshll.u32 s31, $0x4  }
0x120: {  	[tilespmem:s21], [sflag:$0x1] =	stream.linear.gather [hbm4b:s30+s2], $0x80, $0x38;
	(v2sf) =	vpush v11, $0xF;
	[tilespmem:$0x18080] =	vst v63  }
0x121: {  	s22 =	sadd.s32 s8, s22;
	s21 =	sadd.s32 $0x14180, s29;
	s30 =	sand.u32 $0x1FFFFFF0, s31  }
0x122: {  	[tilespmem:s20], [sflag:$0x1] =	stream.linear.gather [hbm4b:s23+s2], $0x80, $0x38;
	[tilespmem:$0x18080] =	vst v63  }
0x123: {  	s20 =	sadd.s32 $0x200, s29;
	s23 =	sadd.s32 s3, s19;
	s31 =	spop (v2sf)  }
0x124: {  	[tilespmem:s21], [sflag:$0x1] =	stream.linear.gather [hbm4b:s22+s2], $0x80, $0x38;
	[tilespmem:$0x18080] =	vst v63  }
0x125: {  	s21 =	sadd.s32 $0x4200, s29;
	s22 =	sadd.s32 s4, s19;
	s31 =	sshll.u32 s31, $0x4  }
0x126: {  	[tilespmem:s20], [sflag:$0x1] =	stream.linear.gather [hbm4b:s23+s2], $0x80, $0x38;
	(v2sf) =	vpush v5, $0xF;
	[tilespmem:$0x18080] =	vst v63  }
0x127: {  	s24 =	sadd.s32 s5, s19;
	s20 =	sadd.s32 $0x8200, s29;
	s23 =	sand.u32 $0x1FFFFFF0, s31  }
0x128: {  	[tilespmem:s21], [sflag:$0x1] =	stream.linear.gather [hbm4b:s22+s2], $0x80, $0x38;
	[tilespmem:$0x18080] =	vst v63  }
0x129: {  	s21 =	sadd.s32 $0xC200, s29;
	s22 =	sadd.s32 s6, s19;
	s31 =	spop (v2sf)  }
0x12a: {  	[tilespmem:s20], [sflag:$0x1] =	stream.linear.gather [hbm4b:s24+s2], $0x80, $0x38;
	[tilespmem:$0x18080] =	vst v63  }
0x12b: {  	s20 =	sadd.s32 $0x10200, s29;
	s24 =	sadd.s32 s7, s19;
	s31 =	sshll.u32 s31, $0x4  }
0x12c: {  	[tilespmem:s21], [sflag:$0x1] =	stream.linear.gather [hbm4b:s22+s2], $0x80, $0x38;
	(v2sf) =	vpush v4, $0xF;
	[tilespmem:$0x18080] =	vst v63  }
0x12d: {  	s19 =	sadd.s32 s8, s19;
	s21 =	sadd.s32 $0x14200, s29;
	s22 =	sand.u32 $0x1FFFFFF0, s31  }
0x12e: {  	[tilespmem:s20], [sflag:$0x1] =	stream.linear.gather [hbm4b:s24+s2], $0x80, $0x38;
	[tilespmem:$0x18080] =	vst v63  }
0x12f: {  	s20 =	sadd.s32 $0x280, s29;
	s24 =	sadd.s32 s3, s1;
	s31 =	spop (v2sf)  }
0x130: {  	[tilespmem:s21], [sflag:$0x1] =	stream.linear.gather [hbm4b:s19+s2], $0x80, $0x38;
	[tilespmem:$0x18080] =	vst v63  }
0x131: {  	s9 =	sadd.s32 s4, s1;
	s19 =	sadd.s32 $0x4280, s29;
	s21 =	sshll.u32 s31, $0x4  }
0x132: {  	[tilespmem:s20], [sflag:$0x1] =	stream.linear.gather [hbm4b:s24+s2], $0x80, $0x38;
	(v2sf) =	vpush v3, $0xF;
	[tilespmem:$0x18080] =	vst v63  }
0x133: {  	s21 =	sand.u32 $0x1FFFFFF0, s21;
	s20 =	sadd.s32 $0x8280, s29;
	s24 =	sadd.s32 s5, s1  }
0x134: {  	[tilespmem:s19], [sflag:$0x1] =	stream.linear.gather [hbm4b:s9+s2], $0x80, $0x38;
	[tilespmem:$0x18080] =	vst v63  }
0x135: {  	s9 =	sadd.s32 $0xC280, s29;
	s19 =	sadd.s32 s6, s1;
	s31 =	spop (v2sf)  }
0x136: {  	[tilespmem:s20], [sflag:$0x1] =	stream.linear.gather [hbm4b:s24+s2], $0x80, $0x38;
	[tilespmem:$0x18080] =	vst v63  }
0x137: {  	s10 =	sadd.s32 s7, s1;
	s24 =	sadd.s32 $0x10280, s29;
	s20 =	sshll.u32 s31, $0x4  }
0x138: {  	[tilespmem:s9], [sflag:$0x1] =	stream.linear.gather [hbm4b:s19+s2], $0x80, $0x38;
	(v2sf) =	vpush v2, $0xF;
	[tilespmem:$0x18080] =	vst v63  }
0x139: {  	s1 =	sadd.s32 s8, s1;
	s20 =	sand.u32 $0x1FFFFFF0, s20;
	s9 =	sadd.s32 $0x14280, s29  }
0x13a: {  	[tilespmem:s24], [sflag:$0x1] =	stream.linear.gather [hbm4b:s10+s2], $0x80, $0x38;
	[tilespmem:$0x18080] =	vst v63  }
0x13b: {  	s19 =	sadd.s32 s3, s0;
	s10 =	sadd.s32 $0x300, s29;
	s24 =	spop (v2sf)  }
0x13c: {  	[tilespmem:s9], [sflag:$0x1] =	stream.linear.gather [hbm4b:s1+s2], $0x80, $0x38;
	[tilespmem:$0x18080] =	vst v63  }
0x13d: {  	s1 =	sadd.s32 $0x4300, s29;
	s9 =	sadd.s32 s4, s0;
	s24 =	sshll.u32 s24, $0x4  }
0x13e: {  	[tilespmem:s10], [sflag:$0x1] =	stream.linear.gather [hbm4b:s19+s2], $0x80, $0x38;
	(v2sf) =	vpush v1, $0xF;
	[tilespmem:$0x18080] =	vst v63  }
0x13f: {  	s31 =	sadd.s32 s5, s0;
	s10 =	sadd.s32 $0x8300, s29;
	s19 =	sand.u32 $0x1FFFFFF0, s24  }
0x140: {  	[tilespmem:s1], [sflag:$0x1] =	stream.linear.gather [hbm4b:s9+s2], $0x80, $0x38;
	[tilespmem:$0x18080] =	vst v63  }
0x141: {  	s1 =	sadd.s32 $0xC300, s29;
	s9 =	sadd.s32 s6, s0;
	s24 =	spop (v2sf)  }
0x142: {  	[tilespmem:s10], [sflag:$0x1] =	stream.linear.gather [hbm4b:s31+s2], $0x80, $0x38;
	[tilespmem:$0x18080] =	vst v63  }
0x143: {  	s10 =	sadd.s32 $0x10300, s29;
	s31 =	sadd.s32 s7, s0;
	s24 =	sshll.u32 s24, $0x4  }
0x144: {  	[tilespmem:s1], [sflag:$0x1] =	stream.linear.gather [hbm4b:s9+s2], $0x80, $0x38;
	(v2sf) =	vpush v0, $0xF;
	[tilespmem:$0x18080] =	vst v63  }
0x145: {  	s0 =	sadd.s32 s8, s0;
	s9 =	sadd.s32 $0x14300, s29;
	s1 =	sand.u32 $0x1FFFFFF0, s24  }
0x146: {  	[tilespmem:s10], [sflag:$0x1] =	stream.linear.gather [hbm4b:s31+s2], $0x80, $0x38;
	[tilespmem:$0x18080] =	vst v63  }
0x147: {  	s24 =	sadd.s32 s3, s30;
	s10 =	sadd.s32 $0x380, s29;
	s31 =	spop (v2sf)  }
0x148: {  	[tilespmem:s9], [sflag:$0x1] =	stream.linear.gather [hbm4b:s0+s2], $0x80, $0x38;
	[tilespmem:$0x18080] =	vst v63  }
0x149: {  	s11 =	sadd.s32 s4, s30;
	s9 =	sadd.s32 $0x4380, s29;
	s0 =	sshll.u32 s31, $0x4  }
0x14a: {  	[tilespmem:s10], [sflag:$0x1] =	stream.linear.gather [hbm4b:s24+s2], $0x80, $0x38;
	[tilespmem:$0x18080] =	vst v63  }
0x14b: {  	s0 =	sand.u32 $0x1FFFFFF0, s0;
	s10 =	sadd.s32 $0x8380, s29;
	s24 =	sadd.s32 s5, s30  }
0x14c: {  	[tilespmem:s9], [sflag:$0x1] =	stream.linear.gather [hbm4b:s11+s2], $0x80, $0x38;
	[tilespmem:$0x18080] =	vst v63  }
0x14d: {  	s9 =	sadd.s32 $0xC380, s29;
	s11 =	sadd.s32 s6, s30;
	s31 =	spop (v2sf)  }
0x14e: {  	[tilespmem:s10], [sflag:$0x1] =	stream.linear.gather [hbm4b:s24+s2], $0x80, $0x38;
	[tilespmem:$0x18080] =	vst v63  }
0x14f: {  	s10 =	sadd.s32 $0x10380, s29;
	s24 =	sadd.s32 s7, s30;
	s31 =	sshll.u32 s31, $0x4  }
0x150: {  	[tilespmem:s9], [sflag:$0x1] =	stream.linear.gather [hbm4b:s11+s2], $0x80, $0x38;
	[tilespmem:$0x18080] =	vst v63  }
0x151: {  	s31 =	sand.u32 $0x1FFFFFF0, s31;
	s9 =	sadd.s32 $0x14380, s29;
	s11 =	sadd.s32 s8, s30  }
0x152: {  	[tilespmem:s10], [sflag:$0x1] =	stream.linear.gather [hbm4b:s24+s2], $0x80, $0x38;
	[tilespmem:$0x18080] =	vst v63  }
0x153: {  	s10 =	sadd.s32 $0x400, s29;
	s24 =	sadd.s32 s3, s23;
	s30 =	spop (v2sf)  }
0x154: {  	[tilespmem:s9], [sflag:$0x1] =	stream.linear.gather [hbm4b:s11+s2], $0x80, $0x38;
	[tilespmem:$0x18080] =	vst v63  }
0x155: {  	s9 =	sadd.s32 $0x4400, s29;
	s11 =	sadd.s32 s4, s23;
	s30 =	sshll.u32 s30, $0x4  }
0x156: {  	[tilespmem:s10], [sflag:$0x1] =	stream.linear.gather [hbm4b:s24+s2], $0x80, $0x38;
	[tilespmem:$0x18080] =	vst v63  }
0x157: {  	s30 =	sand.u32 $0x1FFFFFF0, s30;
	s10 =	sadd.s32 $0x8400, s29;
	s24 =	sadd.s32 s5, s23  }
0x158: {  	[tilespmem:s9], [sflag:$0x1] =	stream.linear.gather [hbm4b:s11+s2], $0x80, $0x38;
	[tilespmem:$0x18080] =	vst v63  }
0x159: {  	s9 =	sadd.s32 $0xC400, s29;
	s11 =	sadd.s32 s6, s23  }
0x15a: {  	[tilespmem:s10], [sflag:$0x1] =	stream.linear.gather [hbm4b:s24+s2], $0x80, $0x38;
	[tilespmem:$0x18080] =	vst v63  }
0x15b: {  	s10 =	sadd.s32 $0x10400, s29;
	s24 =	sadd.s32 s7, s23  }
0x15c: {  	[tilespmem:s9], [sflag:$0x1] =	stream.linear.gather [hbm4b:s11+s2], $0x80, $0x38;
	[tilespmem:$0x18080] =	vst v63  }
0x15d: {  	s9 =	sadd.s32 $0x14400, s29;
	s11 =	sadd.s32 s8, s23  }
0x15e: {  	[tilespmem:s10], [sflag:$0x1] =	stream.linear.gather [hbm4b:s24+s2], $0x80, $0x38;
	[tilespmem:$0x18080] =	vst v63  }
0x15f: {  	s23 =	sadd.s32 s3, s22;
	s10 =	sadd.s32 $0x480, s29  }
0x160: {  	[tilespmem:s9], [sflag:$0x1] =	stream.linear.gather [hbm4b:s11+s2], $0x80, $0x38;
	[tilespmem:$0x18080] =	vst v63  }
0x161: {  	s9 =	sadd.s32 $0x4480, s29;
	s11 =	sadd.s32 s4, s22  }
0x162: {  	[tilespmem:s10], [sflag:$0x1] =	stream.linear.gather [hbm4b:s23+s2], $0x80, $0x38;
	[tilespmem:$0x18080] =	vst v63  }
0x163: {  	s10 =	sadd.s32 $0x8480, s29;
	s23 =	sadd.s32 s5, s22  }
0x164: {  	[tilespmem:s9], [sflag:$0x1] =	stream.linear.gather [hbm4b:s11+s2], $0x80, $0x38;
	[tilespmem:$0x18080] =	vst v63  }
0x165: {  	s9 =	sadd.s32 $0xC480, s29;
	s11 =	sadd.s32 s6, s22  }
0x166: {  	[tilespmem:s10], [sflag:$0x1] =	stream.linear.gather [hbm4b:s23+s2], $0x80, $0x38;
	[tilespmem:$0x18080] =	vst v63  }
0x167: {  	s10 =	sadd.s32 $0x10480, s29;
	s23 =	sadd.s32 s7, s22  }
0x168: {  	[tilespmem:s9], [sflag:$0x1] =	stream.linear.gather [hbm4b:s11+s2], $0x80, $0x38;
	[tilespmem:$0x18080] =	vst v63  }
0x169: {  	s9 =	sadd.s32 $0x14480, s29;
	s11 =	sadd.s32 s8, s22  }
0x16a: {  	[tilespmem:s10], [sflag:$0x1] =	stream.linear.gather [hbm4b:s23+s2], $0x80, $0x38;
	[tilespmem:$0x18080] =	vst v63  }
0x16b: {  	s22 =	sadd.s32 s3, s21;
	s10 =	sadd.s32 $0x500, s29  }
0x16c: {  	[tilespmem:s9], [sflag:$0x1] =	stream.linear.gather [hbm4b:s11+s2], $0x80, $0x38;
	[tilespmem:$0x18080] =	vst v63  }
0x16d: {  	s9 =	sadd.s32 $0x4500, s29;
	s11 =	sadd.s32 s4, s21  }
0x16e: {  	[tilespmem:s10], [sflag:$0x1] =	stream.linear.gather [hbm4b:s22+s2], $0x80, $0x38;
	[tilespmem:$0x18080] =	vst v63  }
0x16f: {  	s10 =	sadd.s32 $0x8500, s29;
	s22 =	sadd.s32 s5, s21  }
0x170: {  	[tilespmem:s9], [sflag:$0x1] =	stream.linear.gather [hbm4b:s11+s2], $0x80, $0x38;
	[tilespmem:$0x18080] =	vst v63  }
0x171: {  	s9 =	sadd.s32 $0xC500, s29;
	s11 =	sadd.s32 s6, s21  }
0x172: {  	[tilespmem:s10], [sflag:$0x1] =	stream.linear.gather [hbm4b:s22+s2], $0x80, $0x38;
	[tilespmem:$0x18080] =	vst v63  }
0x173: {  	s10 =	sadd.s32 $0x10500, s29;
	s22 =	sadd.s32 s7, s21  }
0x174: {  	[tilespmem:s9], [sflag:$0x1] =	stream.linear.gather [hbm4b:s11+s2], $0x80, $0x38;
	[tilespmem:$0x18080] =	vst v63  }
0x175: {  	s9 =	sadd.s32 $0x14500, s29;
	s11 =	sadd.s32 s8, s21  }
0x176: {  	[tilespmem:s10], [sflag:$0x1] =	stream.linear.gather [hbm4b:s22+s2], $0x80, $0x38;
	[tilespmem:$0x18080] =	vst v63  }
0x177: {  	s21 =	sadd.s32 s3, s20;
	s10 =	sadd.s32 $0x580, s29  }
0x178: {  	[tilespmem:s9], [sflag:$0x1] =	stream.linear.gather [hbm4b:s11+s2], $0x80, $0x38;
	[tilespmem:$0x18080] =	vst v63  }
0x179: {  	s9 =	sadd.s32 $0x4580, s29;
	s11 =	sadd.s32 s4, s20  }
0x17a: {  	[tilespmem:s10], [sflag:$0x1] =	stream.linear.gather [hbm4b:s21+s2], $0x80, $0x38;
	[tilespmem:$0x18080] =	vst v63  }
0x17b: {  	s10 =	sadd.s32 $0x8580, s29;
	s21 =	sadd.s32 s5, s20  }
0x17c: {  	[tilespmem:s9], [sflag:$0x1] =	stream.linear.gather [hbm4b:s11+s2], $0x80, $0x38;
	[tilespmem:$0x18080] =	vst v63  }
0x17d: {  	s9 =	sadd.s32 $0xC580, s29;
	s11 =	sadd.s32 s6, s20  }
0x17e: {  	[tilespmem:s10], [sflag:$0x1] =	stream.linear.gather [hbm4b:s21+s2], $0x80, $0x38;
	[tilespmem:$0x18080] =	vst v63  }
0x17f: {  	s10 =	sadd.s32 $0x10580, s29;
	s21 =	sadd.s32 s7, s20  }
0x180: {  	[tilespmem:s9], [sflag:$0x1] =	stream.linear.gather [hbm4b:s11+s2], $0x80, $0x38;
	[tilespmem:$0x18080] =	vst v63  }
0x181: {  	s9 =	sadd.s32 $0x14580, s29;
	s11 =	sadd.s32 s8, s20  }
0x182: {  	[tilespmem:s10], [sflag:$0x1] =	stream.linear.gather [hbm4b:s21+s2], $0x80, $0x38;
	[tilespmem:$0x18080] =	vst v63  }
0x183: {  	s20 =	sadd.s32 s3, s19;
	s10 =	sadd.s32 $0x600, s29  }
0x184: {  	[tilespmem:s9], [sflag:$0x1] =	stream.linear.gather [hbm4b:s11+s2], $0x80, $0x38;
	[tilespmem:$0x18080] =	vst v63  }
0x185: {  	s9 =	sadd.s32 $0x4600, s29;
	s11 =	sadd.s32 s4, s19  }
0x186: {  	[tilespmem:s10], [sflag:$0x1] =	stream.linear.gather [hbm4b:s20+s2], $0x80, $0x38;
	[tilespmem:$0x18080] =	vst v63  }
0x187: {  	s10 =	sadd.s32 $0x8600, s29;
	s20 =	sadd.s32 s5, s19  }
0x188: {  	[tilespmem:s9], [sflag:$0x1] =	stream.linear.gather [hbm4b:s11+s2], $0x80, $0x38;
	[tilespmem:$0x18080] =	vst v63  }
0x189: {  	s9 =	sadd.s32 $0xC600, s29;
	s11 =	sadd.s32 s6, s19  }
0x18a: {  	[tilespmem:s10], [sflag:$0x1] =	stream.linear.gather [hbm4b:s20+s2], $0x80, $0x38;
	[tilespmem:$0x18080] =	vst v63  }
0x18b: {  	s10 =	sadd.s32 $0x10600, s29;
	s20 =	sadd.s32 s7, s19  }
0x18c: {  	[tilespmem:s9], [sflag:$0x1] =	stream.linear.gather [hbm4b:s11+s2], $0x80, $0x38;
	[tilespmem:$0x18080] =	vst v63  }
0x18d: {  	s9 =	sadd.s32 $0x14600, s29;
	s11 =	sadd.s32 s8, s19  }
0x18e: {  	[tilespmem:s10], [sflag:$0x1] =	stream.linear.gather [hbm4b:s20+s2], $0x80, $0x38;
	[tilespmem:$0x18080] =	vst v63  }
0x18f: {  	s19 =	sadd.s32 s3, s1;
	s10 =	sadd.s32 $0x680, s29  }
0x190: {  	[tilespmem:s9], [sflag:$0x1] =	stream.linear.gather [hbm4b:s11+s2], $0x80, $0x38;
	[tilespmem:$0x18080] =	vst v63  }
0x191: {  	s9 =	sadd.s32 $0x4680, s29;
	s11 =	sadd.s32 s4, s1  }
0x192: {  	[tilespmem:s10], [sflag:$0x1] =	stream.linear.gather [hbm4b:s19+s2], $0x80, $0x38;
	[tilespmem:$0x18080] =	vst v63  }
0x193: {  	s10 =	sadd.s32 $0x8680, s29;
	s19 =	sadd.s32 s5, s1  }
0x194: {  	[tilespmem:s9], [sflag:$0x1] =	stream.linear.gather [hbm4b:s11+s2], $0x80, $0x38;
	[tilespmem:$0x18080] =	vst v63  }
0x195: {  	s9 =	sadd.s32 $0xC680, s29;
	s11 =	sadd.s32 s6, s1  }
0x196: {  	[tilespmem:s10], [sflag:$0x1] =	stream.linear.gather [hbm4b:s19+s2], $0x80, $0x38;
	[tilespmem:$0x18080] =	vst v63  }
0x197: {  	s10 =	sadd.s32 $0x10680, s29;
	s19 =	sadd.s32 s7, s1  }
0x198: {  	[tilespmem:s9], [sflag:$0x1] =	stream.linear.gather [hbm4b:s11+s2], $0x80, $0x38;
	[tilespmem:$0x18080] =	vst v63  }
0x199: {  	s1 =	sadd.s32 s8, s1;
	s9 =	sadd.s32 $0x14680, s29  }
0x19a: {  	[tilespmem:s10], [sflag:$0x1] =	stream.linear.gather [hbm4b:s19+s2], $0x80, $0x38;
	[tilespmem:$0x18080] =	vst v63  }
0x19b: {  	s11 =	sadd.s32 s3, s0;
	s10 =	sadd.s32 $0x700, s29  }
0x19c: {  	[tilespmem:s9], [sflag:$0x1] =	stream.linear.gather [hbm4b:s1+s2], $0x80, $0x38;
	[tilespmem:$0x18080] =	vst v63  }
0x19d: {  	s1 =	sadd.s32 $0x4700, s29;
	s9 =	sadd.s32 s4, s0  }
0x19e: {  	[tilespmem:s10], [sflag:$0x1] =	stream.linear.gather [hbm4b:s11+s2], $0x80, $0x38;
	[tilespmem:$0x18080] =	vst v63  }
0x19f: {  	s10 =	sadd.s32 $0x8700, s29;
	s11 =	sadd.s32 s5, s0  }
0x1a0: {  	[tilespmem:s1], [sflag:$0x1] =	stream.linear.gather [hbm4b:s9+s2], $0x80, $0x38;
	[tilespmem:$0x18080] =	vst v63  }
0x1a1: {  	s1 =	sadd.s32 $0xC700, s29;
	s9 =	sadd.s32 s6, s0  }
0x1a2: {  	[tilespmem:s10], [sflag:$0x1] =	stream.linear.gather [hbm4b:s11+s2], $0x80, $0x38;
	[tilespmem:$0x18080] =	vst v63  }
0x1a3: {  	s10 =	sadd.s32 $0x10700, s29;
	s11 =	sadd.s32 s7, s0  }
0x1a4: {  	[tilespmem:s1], [sflag:$0x1] =	stream.linear.gather [hbm4b:s9+s2], $0x80, $0x38;
	[tilespmem:$0x18080] =	vst v63  }
0x1a5: {  	s0 =	sadd.s32 s8, s0;
	s1 =	sadd.s32 $0x14700, s29  }
0x1a6: {  	[tilespmem:s10], [sflag:$0x1] =	stream.linear.gather [hbm4b:s11+s2], $0x80, $0x38;
	[tilespmem:$0x18080] =	vst v63  }
0x1a7: {  	s9 =	sadd.s32 $0x780, s29;
	s10 =	sadd.s32 s3, s31  }
0x1a8: {  	[tilespmem:s1], [sflag:$0x1] =	stream.linear.gather [hbm4b:s0+s2], $0x80, $0x38;
	[tilespmem:$0x18080] =	vst v63  }
0x1a9: {  	s0 =	sadd.s32 $0x4780, s29;
	s1 =	sadd.s32 s4, s31  }
0x1aa: {  	[tilespmem:s9], [sflag:$0x1] =	stream.linear.gather [hbm4b:s10+s2], $0x80, $0x38;
	[tilespmem:$0x18080] =	vst v63  }
0x1ab: {  	s9 =	sadd.s32 $0x8780, s29;
	s10 =	sadd.s32 s5, s31  }
0x1ac: {  	[tilespmem:s0], [sflag:$0x1] =	stream.linear.gather [hbm4b:s1+s2], $0x80, $0x38;
	[tilespmem:$0x18080] =	vst v63  }
0x1ad: {  	s0 =	sadd.s32 $0xC780, s29;
	s1 =	sadd.s32 s6, s31  }
0x1ae: {  	[tilespmem:s9], [sflag:$0x1] =	stream.linear.gather [hbm4b:s10+s2], $0x80, $0x38;
	[tilespmem:$0x18080] =	vst v63  }
0x1af: {  	s9 =	sadd.s32 $0x10780, s29;
	s10 =	sadd.s32 s7, s31  }
0x1b0: {  	[tilespmem:s0], [sflag:$0x1] =	stream.linear.gather [hbm4b:s1+s2], $0x80, $0x38;
	[tilespmem:$0x18080] =	vst v63  }
0x1b1: {  	s0 =	sadd.s32 $0x14780, s29;
	s1 =	sadd.s32 s8, s31  }
0x1b2: {  	[tilespmem:s9], [sflag:$0x1] =	stream.linear.gather [hbm4b:s10+s2], $0x80, $0x38;
	[tilespmem:$0x18080] =	vst v63  }
0x1b3: {  	s9 =	sadd.s32 $0x800, s29;
	s10 =	sadd.s32 s3, s30  }
0x1b4: {  	[tilespmem:s0], [sflag:$0x1] =	stream.linear.gather [hbm4b:s1+s2], $0x80, $0x38;
	[tilespmem:$0x18080] =	vst v63  }
0x1b5: {  	s0 =	sadd.s32 $0x4800, s29;
	s1 =	sadd.s32 s4, s30  }
0x1b6: {  	[tilespmem:s9], [sflag:$0x1] =	stream.linear.gather [hbm4b:s10+s2], $0x80, $0x38;
	[tilespmem:$0x18080] =	vst v63  }
0x1b7: {  	s9 =	sadd.s32 $0x8800, s29;
	s10 =	sadd.s32 s5, s30  }
0x1b8: {  	[tilespmem:s0], [sflag:$0x1] =	stream.linear.gather [hbm4b:s1+s2], $0x80, $0x38;
	[tilespmem:$0x18080] =	vst v63  }
.Ltmp0:
0x1b9: {  	s11 =	sadd.s32 s6, s30;
	s1 =	sadd.s32 $0xC800, s29;
	(pc) =	sbr.rel @p0 .LBB2_2-.Ltmp0, $4  }
0x1ba: {  	[tilespmem:s9], [sflag:$0x1] =	stream.linear.gather [hbm4b:s10+s2], $0x80, $0x38;
	[tilespmem:$0x18080] =	vst v63  }
0x1bb: {  	s19 =	sadd.s32 s7, s30;
	s0 =	sadd.s32 $0x10800, s29  }
0x1bc: {  	[tilespmem:s1], [sflag:$0x1] =	stream.linear.gather [hbm4b:s11+s2], $0x80, $0x38;
	[tilespmem:$0x18080] =	vst v63  }
0x1bd: {  	s28 =	sadd.s32 $0x10, s28;
	s20 =	sadd.s32 s8, s30;
	s1 =	sadd.s32 $0x14800, s29  }
0x1be: {  	[tilespmem:s0], [sflag:$0x1] =	stream.linear.gather [hbm4b:s19+s2], $0x80, $0x38;
	[tilespmem:$0x18080] =	vst v63  }
0x1bf: {  	_ = 	snop  }
0x1c0: {  	[tilespmem:s1], [sflag:$0x1] =	stream.linear.gather [hbm4b:s20+s2], $0x80, $0x38;
	[tilespmem:$0x18080] =	vst v63  }
0x1c1: {  	_ =	swait.ge [sflag:s18], $0x4000  }
0x1c2: {  	[sflag:s18] =	ssyncset.done $0x0  }
0x1c3: {  	[sflag:s18] =	ssyncadd.s32 $0xFFFFC000  }
0x1c4: {  	_ =	swait.ge [sflag:s18], $0x4000  }
0x1c5: {  	[sflag:s18] =	ssyncset.done $0x0  }
0x1c6: {  	[sflag:s18] =	ssyncadd.s32 $0xFFFFC000  }
0x1c7: {  	_ =	swait.ge [sflag:s18], $0x4000  }
0x1c8: {  	[sflag:s18] =	ssyncset.done $0x0  }
0x1c9: {  	[sflag:s18] =	ssyncadd.s32 $0xFFFFC000  }
0x1ca: {  	_ =	swait.ge [sflag:s18], $0x4000  }
0x1cb: {  	[sflag:s18] =	ssyncset.done $0x0  }
0x1cc: {  	[sflag:s18] =	ssyncadd.s32 $0xFFFFC000  }
0x1cd: {  	_ =	swait.ge [sflag:s18], $0x4000  }
0x1ce: {  	[sflag:s18] =	ssyncset.done $0x0  }
0x1cf: {  	[sflag:s18] =	ssyncadd.s32 $0xFFFFC000  }
0x1d0: {  	_ =	swait.ge [sflag:s18], $0x4000  }
0x1d1: {  	[sflag:s18] =	ssyncset.done $0x0  }
0x1d2: {  	s22 =	simm.s32 $0x80;
	s21 =	rddreg [dreg:$0x3];
	[sflag:s18] =	ssyncadd.s32 $0xFFFFC000  }
0x1d3: {  	[hbm4b:s21+s2] =	stream.linear.scatter [tilespmem:s22], [sflag:$0x2], $0x4000, $0x38;
	[tilespmem:$0x18080] =	vst v63  }
0x1d4: {  	_ =	swait.ge [sflag:s17], $0x4000  }
0x1d5: {  	[sflag:s17] =	ssyncset.done $0x0  }
0x1d6: {  	s24 =	simm.s32 $0x4080;
	s23 =	rddreg [dreg:$0x4];
	[sflag:s17] =	ssyncadd.s32 $0xFFFFC000  }
0x1d7: {  	[hbm4b:s23+s2] =	stream.linear.scatter [tilespmem:s24], [sflag:$0x2], $0x4000, $0x38;
	[tilespmem:$0x18080] =	vst v63  }
0x1d8: {  	_ =	swait.ge [sflag:s17], $0x4000  }
0x1d9: {  	[sflag:s17] =	ssyncset.done $0x0  }
0x1da: {  	s28 =	simm.s32 $0x8080;
	s26 =	rddreg [dreg:$0x5];
	[sflag:s17] =	ssyncadd.s32 $0xFFFFC000  }
0x1db: {  	[hbm4b:s26+s2] =	stream.linear.scatter [tilespmem:s28], [sflag:$0x2], $0x4000, $0x38;
	[tilespmem:$0x18080] =	vst v63  }
0x1dc: {  	_ =	swait.ge [sflag:s17], $0x4000  }
0x1dd: {  	[sflag:s17] =	ssyncset.done $0x0  }
0x1de: {  	s29 =	simm.s32 $0xC080;
	[sflag:s17] =	ssyncadd.s32 $0xFFFFC000  }
0x1df: {  	[hbm4b:s12+s2] =	stream.linear.scatter [tilespmem:s29], [sflag:$0x2], $0x4000, $0x38;
	[tilespmem:$0x18080] =	vst v63  }
0x1e0: {  	_ =	swait.ge [sflag:s17], $0x4000  }
0x1e1: {  	[sflag:s17] =	ssyncset.done $0x0  }
0x1e2: {  	s30 =	simm.s32 $0x10080;
	[sflag:s17] =	ssyncadd.s32 $0xFFFFC000  }
0x1e3: {  	[hbm4b:s13+s2] =	stream.linear.scatter [tilespmem:s30], [sflag:$0x2], $0x4000, $0x38;
	[tilespmem:$0x18080] =	vst v63  }
0x1e4: {  	s25 =	sadd.s32 $0x1, s25;
	_ =	swait.ge [sflag:s17], $0x4000  }
0x1e5: {  	p0 =	sne.s32 s25, s16;
	[sflag:s17] =	ssyncset.done $0x0  }
.Ltmp1:
0x1e6: {  	s31 =	simm.s32 $0x14080;
	[sflag:s17] =	ssyncadd.s32 $0xFFFFC000;
	(pc) =	sbr.rel @p0 .LBB2_1-.Ltmp1, $4  }
0x1e7: {  	[hbm4b:s15+s2] =	stream.linear.scatter [tilespmem:s31], [sflag:$0x2], $0x4000, $0x38;
	[tilespmem:$0x18080] =	vst v63  }
0x1e8: {  	_ =	swait.ge [sflag:s17], $0x4000  }
0x1e9: {  	[sflag:s17] =	ssyncset.done $0x0  }
0x1ea: {  	[sflag:s17] =	ssyncadd.s32 $0xFFFFC000  }
0x1eb: {  	_ =	sfence.sel $0x180000  }
0x1ec: {  	[bflag:$0x0] =	sbarrier.arrive $0xFFFF  }
0x1ed: {  	_ =	strace $0x90000047  }
0x1ee: {  	s0 =	stileid.u32;
	[bflag:$0x2] =	sbarrier.arrive $0xFFFF  }
0x1ef: {  	p0 =	sne.s32 s0, $0x0;
	s0 =	rddreg [dreg:$0x2]  }
0x1f0: {  	s0 =	sadd.s32 @!p0 $0x100000, s0  }
0x1f1: {  	[sflag:s0] =	ssyncadd.tile.s32 @!p0 $0x1;
	_ =	shalt  }
.Lfunc_end2:
_tile_overlayer_lowered:
.L_overlay_start_2:
0x1f2: {  	(tag) =	ssettag $0x2  }
0x1f3: {  	s0 =	rddreg [dreg:$0x0];
	s2 =	stileid.u32  }
0x1f4: {  	s1 =	rddreg [dreg:$0x1];
	p0 =	sne.s32 s2, $0x0  }
0x1f5: {  	s3 =	rddreg [dreg:$0x2];
	[bflag:$0x3] =	sbarrier.arrive $0xFFFF;
	s2 =	simm.s32 @!p0 $0x1C02  }
0x1f6: {  	[timem:s3], [sflag:s2] =	dma.local @!p0 [hbm:s0], s1  }
0x1f7: {  	s0 =	simm.s32 @!p0 $0x2  }
0x1f8: {  	_ =	swait.ge @!p0 [sflag:s0], s1  }
0x1f9: {  	s1 =	ssub.s32 @!p0 $0x0, s1;
	[sflag:s0] =	ssyncset.done @!p0 $0x0  }
0x1fa: {  	[sflag:s0] =	ssyncadd.s32 @!p0 s1  }
0x1fb: {  	[bflag:$0x3] =	sbarrier.arrive $0xFFFF  }
0x1fc: {  	_ =	shalt  }

</sc_bundles>
